<compile_context>
chip_gen: v7x
topology: tpu7x:2x2x1
jax: 0.10.2.dev20260603
libtpu: 0.0.44.dev20260713+nightly
codegen_flags: <defaults>
</compile_context>

<pallas_src>
import jax
import jax.numpy as jnp
from jax import lax
from jax.experimental import pallas as pl
from jax.experimental.pallas import tpu as pltpu
from jax.experimental.pallas import tpu_sc as plsc

N_NODES = 10000
N_EDGES = 160000
D_NODE = 256
D_EDGE = 16
D_OUT = 256

NP = 10240
EP = 163840
EB = 64
HALF = 128
TAW = 128
STRIPE = NP // 16
BR = 512
NB = 8
CH = NB * EB
NBUF = 4


def _sc_body(xcat, srcs2, dst2, eap, z128,
             s_out, t_out,
             acc, src_ch, dst_ch, rows0, rows1, rows2, rows3,
             sg0, sg1, sg2, sg3):
    c = lax.axis_index("c")
    s = lax.axis_index("s")
    rs = s * STRIPE

    bufs = (rows0, rows1, rows2, rows3)
    sgs = (sg0, sg1, sg2, sg3)

    def zero_acc():
        pltpu.sync_copy(z128, rows0)
        for r in range(STRIPE // EB):
            pltpu.sync_copy(rows0, acc.at[pl.ds(rs + r * EB, EB)])

    def writeout(dst_hbm):
        for r in range(STRIPE // EB):
            pltpu.sync_copy(acc.at[pl.ds(rs + r * EB, EB)], rows0)
            pltpu.sync_copy(rows0, dst_hbm.at[pl.ds(c * NP + rs + r * EB, EB)])

    def ring(load_src, drow_fn, stage_src_idx):
        def chunk(ch, carry):
            if stage_src_idx:
                srow = pl.multiple_of(
                    (c * EP + s * (EP // 16)) // EB + ch * NB, 8)
                pltpu.sync_copy(srcs2.at[pl.ds(srow, NB)], src_ch)
            pltpu.sync_copy(dst2.at[pl.ds(drow_fn(ch), NB)], dst_ch)
            gcp = {}
            for k in range(NBUF - 1):
                gcp[k] = pltpu.async_copy(load_src(ch, k), bufs[k], sgs[k])
            for j in range(NB):
                gcp[j].wait()
                nj = j + NBUF - 1
                if nj < NB:
                    ns = nj % NBUF
                    gcp[nj] = pltpu.async_copy(load_src(ch, nj),
                                               bufs[ns], sgs[ns])
                pltpu.sync_copy(bufs[j % NBUF], acc.at[dst_ch.at[j]], add=True)
            return carry
        return chunk

    zero_acc()
    plsc.subcore_barrier()
    s_chunk = ring(
        lambda ch, j: xcat.at[src_ch.at[j]],
        lambda ch: pl.multiple_of((s * (EP // 16)) // EB + ch * NB, 8),
        stage_src_idx=True)
    lax.fori_loop(0, EP // 16 // CH, s_chunk, 0)
    plsc.subcore_barrier()
    writeout(s_out)

    zero_acc()
    plsc.subcore_barrier()
    t_chunk = ring(
        lambda ch, j: eap.at[pl.ds(pl.multiple_of(
            c * (EP // 2) + s * (EP // 32) + ch * CH + j * EB, 8), EB)],
        lambda ch: pl.multiple_of(
            (c * (EP // 2) + s * (EP // 32)) // EB + ch * NB, 8),
        stage_src_idx=False)
    lax.fori_loop(0, EP // 32 // CH, t_chunk, 0)
    plsc.subcore_barrier()
    writeout(t_out)


_sc_call = pl.kernel(
    _sc_body,
    out_type=(jax.ShapeDtypeStruct((2 * NP, HALF), jnp.float32),
              jax.ShapeDtypeStruct((2 * NP, TAW), jnp.float32)),
    mesh=plsc.VectorSubcoreMesh(core_axis_name="c", subcore_axis_name="s"),
    scratch_types=[
        pltpu.VMEM_SHARED((NP, HALF), jnp.float32),
        pltpu.VMEM((NB, EB), jnp.int32),
        pltpu.VMEM((NB, EB), jnp.int32),
        pltpu.VMEM((EB, HALF), jnp.float32),
        pltpu.VMEM((EB, HALF), jnp.float32),
        pltpu.VMEM((EB, HALF), jnp.float32),
        pltpu.VMEM((EB, HALF), jnp.float32),
        pltpu.SemaphoreType.DMA,
        pltpu.SemaphoreType.DMA,
        pltpu.SemaphoreType.DMA,
        pltpu.SemaphoreType.DMA,
    ],
)


def _tc_body(s0_ref, s1_ref, t0_ref, t1_ref, a_ref, o_ref):
    a = a_ref[...]
    taug = t0_ref[...] + t1_ref[...]
    acc = jnp.dot(s0_ref[...], a[0:HALF], preferred_element_type=jnp.float32)
    acc += jnp.dot(s1_ref[...], a[HALF:2 * HALF],
                   preferred_element_type=jnp.float32)
    acc += jnp.dot(taug, a[2 * HALF:], preferred_element_type=jnp.float32)
    cnt = taug[:, D_EDGE:D_EDGE + 1]
    o_ref[...] = jnp.maximum(acc / jnp.maximum(cnt, 1.0), 0.0)


_tc_call = pl.pallas_call(
    _tc_body,
    grid=(NP // BR,),
    in_specs=[
        pl.BlockSpec((BR, HALF), lambda i: (i, 0)),
        pl.BlockSpec((BR, HALF), lambda i: (i + NP // BR, 0)),
        pl.BlockSpec((BR, TAW), lambda i: (i, 0)),
        pl.BlockSpec((BR, TAW), lambda i: (i + NP // BR, 0)),
        pl.BlockSpec((2 * HALF + TAW, D_OUT), lambda i: (0, 0)),
    ],
    out_specs=pl.BlockSpec((BR, D_OUT), lambda i: (i, 0)),
    out_shape=jax.ShapeDtypeStruct((NP, D_OUT), jnp.float32),
)


def kernel(x, edge_index, edge_attr, W, b):
    src = edge_index[0]
    dst = edge_index[1]
    pad_e = EP - N_EDGES
    src_p = jnp.concatenate([src, jnp.zeros((pad_e,), jnp.int32)])
    dst_p = jnp.concatenate([dst, jnp.full((pad_e,), N_NODES, jnp.int32)])
    srcs = jnp.concatenate([src_p, src_p + N_NODES])
    xcat = jnp.concatenate([x[:, :HALF], x[:, HALF:]], axis=0)
    ea_p = jnp.concatenate([
        jnp.concatenate([edge_attr,
                         jnp.ones((N_EDGES, 1), jnp.float32),
                         jnp.zeros((N_EDGES, TAW - 17), jnp.float32)], axis=1),
        jnp.zeros((pad_e, TAW), jnp.float32)], axis=0)
    z128 = jnp.zeros((EB, HALF), jnp.float32)

    s_out, t_out = _sc_call(xcat, srcs.reshape(-1, EB),
                            dst_p.reshape(-1, EB), ea_p, z128)

    a_full = jnp.concatenate(
        [W.T, b[None, :], jnp.zeros((TAW - 17, D_OUT), jnp.float32)], axis=0)
    out = _tc_call(s_out, s_out, t_out, t_out, a_full)
    return out[:N_NODES]

# --- scband reference (transcript-rebuilt; emitter-appended) ---
"""Pipeline reference for scband-artemisbaseline-81853486727373 (READ-ONLY COPY).

The authoritative reference and input builder live on the scoring server;
editing this copy changes nothing except your own understanding.
"""

import jax, jax.numpy as jnp
import numpy as np

N = 10000
E = 160000
D_NODE = 256
D_EDGE = 16
D_OUT = 256

def setup_inputs(seed: int = 0) -> dict:
    key = jax.random.key(seed)
    k1, k2, k3, k4, k5 = jax.random.split(key, 5)
    x = jax.random.normal(k1, (N, D_NODE), dtype=jnp.float32)
    edge_index = jax.random.randint(k2, (2, E), 0, N, dtype=jnp.int32)
    edge_attr = jax.random.normal(k3, (E, D_EDGE), dtype=jnp.float32)
    fan_in = D_NODE + D_EDGE
    bound = 1.0 / np.sqrt(fan_in)
    W = jax.random.uniform(k4, (D_OUT, fan_in), dtype=jnp.float32, minval=-bound, maxval=bound)
    b = jax.random.uniform(k5, (D_OUT,), dtype=jnp.float32, minval=-bound, maxval=bound)
    return {"x": x, "edge_index": edge_index, "edge_attr": edge_attr, "W": W, "b": b}

def reference(x, edge_index, edge_attr, W, b):
    # message: lin(cat([x_j, edge_attr])) where x_j = x[src]
    src = edge_index[0]
    dst = edge_index[1]
    x_j = jnp.take(x, src, axis=0)                       # gather [E, D_NODE]
    msg_in = jnp.concatenate([x_j, edge_attr], axis=-1)  # [E, D_NODE+D_EDGE]
    msg = msg_in @ W.T + b                               # [E, D_OUT]
    # mean aggregation over destination nodes (PyG scatter_mean semantics)
    num_nodes = x.shape[0]
    summed = jax.ops.segment_sum(msg, dst, num_segments=num_nodes)
    cnt = jax.ops.segment_sum(jnp.ones((msg.shape[0],), dtype=msg.dtype), dst, num_segments=num_nodes)
    aggr = summed / jnp.clip(cnt, 1.0)[:, None]
    # update: relu
    return jax.nn.relu(aggr)

if __name__ == "__main__":
    import jax
    _d = setup_inputs()
    print(jax.jit(kernel)(*tuple(_d.values())))

</pallas_src>

<mosaic_0001>
#map = affine_map<(d0, d1) -> (0, 0)>
module attributes {stable_mosaic.version = 14 : i64} {
  func.func @_sc_body(%arg0: i32, %arg1: i32, %arg2: memref<20000x128xf32, #tpu.memory_space<hbm>>, %arg3: memref<5120x64xi32, #tpu.memory_space<hbm>>, %arg4: memref<2560x64xi32, #tpu.memory_space<hbm>>, %arg5: memref<163840x128xf32, #tpu.memory_space<hbm>>, %arg6: memref<64x128xf32, #tpu.memory_space<hbm>>, %arg7: memref<20480x128xf32, #tpu.memory_space<hbm>>, %arg8: memref<20480x128xf32, #tpu.memory_space<hbm>>, %arg9: memref<10240x128xf32, #tpu.memory_space<vmem_shared>>, %arg10: memref<8x64xi32, #tpu.memory_space<vmem>>, %arg11: memref<8x64xi32, #tpu.memory_space<vmem>>, %arg12: memref<64x128xf32, #tpu.memory_space<vmem>>, %arg13: memref<64x128xf32, #tpu.memory_space<vmem>>, %arg14: memref<64x128xf32, #tpu.memory_space<vmem>>, %arg15: memref<64x128xf32, #tpu.memory_space<vmem>>, %arg16: memref<!tpu.dma_semaphore, #tpu.memory_space<semaphore_mem>>, %arg17: memref<!tpu.dma_semaphore, #tpu.memory_space<semaphore_mem>>, %arg18: memref<!tpu.dma_semaphore, #tpu.memory_space<semaphore_mem>>, %arg19: memref<!tpu.dma_semaphore, #tpu.memory_space<semaphore_mem>>) attributes {dimension_semantics = [#tpu.dimension_semantics<core_parallel>, #tpu.dimension_semantics<subcore_parallel>], iteration_bounds = array<i64: 2, 16>, scalar_prefetch = 0 : i64, scratch_operands = 11 : i64, tpu.core_type = #tpu.core_type<sc_vector_subcore>, window_params = [{transform_indices = #map}, {transform_indices = #map}, {transform_indices = #map}, {transform_indices = #map}, {transform_indices = #map}, {transform_indices = #map}, {transform_indices = #map}]} {
    %mul3A = arith.constant 640 : i32
    %mul3A_0 = arith.muli %arg1, %mul3A : i32
    "tpu.region"() ({
      %run_scoped3A = tpu.sem_alloc : memref<!tpu.dma_semaphore, #tpu.memory_space<semaphore_mem>>
      tpu.enqueue_dma source(%arg6 : memref<64x128xf32, #tpu.memory_space<hbm>>) target(%arg12 : memref<64x128xf32, #tpu.memory_space<vmem>>) target_semaphore(%run_scoped3A : memref<!tpu.dma_semaphore, #tpu.memory_space<semaphore_mem>>)
      tpu.wait_dma2 semaphore(%run_scoped3A : memref<!tpu.dma_semaphore, #tpu.memory_space<semaphore_mem>>) src(%arg6 : memref<64x128xf32, #tpu.memory_space<hbm>>) dst(%arg12 : memref<64x128xf32, #tpu.memory_space<vmem>>)
      tpu.yield
    }) : () -> ()
    %add3A = arith.constant 0 : i32
    %add3A_1 = arith.addi %mul3A_0, %add3A : i32
    "tpu.region"() ({
      %run_scoped3A = tpu.sem_alloc : memref<!tpu.dma_semaphore, #tpu.memory_space<semaphore_mem>>
      %dma_start3A = arith.constant 0 : i32
      %dma_start3A_194 = tpu.memref_slice %arg9[%add3A_1, %dma_start3A] : memref<10240x128xf32, #tpu.memory_space<vmem_shared>> -> memref<64x128xf32, #tpu.memory_space<vmem_shared>>
      %dma_start3A_195 = arith.constant 0 : i32
      %dma_start3A_196 = tpu.memref_slice %arg9[%add3A_1, %dma_start3A_195] : memref<10240x128xf32, #tpu.memory_space<vmem_shared>> -> memref<64x128xf32, #tpu.memory_space<vmem_shared>>
      tpu.enqueue_dma source(%arg12 : memref<64x128xf32, #tpu.memory_space<vmem>>) target(%dma_start3A_196 : memref<64x128xf32, #tpu.memory_space<vmem_shared>>) target_semaphore(%run_scoped3A : memref<!tpu.dma_semaphore, #tpu.memory_space<semaphore_mem>>)
      %dma_wait3A = arith.constant 0 : i32
      %dma_wait3A_197 = tpu.memref_slice %arg9[%add3A_1, %dma_wait3A] : memref<10240x128xf32, #tpu.memory_space<vmem_shared>> -> memref<64x128xf32, #tpu.memory_space<vmem_shared>>
      %dma_wait3A_198 = arith.constant 0 : i32
      %dma_wait3A_199 = tpu.memref_slice %arg9[%add3A_1, %dma_wait3A_198] : memref<10240x128xf32, #tpu.memory_space<vmem_shared>> -> memref<64x128xf32, #tpu.memory_space<vmem_shared>>
      tpu.wait_dma2 semaphore(%run_scoped3A : memref<!tpu.dma_semaphore, #tpu.memory_space<semaphore_mem>>) src(%arg12 : memref<64x128xf32, #tpu.memory_space<vmem>>) dst(%dma_wait3A_199 : memref<64x128xf32, #tpu.memory_space<vmem_shared>>)
      tpu.yield
    }) : () -> ()
    %add3A_2 = arith.constant 64 : i32
    %add3A_3 = arith.addi %mul3A_0, %add3A_2 : i32
    "tpu.region"() ({
      %run_scoped3A = tpu.sem_alloc : memref<!tpu.dma_semaphore, #tpu.memory_space<semaphore_mem>>
      %dma_start3A = arith.constant 0 : i32
      %dma_start3A_194 = tpu.memref_slice %arg9[%add3A_3, %dma_start3A] : memref<10240x128xf32, #tpu.memory_space<vmem_shared>> -> memref<64x128xf32, #tpu.memory_space<vmem_shared>>
      %dma_start3A_195 = arith.constant 0 : i32
      %dma_start3A_196 = tpu.memref_slice %arg9[%add3A_3, %dma_start3A_195] : memref<10240x128xf32, #tpu.memory_space<vmem_shared>> -> memref<64x128xf32, #tpu.memory_space<vmem_shared>>
      tpu.enqueue_dma source(%arg12 : memref<64x128xf32, #tpu.memory_space<vmem>>) target(%dma_start3A_196 : memref<64x128xf32, #tpu.memory_space<vmem_shared>>) target_semaphore(%run_scoped3A : memref<!tpu.dma_semaphore, #tpu.memory_space<semaphore_mem>>)
      %dma_wait3A = arith.constant 0 : i32
      %dma_wait3A_197 = tpu.memref_slice %arg9[%add3A_3, %dma_wait3A] : memref<10240x128xf32, #tpu.memory_space<vmem_shared>> -> memref<64x128xf32, #tpu.memory_space<vmem_shared>>
      %dma_wait3A_198 = arith.constant 0 : i32
      %dma_wait3A_199 = tpu.memref_slice %arg9[%add3A_3, %dma_wait3A_198] : memref<10240x128xf32, #tpu.memory_space<vmem_shared>> -> memref<64x128xf32, #tpu.memory_space<vmem_shared>>
      tpu.wait_dma2 semaphore(%run_scoped3A : memref<!tpu.dma_semaphore, #tpu.memory_space<semaphore_mem>>) src(%arg12 : memref<64x128xf32, #tpu.memory_space<vmem>>) dst(%dma_wait3A_199 : memref<64x128xf32, #tpu.memory_space<vmem_shared>>)
      tpu.yield
    }) : () -> ()
    %add3A_4 = arith.constant 128 : i32
    %add3A_5 = arith.addi %mul3A_0, %add3A_4 : i32
    "tpu.region"() ({
      %run_scoped3A = tpu.sem_alloc : memref<!tpu.dma_semaphore, #tpu.memory_space<semaphore_mem>>
      %dma_start3A = arith.constant 0 : i32
      %dma_start3A_194 = tpu.memref_slice %arg9[%add3A_5, %dma_start3A] : memref<10240x128xf32, #tpu.memory_space<vmem_shared>> -> memref<64x128xf32, #tpu.memory_space<vmem_shared>>
      %dma_start3A_195 = arith.constant 0 : i32
      %dma_start3A_196 = tpu.memref_slice %arg9[%add3A_5, %dma_start3A_195] : memref<10240x128xf32, #tpu.memory_space<vmem_shared>> -> memref<64x128xf32, #tpu.memory_space<vmem_shared>>
      tpu.enqueue_dma source(%arg12 : memref<64x128xf32, #tpu.memory_space<vmem>>) target(%dma_start3A_196 : memref<64x128xf32, #tpu.memory_space<vmem_shared>>) target_semaphore(%run_scoped3A : memref<!tpu.dma_semaphore, #tpu.memory_space<semaphore_mem>>)
      %dma_wait3A = arith.constant 0 : i32
      %dma_wait3A_197 = tpu.memref_slice %arg9[%add3A_5, %dma_wait3A] : memref<10240x128xf32, #tpu.memory_space<vmem_shared>> -> memref<64x128xf32, #tpu.memory_space<vmem_shared>>
      %dma_wait3A_198 = arith.constant 0 : i32
      %dma_wait3A_199 = tpu.memref_slice %arg9[%add3A_5, %dma_wait3A_198] : memref<10240x128xf32, #tpu.memory_space<vmem_shared>> -> memref<64x128xf32, #tpu.memory_space<vmem_shared>>
      tpu.wait_dma2 semaphore(%run_scoped3A : memref<!tpu.dma_semaphore, #tpu.memory_space<semaphore_mem>>) src(%arg12 : memref<64x128xf32, #tpu.memory_space<vmem>>) dst(%dma_wait3A_199 : memref<64x128xf32, #tpu.memory_space<vmem_shared>>)
      tpu.yield
    }) : () -> ()
    %add3A_6 = arith.constant 192 : i32
    %add3A_7 = arith.addi %mul3A_0, %add3A_6 : i32
    "tpu.region"() ({
      %run_scoped3A = tpu.sem_alloc : memref<!tpu.dma_semaphore, #tpu.memory_space<semaphore_mem>>
      %dma_start3A = arith.constant 0 : i32
      %dma_start3A_194 = tpu.memref_slice %arg9[%add3A_7, %dma_start3A] : memref<10240x128xf32, #tpu.memory_space<vmem_shared>> -> memref<64x128xf32, #tpu.memory_space<vmem_shared>>
      %dma_start3A_195 = arith.constant 0 : i32
      %dma_start3A_196 = tpu.memref_slice %arg9[%add3A_7, %dma_start3A_195] : memref<10240x128xf32, #tpu.memory_space<vmem_shared>> -> memref<64x128xf32, #tpu.memory_space<vmem_shared>>
      tpu.enqueue_dma source(%arg12 : memref<64x128xf32, #tpu.memory_space<vmem>>) target(%dma_start3A_196 : memref<64x128xf32, #tpu.memory_space<vmem_shared>>) target_semaphore(%run_scoped3A : memref<!tpu.dma_semaphore, #tpu.memory_space<semaphore_mem>>)
      %dma_wait3A = arith.constant 0 : i32
      %dma_wait3A_197 = tpu.memref_slice %arg9[%add3A_7, %dma_wait3A] : memref<10240x128xf32, #tpu.memory_space<vmem_shared>> -> memref<64x128xf32, #tpu.memory_space<vmem_shared>>
      %dma_wait3A_198 = arith.constant 0 : i32
      %dma_wait3A_199 = tpu.memref_slice %arg9[%add3A_7, %dma_wait3A_198] : memref<10240x128xf32, #tpu.memory_space<vmem_shared>> -> memref<64x128xf32, #tpu.memory_space<vmem_shared>>
      tpu.wait_dma2 semaphore(%run_scoped3A : memref<!tpu.dma_semaphore, #tpu.memory_space<semaphore_mem>>) src(%arg12 : memref<64x128xf32, #tpu.memory_space<vmem>>) dst(%dma_wait3A_199 : memref<64x128xf32, #tpu.memory_space<vmem_shared>>)
      tpu.yield
    }) : () -> ()
    %add3A_8 = arith.constant 256 : i32
    %add3A_9 = arith.addi %mul3A_0, %add3A_8 : i32
    "tpu.region"() ({
      %run_scoped3A = tpu.sem_alloc : memref<!tpu.dma_semaphore, #tpu.memory_space<semaphore_mem>>
      %dma_start3A = arith.constant 0 : i32
      %dma_start3A_194 = tpu.memref_slice %arg9[%add3A_9, %dma_start3A] : memref<10240x128xf32, #tpu.memory_space<vmem_shared>> -> memref<64x128xf32, #tpu.memory_space<vmem_shared>>
      %dma_start3A_195 = arith.constant 0 : i32
      %dma_start3A_196 = tpu.memref_slice %arg9[%add3A_9, %dma_start3A_195] : memref<10240x128xf32, #tpu.memory_space<vmem_shared>> -> memref<64x128xf32, #tpu.memory_space<vmem_shared>>
      tpu.enqueue_dma source(%arg12 : memref<64x128xf32, #tpu.memory_space<vmem>>) target(%dma_start3A_196 : memref<64x128xf32, #tpu.memory_space<vmem_shared>>) target_semaphore(%run_scoped3A : memref<!tpu.dma_semaphore, #tpu.memory_space<semaphore_mem>>)
      %dma_wait3A = arith.constant 0 : i32
      %dma_wait3A_197 = tpu.memref_slice %arg9[%add3A_9, %dma_wait3A] : memref<10240x128xf32, #tpu.memory_space<vmem_shared>> -> memref<64x128xf32, #tpu.memory_space<vmem_shared>>
      %dma_wait3A_198 = arith.constant 0 : i32
      %dma_wait3A_199 = tpu.memref_slice %arg9[%add3A_9, %dma_wait3A_198] : memref<10240x128xf32, #tpu.memory_space<vmem_shared>> -> memref<64x128xf32, #tpu.memory_space<vmem_shared>>
      tpu.wait_dma2 semaphore(%run_scoped3A : memref<!tpu.dma_semaphore, #tpu.memory_space<semaphore_mem>>) src(%arg12 : memref<64x128xf32, #tpu.memory_space<vmem>>) dst(%dma_wait3A_199 : memref<64x128xf32, #tpu.memory_space<vmem_shared>>)
      tpu.yield
    }) : () -> ()
    %add3A_10 = arith.constant 320 : i32
    %add3A_11 = arith.addi %mul3A_0, %add3A_10 : i32
    "tpu.region"() ({
      %run_scoped3A = tpu.sem_alloc : memref<!tpu.dma_semaphore, #tpu.memory_space<semaphore_mem>>
      %dma_start3A = arith.constant 0 : i32
      %dma_start3A_194 = tpu.memref_slice %arg9[%add3A_11, %dma_start3A] : memref<10240x128xf32, #tpu.memory_space<vmem_shared>> -> memref<64x128xf32, #tpu.memory_space<vmem_shared>>
      %dma_start3A_195 = arith.constant 0 : i32
      %dma_start3A_196 = tpu.memref_slice %arg9[%add3A_11, %dma_start3A_195] : memref<10240x128xf32, #tpu.memory_space<vmem_shared>> -> memref<64x128xf32, #tpu.memory_space<vmem_shared>>
      tpu.enqueue_dma source(%arg12 : memref<64x128xf32, #tpu.memory_space<vmem>>) target(%dma_start3A_196 : memref<64x128xf32, #tpu.memory_space<vmem_shared>>) target_semaphore(%run_scoped3A : memref<!tpu.dma_semaphore, #tpu.memory_space<semaphore_mem>>)
      %dma_wait3A = arith.constant 0 : i32
      %dma_wait3A_197 = tpu.memref_slice %arg9[%add3A_11, %dma_wait3A] : memref<10240x128xf32, #tpu.memory_space<vmem_shared>> -> memref<64x128xf32, #tpu.memory_space<vmem_shared>>
      %dma_wait3A_198 = arith.constant 0 : i32
      %dma_wait3A_199 = tpu.memref_slice %arg9[%add3A_11, %dma_wait3A_198] : memref<10240x128xf32, #tpu.memory_space<vmem_shared>> -> memref<64x128xf32, #tpu.memory_space<vmem_shared>>
      tpu.wait_dma2 semaphore(%run_scoped3A : memref<!tpu.dma_semaphore, #tpu.memory_space<semaphore_mem>>) src(%arg12 : memref<64x128xf32, #tpu.memory_space<vmem>>) dst(%dma_wait3A_199 : memref<64x128xf32, #tpu.memory_space<vmem_shared>>)
      tpu.yield
    }) : () -> ()
    %add3A_12 = arith.constant 384 : i32
    %add3A_13 = arith.addi %mul3A_0, %add3A_12 : i32
    "tpu.region"() ({
      %run_scoped3A = tpu.sem_alloc : memref<!tpu.dma_semaphore, #tpu.memory_space<semaphore_mem>>
      %dma_start3A = arith.constant 0 : i32
      %dma_start3A_194 = tpu.memref_slice %arg9[%add3A_13, %dma_start3A] : memref<10240x128xf32, #tpu.memory_space<vmem_shared>> -> memref<64x128xf32, #tpu.memory_space<vmem_shared>>
      %dma_start3A_195 = arith.constant 0 : i32
      %dma_start3A_196 = tpu.memref_slice %arg9[%add3A_13, %dma_start3A_195] : memref<10240x128xf32, #tpu.memory_space<vmem_shared>> -> memref<64x128xf32, #tpu.memory_space<vmem_shared>>
      tpu.enqueue_dma source(%arg12 : memref<64x128xf32, #tpu.memory_space<vmem>>) target(%dma_start3A_196 : memref<64x128xf32, #tpu.memory_space<vmem_shared>>) target_semaphore(%run_scoped3A : memref<!tpu.dma_semaphore, #tpu.memory_space<semaphore_mem>>)
      %dma_wait3A = arith.constant 0 : i32
      %dma_wait3A_197 = tpu.memref_slice %arg9[%add3A_13, %dma_wait3A] : memref<10240x128xf32, #tpu.memory_space<vmem_shared>> -> memref<64x128xf32, #tpu.memory_space<vmem_shared>>
      %dma_wait3A_198 = arith.constant 0 : i32
      %dma_wait3A_199 = tpu.memref_slice %arg9[%add3A_13, %dma_wait3A_198] : memref<10240x128xf32, #tpu.memory_space<vmem_shared>> -> memref<64x128xf32, #tpu.memory_space<vmem_shared>>
      tpu.wait_dma2 semaphore(%run_scoped3A : memref<!tpu.dma_semaphore, #tpu.memory_space<semaphore_mem>>) src(%arg12 : memref<64x128xf32, #tpu.memory_space<vmem>>) dst(%dma_wait3A_199 : memref<64x128xf32, #tpu.memory_space<vmem_shared>>)
      tpu.yield
    }) : () -> ()
    %add3A_14 = arith.constant 448 : i32
    %add3A_15 = arith.addi %mul3A_0, %add3A_14 : i32
    "tpu.region"() ({
      %run_scoped3A = tpu.sem_alloc : memref<!tpu.dma_semaphore, #tpu.memory_space<semaphore_mem>>
      %dma_start3A = arith.constant 0 : i32
      %dma_start3A_194 = tpu.memref_slice %arg9[%add3A_15, %dma_start3A] : memref<10240x128xf32, #tpu.memory_space<vmem_shared>> -> memref<64x128xf32, #tpu.memory_space<vmem_shared>>
      %dma_start3A_195 = arith.constant 0 : i32
      %dma_start3A_196 = tpu.memref_slice %arg9[%add3A_15, %dma_start3A_195] : memref<10240x128xf32, #tpu.memory_space<vmem_shared>> -> memref<64x128xf32, #tpu.memory_space<vmem_shared>>
      tpu.enqueue_dma source(%arg12 : memref<64x128xf32, #tpu.memory_space<vmem>>) target(%dma_start3A_196 : memref<64x128xf32, #tpu.memory_space<vmem_shared>>) target_semaphore(%run_scoped3A : memref<!tpu.dma_semaphore, #tpu.memory_space<semaphore_mem>>)
      %dma_wait3A = arith.constant 0 : i32
      %dma_wait3A_197 = tpu.memref_slice %arg9[%add3A_15, %dma_wait3A] : memref<10240x128xf32, #tpu.memory_space<vmem_shared>> -> memref<64x128xf32, #tpu.memory_space<vmem_shared>>
      %dma_wait3A_198 = arith.constant 0 : i32
      %dma_wait3A_199 = tpu.memref_slice %arg9[%add3A_15, %dma_wait3A_198] : memref<10240x128xf32, #tpu.memory_space<vmem_shared>> -> memref<64x128xf32, #tpu.memory_space<vmem_shared>>
      tpu.wait_dma2 semaphore(%run_scoped3A : memref<!tpu.dma_semaphore, #tpu.memory_space<semaphore_mem>>) src(%arg12 : memref<64x128xf32, #tpu.memory_space<vmem>>) dst(%dma_wait3A_199 : memref<64x128xf32, #tpu.memory_space<vmem_shared>>)
      tpu.yield
    }) : () -> ()
    %add3A_16 = arith.constant 512 : i32
    %add3A_17 = arith.addi %mul3A_0, %add3A_16 : i32
    "tpu.region"() ({
      %run_scoped3A = tpu.sem_alloc : memref<!tpu.dma_semaphore, #tpu.memory_space<semaphore_mem>>
      %dma_start3A = arith.constant 0 : i32
      %dma_start3A_194 = tpu.memref_slice %arg9[%add3A_17, %dma_start3A] : memref<10240x128xf32, #tpu.memory_space<vmem_shared>> -> memref<64x128xf32, #tpu.memory_space<vmem_shared>>
      %dma_start3A_195 = arith.constant 0 : i32
      %dma_start3A_196 = tpu.memref_slice %arg9[%add3A_17, %dma_start3A_195] : memref<10240x128xf32, #tpu.memory_space<vmem_shared>> -> memref<64x128xf32, #tpu.memory_space<vmem_shared>>
      tpu.enqueue_dma source(%arg12 : memref<64x128xf32, #tpu.memory_space<vmem>>) target(%dma_start3A_196 : memref<64x128xf32, #tpu.memory_space<vmem_shared>>) target_semaphore(%run_scoped3A : memref<!tpu.dma_semaphore, #tpu.memory_space<semaphore_mem>>)
      %dma_wait3A = arith.constant 0 : i32
      %dma_wait3A_197 = tpu.memref_slice %arg9[%add3A_17, %dma_wait3A] : memref<10240x128xf32, #tpu.memory_space<vmem_shared>> -> memref<64x128xf32, #tpu.memory_space<vmem_shared>>
      %dma_wait3A_198 = arith.constant 0 : i32
      %dma_wait3A_199 = tpu.memref_slice %arg9[%add3A_17, %dma_wait3A_198] : memref<10240x128xf32, #tpu.memory_space<vmem_shared>> -> memref<64x128xf32, #tpu.memory_space<vmem_shared>>
      tpu.wait_dma2 semaphore(%run_scoped3A : memref<!tpu.dma_semaphore, #tpu.memory_space<semaphore_mem>>) src(%arg12 : memref<64x128xf32, #tpu.memory_space<vmem>>) dst(%dma_wait3A_199 : memref<64x128xf32, #tpu.memory_space<vmem_shared>>)
      tpu.yield
    }) : () -> ()
    %add3A_18 = arith.constant 576 : i32
    %add3A_19 = arith.addi %mul3A_0, %add3A_18 : i32
    "tpu.region"() ({
      %run_scoped3A = tpu.sem_alloc : memref<!tpu.dma_semaphore, #tpu.memory_space<semaphore_mem>>
      %dma_start3A = arith.constant 0 : i32
      %dma_start3A_194 = tpu.memref_slice %arg9[%add3A_19, %dma_start3A] : memref<10240x128xf32, #tpu.memory_space<vmem_shared>> -> memref<64x128xf32, #tpu.memory_space<vmem_shared>>
      %dma_start3A_195 = arith.constant 0 : i32
      %dma_start3A_196 = tpu.memref_slice %arg9[%add3A_19, %dma_start3A_195] : memref<10240x128xf32, #tpu.memory_space<vmem_shared>> -> memref<64x128xf32, #tpu.memory_space<vmem_shared>>
      tpu.enqueue_dma source(%arg12 : memref<64x128xf32, #tpu.memory_space<vmem>>) target(%dma_start3A_196 : memref<64x128xf32, #tpu.memory_space<vmem_shared>>) target_semaphore(%run_scoped3A : memref<!tpu.dma_semaphore, #tpu.memory_space<semaphore_mem>>)
      %dma_wait3A = arith.constant 0 : i32
      %dma_wait3A_197 = tpu.memref_slice %arg9[%add3A_19, %dma_wait3A] : memref<10240x128xf32, #tpu.memory_space<vmem_shared>> -> memref<64x128xf32, #tpu.memory_space<vmem_shared>>
      %dma_wait3A_198 = arith.constant 0 : i32
      %dma_wait3A_199 = tpu.memref_slice %arg9[%add3A_19, %dma_wait3A_198] : memref<10240x128xf32, #tpu.memory_space<vmem_shared>> -> memref<64x128xf32, #tpu.memory_space<vmem_shared>>
      tpu.wait_dma2 semaphore(%run_scoped3A : memref<!tpu.dma_semaphore, #tpu.memory_space<semaphore_mem>>) src(%arg12 : memref<64x128xf32, #tpu.memory_space<vmem>>) dst(%dma_wait3A_199 : memref<64x128xf32, #tpu.memory_space<vmem_shared>>)
      tpu.yield
    }) : () -> ()
    %barrier3A = arith.constant 0 : index
    tpu.barrier barrier_id(%barrier3A)
    %scan3A = arith.constant 0 : i32
    %scan3A_20 = arith.constant 0 : i32
    %scan3A_21 = arith.constant 20 : i32
    %scan3A_22 = arith.addi %scan3A_20, %scan3A_21 : i32
    %scan3A_23 = arith.constant 1 : i32
    scf.for %scan3A_194 = %scan3A_20 to %scan3A_22 step %scan3A_23  : i32 {
      %mul3A_195 = arith.constant 163840 : i32
      %mul3A_196 = arith.muli %arg0, %mul3A_195 : i32
      %mul3A_197 = arith.constant 10240 : i32
      %mul3A_198 = arith.muli %arg1, %mul3A_197 : i32
      %add3A_199 = arith.addi %mul3A_196, %mul3A_198 : i32
      %jit3A = arith.constant 64 : i32
      %div3A = arith.divsi %add3A_199, %jit3A : i32
      %sign3A = arith.constant 0 : i32
      %sign3A_200 = arith.cmpi sgt, %add3A_199, %sign3A : i32
      %sign3A_201 = arith.extui %sign3A_200 : i1 to i32
      %sign3A_202 = arith.constant 0 : i32
      %sign3A_203 = arith.cmpi slt, %add3A_199, %sign3A_202 : i32
      %sign3A_204 = arith.extui %sign3A_203 : i1 to i32
      %sign3A_205 = arith.subi %sign3A_201, %sign3A_204 : i32
      %sign3A_206 = arith.constant 0 : i32
      %sign3A_207 = arith.cmpi sgt, %jit3A, %sign3A_206 : i32
      %sign3A_208 = arith.extui %sign3A_207 : i1 to i32
      %sign3A_209 = arith.constant 0 : i32
      %sign3A_210 = arith.cmpi slt, %jit3A, %sign3A_209 : i32
      %sign3A_211 = arith.extui %sign3A_210 : i1 to i32
      %sign3A_212 = arith.subi %sign3A_208, %sign3A_211 : i32
      %ne3A = arith.cmpi ne, %sign3A_205, %sign3A_212 : i32
      %rem3A = arith.remsi %add3A_199, %jit3A : i32
      %ne3A_213 = arith.constant 0 : i32
      %ne3A_214 = arith.cmpi ne, %rem3A, %ne3A_213 : i32
      %and3A = arith.andi %ne3A, %ne3A_214 : i1
      %sub3A = arith.constant 1 : i32
      %sub3A_215 = arith.subi %div3A, %sub3A : i32
      %select_n3A = arith.select %and3A, %sub3A_215, %div3A : i32
      %mul3A_216 = arith.constant 8 : i32
      %mul3A_217 = arith.muli %scan3A_194, %mul3A_216 : i32
      %add3A_218 = arith.addi %select_n3A, %mul3A_217 : i32
      %multiple_of3A = tpu.assume_multiple %add3A_218, 8 : i32
      "tpu.region"() ({
        %run_scoped3A_366 = tpu.sem_alloc : memref<!tpu.dma_semaphore, #tpu.memory_space<semaphore_mem>>
        %dma_start3A_367 = arith.constant 0 : i32
        %dma_start3A_368 = tpu.memref_slice %arg3[%multiple_of3A, %dma_start3A_367] : memref<5120x64xi32, #tpu.memory_space<hbm>> -> memref<8x64xi32, #tpu.memory_space<hbm>>
        %dma_start3A_369 = arith.constant 0 : i32
        %dma_start3A_370 = tpu.memref_slice %arg3[%multiple_of3A, %dma_start3A_369] : memref<5120x64xi32, #tpu.memory_space<hbm>> -> memref<8x64xi32, #tpu.memory_space<hbm>>
        tpu.enqueue_dma source(%dma_start3A_370 : memref<8x64xi32, #tpu.memory_space<hbm>>) target(%arg10 : memref<8x64xi32, #tpu.memory_space<vmem>>) target_semaphore(%run_scoped3A_366 : memref<!tpu.dma_semaphore, #tpu.memory_space<semaphore_mem>>)
        %dma_wait3A_371 = arith.constant 0 : i32
        %dma_wait3A_372 = tpu.memref_slice %arg3[%multiple_of3A, %dma_wait3A_371] : memref<5120x64xi32, #tpu.memory_space<hbm>> -> memref<8x64xi32, #tpu.memory_space<hbm>>
        %dma_wait3A_373 = arith.constant 0 : i32
        %dma_wait3A_374 = tpu.memref_slice %arg3[%multiple_of3A, %dma_wait3A_373] : memref<5120x64xi32, #tpu.memory_space<hbm>> -> memref<8x64xi32, #tpu.memory_space<hbm>>
        tpu.wait_dma2 semaphore(%run_scoped3A_366 : memref<!tpu.dma_semaphore, #tpu.memory_space<semaphore_mem>>) src(%dma_wait3A_374 : memref<8x64xi32, #tpu.memory_space<hbm>>) dst(%arg10 : memref<8x64xi32, #tpu.memory_space<vmem>>)
        tpu.yield
      }) : () -> ()
      %mul3A_219 = arith.constant 10240 : i32
      %mul3A_220 = arith.muli %arg1, %mul3A_219 : i32
      %jit3A_221 = arith.constant 64 : i32
      %div3A_222 = arith.divsi %mul3A_220, %jit3A_221 : i32
      %sign3A_223 = arith.constant 0 : i32
      %sign3A_224 = arith.cmpi sgt, %mul3A_220, %sign3A_223 : i32
      %sign3A_225 = arith.extui %sign3A_224 : i1 to i32
      %sign3A_226 = arith.constant 0 : i32
      %sign3A_227 = arith.cmpi slt, %mul3A_220, %sign3A_226 : i32
      %sign3A_228 = arith.extui %sign3A_227 : i1 to i32
      %sign3A_229 = arith.subi %sign3A_225, %sign3A_228 : i32
      %sign3A_230 = arith.constant 0 : i32
      %sign3A_231 = arith.cmpi sgt, %jit3A_221, %sign3A_230 : i32
      %sign3A_232 = arith.extui %sign3A_231 : i1 to i32
      %sign3A_233 = arith.constant 0 : i32
      %sign3A_234 = arith.cmpi slt, %jit3A_221, %sign3A_233 : i32
      %sign3A_235 = arith.extui %sign3A_234 : i1 to i32
      %sign3A_236 = arith.subi %sign3A_232, %sign3A_235 : i32
      %ne3A_237 = arith.cmpi ne, %sign3A_229, %sign3A_236 : i32
      %rem3A_238 = arith.remsi %mul3A_220, %jit3A_221 : i32
      %ne3A_239 = arith.constant 0 : i32
      %ne3A_240 = arith.cmpi ne, %rem3A_238, %ne3A_239 : i32
      %and3A_241 = arith.andi %ne3A_237, %ne3A_240 : i1
      %sub3A_242 = arith.constant 1 : i32
      %sub3A_243 = arith.subi %div3A_222, %sub3A_242 : i32
      %select_n3A_244 = arith.select %and3A_241, %sub3A_243, %div3A_222 : i32
      %mul3A_245 = arith.constant 8 : i32
      %mul3A_246 = arith.muli %scan3A_194, %mul3A_245 : i32
      %add3A_247 = arith.addi %select_n3A_244, %mul3A_246 : i32
      %multiple_of3A_248 = tpu.assume_multiple %add3A_247, 8 : i32
      "tpu.region"() ({
        %run_scoped3A_366 = tpu.sem_alloc : memref<!tpu.dma_semaphore, #tpu.memory_space<semaphore_mem>>
        %dma_start3A_367 = arith.constant 0 : i32
        %dma_start3A_368 = tpu.memref_slice %arg4[%multiple_of3A_248, %dma_start3A_367] : memref<2560x64xi32, #tpu.memory_space<hbm>> -> memref<8x64xi32, #tpu.memory_space<hbm>>
        %dma_start3A_369 = arith.constant 0 : i32
        %dma_start3A_370 = tpu.memref_slice %arg4[%multiple_of3A_248, %dma_start3A_369] : memref<2560x64xi32, #tpu.memory_space<hbm>> -> memref<8x64xi32, #tpu.memory_space<hbm>>
        tpu.enqueue_dma source(%dma_start3A_370 : memref<8x64xi32, #tpu.memory_space<hbm>>) target(%arg11 : memref<8x64xi32, #tpu.memory_space<vmem>>) target_semaphore(%run_scoped3A_366 : memref<!tpu.dma_semaphore, #tpu.memory_space<semaphore_mem>>)
        %dma_wait3A_371 = arith.constant 0 : i32
        %dma_wait3A_372 = tpu.memref_slice %arg4[%multiple_of3A_248, %dma_wait3A_371] : memref<2560x64xi32, #tpu.memory_space<hbm>> -> memref<8x64xi32, #tpu.memory_space<hbm>>
        %dma_wait3A_373 = arith.constant 0 : i32
        %dma_wait3A_374 = tpu.memref_slice %arg4[%multiple_of3A_248, %dma_wait3A_373] : memref<2560x64xi32, #tpu.memory_space<hbm>> -> memref<8x64xi32, #tpu.memory_space<hbm>>
        tpu.wait_dma2 semaphore(%run_scoped3A_366 : memref<!tpu.dma_semaphore, #tpu.memory_space<semaphore_mem>>) src(%dma_wait3A_374 : memref<8x64xi32, #tpu.memory_space<hbm>>) dst(%arg11 : memref<8x64xi32, #tpu.memory_space<vmem>>)
        tpu.yield
      }) : () -> ()
      %dma_start3A = arith.constant 0 : i32
      %dma_start3A_249 = arith.constant 0 : i32
      %dma_start3A_250 = tpu.memref_slice %arg10[%dma_start3A, %dma_start3A_249] : memref<8x64xi32, #tpu.memory_space<vmem>> -> memref<1x64xi32, #tpu.memory_space<vmem>>
      %dma_start3A_251 = tpu.memref_squeeze %dma_start3A_250 : memref<1x64xi32, #tpu.memory_space<vmem>> -> memref<64xi32, #tpu.memory_space<vmem>>
      %dma_start3A_252 = arith.constant 0 : i32
      %dma_start3A_253 = arith.constant 0 : i32
      %dma_start3A_254 = tpu.memref_slice %arg2[%dma_start3A_252, %dma_start3A_253] : memref<20000x128xf32, #tpu.memory_space<hbm>> -> memref<20000x128xf32, #tpu.memory_space<hbm>>
      tpu.enqueue_indirect_dma source(%dma_start3A_254 : memref<20000x128xf32, #tpu.memory_space<hbm>>) target(%arg12 : memref<64x128xf32, #tpu.memory_space<vmem>>) offsets(%dma_start3A_251 : memref<64xi32, #tpu.memory_space<vmem>>) semaphore(%arg16 : memref<!tpu.dma_semaphore, #tpu.memory_space<semaphore_mem>>)
      %dma_start3A_255 = arith.constant 1 : i32
      %dma_start3A_256 = arith.constant 0 : i32
      %dma_start3A_257 = tpu.memref_slice %arg10[%dma_start3A_255, %dma_start3A_256] : memref<8x64xi32, #tpu.memory_space<vmem>> -> memref<1x64xi32, #tpu.memory_space<vmem>>
      %dma_start3A_258 = tpu.memref_squeeze %dma_start3A_257 : memref<1x64xi32, #tpu.memory_space<vmem>> -> memref<64xi32, #tpu.memory_space<vmem>>
      %dma_start3A_259 = arith.constant 0 : i32
      %dma_start3A_260 = arith.constant 0 : i32
      %dma_start3A_261 = tpu.memref_slice %arg2[%dma_start3A_259, %dma_start3A_260] : memref<20000x128xf32, #tpu.memory_space<hbm>> -> memref<20000x128xf32, #tpu.memory_space<hbm>>
      tpu.enqueue_indirect_dma source(%dma_start3A_261 : memref<20000x128xf32, #tpu.memory_space<hbm>>) target(%arg13 : memref<64x128xf32, #tpu.memory_space<vmem>>) offsets(%dma_start3A_258 : memref<64xi32, #tpu.memory_space<vmem>>) semaphore(%arg17 : memref<!tpu.dma_semaphore, #tpu.memory_space<semaphore_mem>>)
      %dma_start3A_262 = arith.constant 2 : i32
      %dma_start3A_263 = arith.constant 0 : i32
      %dma_start3A_264 = tpu.memref_slice %arg10[%dma_start3A_262, %dma_start3A_263] : memref<8x64xi32, #tpu.memory_space<vmem>> -> memref<1x64xi32, #tpu.memory_space<vmem>>
      %dma_start3A_265 = tpu.memref_squeeze %dma_start3A_264 : memref<1x64xi32, #tpu.memory_space<vmem>> -> memref<64xi32, #tpu.memory_space<vmem>>
      %dma_start3A_266 = arith.constant 0 : i32
      %dma_start3A_267 = arith.constant 0 : i32
      %dma_start3A_268 = tpu.memref_slice %arg2[%dma_start3A_266, %dma_start3A_267] : memref<20000x128xf32, #tpu.memory_space<hbm>> -> memref<20000x128xf32, #tpu.memory_space<hbm>>
      tpu.enqueue_indirect_dma source(%dma_start3A_268 : memref<20000x128xf32, #tpu.memory_space<hbm>>) target(%arg14 : memref<64x128xf32, #tpu.memory_space<vmem>>) offsets(%dma_start3A_265 : memref<64xi32, #tpu.memory_space<vmem>>) semaphore(%arg18 : memref<!tpu.dma_semaphore, #tpu.memory_space<semaphore_mem>>)
      %dma_wait3A = arith.constant 0 : i32
      %dma_wait3A_269 = arith.constant 0 : i32
      %dma_wait3A_270 = tpu.memref_slice %arg10[%dma_wait3A, %dma_wait3A_269] : memref<8x64xi32, #tpu.memory_space<vmem>> -> memref<1x64xi32, #tpu.memory_space<vmem>>
      %dma_wait3A_271 = tpu.memref_squeeze %dma_wait3A_270 : memref<1x64xi32, #tpu.memory_space<vmem>> -> memref<64xi32, #tpu.memory_space<vmem>>
      %dma_wait3A_272 = arith.constant 0 : i32
      %dma_wait3A_273 = arith.constant 0 : i32
      %dma_wait3A_274 = tpu.memref_slice %arg2[%dma_wait3A_272, %dma_wait3A_273] : memref<20000x128xf32, #tpu.memory_space<hbm>> -> memref<20000x128xf32, #tpu.memory_space<hbm>>
      tpu.wait_indirect_dma semaphore(%arg16 : memref<!tpu.dma_semaphore, #tpu.memory_space<semaphore_mem>>) src(%dma_wait3A_274 : memref<20000x128xf32, #tpu.memory_space<hbm>>) dst(%arg12 : memref<64x128xf32, #tpu.memory_space<vmem>>)
      %dma_start3A_275 = arith.constant 3 : i32
      %dma_start3A_276 = arith.constant 0 : i32
      %dma_start3A_277 = tpu.memref_slice %arg10[%dma_start3A_275, %dma_start3A_276] : memref<8x64xi32, #tpu.memory_space<vmem>> -> memref<1x64xi32, #tpu.memory_space<vmem>>
      %dma_start3A_278 = tpu.memref_squeeze %dma_start3A_277 : memref<1x64xi32, #tpu.memory_space<vmem>> -> memref<64xi32, #tpu.memory_space<vmem>>
      %dma_start3A_279 = arith.constant 0 : i32
      %dma_start3A_280 = arith.constant 0 : i32
      %dma_start3A_281 = tpu.memref_slice %arg2[%dma_start3A_279, %dma_start3A_280] : memref<20000x128xf32, #tpu.memory_space<hbm>> -> memref<20000x128xf32, #tpu.memory_space<hbm>>
      tpu.enqueue_indirect_dma source(%dma_start3A_281 : memref<20000x128xf32, #tpu.memory_space<hbm>>) target(%arg15 : memref<64x128xf32, #tpu.memory_space<vmem>>) offsets(%dma_start3A_278 : memref<64xi32, #tpu.memory_space<vmem>>) semaphore(%arg19 : memref<!tpu.dma_semaphore, #tpu.memory_space<semaphore_mem>>)
      %run_scoped3A = arith.constant 0 : i32
      "tpu.region"() ({
        %run_scoped3A_366 = tpu.sem_alloc : memref<!tpu.dma_semaphore, #tpu.memory_space<semaphore_mem>>
        %dma_start3A_367 = arith.constant 0 : i32
        %dma_start3A_368 = tpu.memref_slice %arg11[%run_scoped3A, %dma_start3A_367] : memref<8x64xi32, #tpu.memory_space<vmem>> -> memref<1x64xi32, #tpu.memory_space<vmem>>
        %dma_start3A_369 = tpu.memref_squeeze %dma_start3A_368 : memref<1x64xi32, #tpu.memory_space<vmem>> -> memref<64xi32, #tpu.memory_space<vmem>>
        %dma_start3A_370 = arith.constant 0 : i32
        %dma_start3A_371 = arith.constant 0 : i32
        %dma_start3A_372 = tpu.memref_slice %arg9[%dma_start3A_370, %dma_start3A_371] : memref<10240x128xf32, #tpu.memory_space<vmem_shared>> -> memref<10240x128xf32, #tpu.memory_space<vmem_shared>>
        tpu.enqueue_indirect_dma source(%arg12 : memref<64x128xf32, #tpu.memory_space<vmem>>) target(%dma_start3A_372 : memref<10240x128xf32, #tpu.memory_space<vmem_shared>>) offsets(%dma_start3A_369 : memref<64xi32, #tpu.memory_space<vmem>>) semaphore(%run_scoped3A_366 : memref<!tpu.dma_semaphore, #tpu.memory_space<semaphore_mem>>) {add = true}
        %dma_wait3A_373 = arith.constant 0 : i32
        %dma_wait3A_374 = tpu.memref_slice %arg11[%run_scoped3A, %dma_wait3A_373] : memref<8x64xi32, #tpu.memory_space<vmem>> -> memref<1x64xi32, #tpu.memory_space<vmem>>
        %dma_wait3A_375 = tpu.memref_squeeze %dma_wait3A_374 : memref<1x64xi32, #tpu.memory_space<vmem>> -> memref<64xi32, #tpu.memory_space<vmem>>
        %dma_wait3A_376 = arith.constant 0 : i32
        %dma_wait3A_377 = arith.constant 0 : i32
        %dma_wait3A_378 = tpu.memref_slice %arg9[%dma_wait3A_376, %dma_wait3A_377] : memref<10240x128xf32, #tpu.memory_space<vmem_shared>> -> memref<10240x128xf32, #tpu.memory_space<vmem_shared>>
        tpu.wait_indirect_dma semaphore(%run_scoped3A_366 : memref<!tpu.dma_semaphore, #tpu.memory_space<semaphore_mem>>) src(%arg12 : memref<64x128xf32, #tpu.memory_space<vmem>>) dst(%dma_wait3A_378 : memref<10240x128xf32, #tpu.memory_space<vmem_shared>>)
        tpu.yield
      }) : () -> ()
      %dma_wait3A_282 = arith.constant 1 : i32
      %dma_wait3A_283 = arith.constant 0 : i32
      %dma_wait3A_284 = tpu.memref_slice %arg10[%dma_wait3A_282, %dma_wait3A_283] : memref<8x64xi32, #tpu.memory_space<vmem>> -> memref<1x64xi32, #tpu.memory_space<vmem>>
      %dma_wait3A_285 = tpu.memref_squeeze %dma_wait3A_284 : memref<1x64xi32, #tpu.memory_space<vmem>> -> memref<64xi32, #tpu.memory_space<vmem>>
      %dma_wait3A_286 = arith.constant 0 : i32
      %dma_wait3A_287 = arith.constant 0 : i32
      %dma_wait3A_288 = tpu.memref_slice %arg2[%dma_wait3A_286, %dma_wait3A_287] : memref<20000x128xf32, #tpu.memory_space<hbm>> -> memref<20000x128xf32, #tpu.memory_space<hbm>>
      tpu.wait_indirect_dma semaphore(%arg17 : memref<!tpu.dma_semaphore, #tpu.memory_space<semaphore_mem>>) src(%dma_wait3A_288 : memref<20000x128xf32, #tpu.memory_space<hbm>>) dst(%arg13 : memref<64x128xf32, #tpu.memory_space<vmem>>)
      %dma_start3A_289 = arith.constant 4 : i32
      %dma_start3A_290 = arith.constant 0 : i32
      %dma_start3A_291 = tpu.memref_slice %arg10[%dma_start3A_289, %dma_start3A_290] : memref<8x64xi32, #tpu.memory_space<vmem>> -> memref<1x64xi32, #tpu.memory_space<vmem>>
      %dma_start3A_292 = tpu.memref_squeeze %dma_start3A_291 : memref<1x64xi32, #tpu.memory_space<vmem>> -> memref<64xi32, #tpu.memory_space<vmem>>
      %dma_start3A_293 = arith.constant 0 : i32
      %dma_start3A_294 = arith.constant 0 : i32
      %dma_start3A_295 = tpu.memref_slice %arg2[%dma_start3A_293, %dma_start3A_294] : memref<20000x128xf32, #tpu.memory_space<hbm>> -> memref<20000x128xf32, #tpu.memory_space<hbm>>
      tpu.enqueue_indirect_dma source(%dma_start3A_295 : memref<20000x128xf32, #tpu.memory_space<hbm>>) target(%arg12 : memref<64x128xf32, #tpu.memory_space<vmem>>) offsets(%dma_start3A_292 : memref<64xi32, #tpu.memory_space<vmem>>) semaphore(%arg16 : memref<!tpu.dma_semaphore, #tpu.memory_space<semaphore_mem>>)
      %run_scoped3A_296 = arith.constant 1 : i32
      "tpu.region"() ({
        %run_scoped3A_366 = tpu.sem_alloc : memref<!tpu.dma_semaphore, #tpu.memory_space<semaphore_mem>>
        %dma_start3A_367 = arith.constant 0 : i32
        %dma_start3A_368 = tpu.memref_slice %arg11[%run_scoped3A_296, %dma_start3A_367] : memref<8x64xi32, #tpu.memory_space<vmem>> -> memref<1x64xi32, #tpu.memory_space<vmem>>
        %dma_start3A_369 = tpu.memref_squeeze %dma_start3A_368 : memref<1x64xi32, #tpu.memory_space<vmem>> -> memref<64xi32, #tpu.memory_space<vmem>>
        %dma_start3A_370 = arith.constant 0 : i32
        %dma_start3A_371 = arith.constant 0 : i32
        %dma_start3A_372 = tpu.memref_slice %arg9[%dma_start3A_370, %dma_start3A_371] : memref<10240x128xf32, #tpu.memory_space<vmem_shared>> -> memref<10240x128xf32, #tpu.memory_space<vmem_shared>>
        tpu.enqueue_indirect_dma source(%arg13 : memref<64x128xf32, #tpu.memory_space<vmem>>) target(%dma_start3A_372 : memref<10240x128xf32, #tpu.memory_space<vmem_shared>>) offsets(%dma_start3A_369 : memref<64xi32, #tpu.memory_space<vmem>>) semaphore(%run_scoped3A_366 : memref<!tpu.dma_semaphore, #tpu.memory_space<semaphore_mem>>) {add = true}
        %dma_wait3A_373 = arith.constant 0 : i32
        %dma_wait3A_374 = tpu.memref_slice %arg11[%run_scoped3A_296, %dma_wait3A_373] : memref<8x64xi32, #tpu.memory_space<vmem>> -> memref<1x64xi32, #tpu.memory_space<vmem>>
        %dma_wait3A_375 = tpu.memref_squeeze %dma_wait3A_374 : memref<1x64xi32, #tpu.memory_space<vmem>> -> memref<64xi32, #tpu.memory_space<vmem>>
        %dma_wait3A_376 = arith.constant 0 : i32
        %dma_wait3A_377 = arith.constant 0 : i32
        %dma_wait3A_378 = tpu.memref_slice %arg9[%dma_wait3A_376, %dma_wait3A_377] : memref<10240x128xf32, #tpu.memory_space<vmem_shared>> -> memref<10240x128xf32, #tpu.memory_space<vmem_shared>>
        tpu.wait_indirect_dma semaphore(%run_scoped3A_366 : memref<!tpu.dma_semaphore, #tpu.memory_space<semaphore_mem>>) src(%arg13 : memref<64x128xf32, #tpu.memory_space<vmem>>) dst(%dma_wait3A_378 : memref<10240x128xf32, #tpu.memory_space<vmem_shared>>)
        tpu.yield
      }) : () -> ()
      %dma_wait3A_297 = arith.constant 2 : i32
      %dma_wait3A_298 = arith.constant 0 : i32
      %dma_wait3A_299 = tpu.memref_slice %arg10[%dma_wait3A_297, %dma_wait3A_298] : memref<8x64xi32, #tpu.memory_space<vmem>> -> memref<1x64xi32, #tpu.memory_space<vmem>>
      %dma_wait3A_300 = tpu.memref_squeeze %dma_wait3A_299 : memref<1x64xi32, #tpu.memory_space<vmem>> -> memref<64xi32, #tpu.memory_space<vmem>>
      %dma_wait3A_301 = arith.constant 0 : i32
      %dma_wait3A_302 = arith.constant 0 : i32
      %dma_wait3A_303 = tpu.memref_slice %arg2[%dma_wait3A_301, %dma_wait3A_302] : memref<20000x128xf32, #tpu.memory_space<hbm>> -> memref<20000x128xf32, #tpu.memory_space<hbm>>
      tpu.wait_indirect_dma semaphore(%arg18 : memref<!tpu.dma_semaphore, #tpu.memory_space<semaphore_mem>>) src(%dma_wait3A_303 : memref<20000x128xf32, #tpu.memory_space<hbm>>) dst(%arg14 : memref<64x128xf32, #tpu.memory_space<vmem>>)
      %dma_start3A_304 = arith.constant 5 : i32
      %dma_start3A_305 = arith.constant 0 : i32
      %dma_start3A_306 = tpu.memref_slice %arg10[%dma_start3A_304, %dma_start3A_305] : memref<8x64xi32, #tpu.memory_space<vmem>> -> memref<1x64xi32, #tpu.memory_space<vmem>>
      %dma_start3A_307 = tpu.memref_squeeze %dma_start3A_306 : memref<1x64xi32, #tpu.memory_space<vmem>> -> memref<64xi32, #tpu.memory_space<vmem>>
      %dma_start3A_308 = arith.constant 0 : i32
      %dma_start3A_309 = arith.constant 0 : i32
      %dma_start3A_310 = tpu.memref_slice %arg2[%dma_start3A_308, %dma_start3A_309] : memref<20000x128xf32, #tpu.memory_space<hbm>> -> memref<20000x128xf32, #tpu.memory_space<hbm>>
      tpu.enqueue_indirect_dma source(%dma_start3A_310 : memref<20000x128xf32, #tpu.memory_space<hbm>>) target(%arg13 : memref<64x128xf32, #tpu.memory_space<vmem>>) offsets(%dma_start3A_307 : memref<64xi32, #tpu.memory_space<vmem>>) semaphore(%arg17 : memref<!tpu.dma_semaphore, #tpu.memory_space<semaphore_mem>>)
      %run_scoped3A_311 = arith.constant 2 : i32
      "tpu.region"() ({
        %run_scoped3A_366 = tpu.sem_alloc : memref<!tpu.dma_semaphore, #tpu.memory_space<semaphore_mem>>
        %dma_start3A_367 = arith.constant 0 : i32
        %dma_start3A_368 = tpu.memref_slice %arg11[%run_scoped3A_311, %dma_start3A_367] : memref<8x64xi32, #tpu.memory_space<vmem>> -> memref<1x64xi32, #tpu.memory_space<vmem>>
        %dma_start3A_369 = tpu.memref_squeeze %dma_start3A_368 : memref<1x64xi32, #tpu.memory_space<vmem>> -> memref<64xi32, #tpu.memory_space<vmem>>
        %dma_start3A_370 = arith.constant 0 : i32
        %dma_start3A_371 = arith.constant 0 : i32
        %dma_start3A_372 = tpu.memref_slice %arg9[%dma_start3A_370, %dma_start3A_371] : memref<10240x128xf32, #tpu.memory_space<vmem_shared>> -> memref<10240x128xf32, #tpu.memory_space<vmem_shared>>
        tpu.enqueue_indirect_dma source(%arg14 : memref<64x128xf32, #tpu.memory_space<vmem>>) target(%dma_start3A_372 : memref<10240x128xf32, #tpu.memory_space<vmem_shared>>) offsets(%dma_start3A_369 : memref<64xi32, #tpu.memory_space<vmem>>) semaphore(%run_scoped3A_366 : memref<!tpu.dma_semaphore, #tpu.memory_space<semaphore_mem>>) {add = true}
        %dma_wait3A_373 = arith.constant 0 : i32
        %dma_wait3A_374 = tpu.memref_slice %arg11[%run_scoped3A_311, %dma_wait3A_373] : memref<8x64xi32, #tpu.memory_space<vmem>> -> memref<1x64xi32, #tpu.memory_space<vmem>>
        %dma_wait3A_375 = tpu.memref_squeeze %dma_wait3A_374 : memref<1x64xi32, #tpu.memory_space<vmem>> -> memref<64xi32, #tpu.memory_space<vmem>>
        %dma_wait3A_376 = arith.constant 0 : i32
        %dma_wait3A_377 = arith.constant 0 : i32
        %dma_wait3A_378 = tpu.memref_slice %arg9[%dma_wait3A_376, %dma_wait3A_377] : memref<10240x128xf32, #tpu.memory_space<vmem_shared>> -> memref<10240x128xf32, #tpu.memory_space<vmem_shared>>
        tpu.wait_indirect_dma semaphore(%run_scoped3A_366 : memref<!tpu.dma_semaphore, #tpu.memory_space<semaphore_mem>>) src(%arg14 : memref<64x128xf32, #tpu.memory_space<vmem>>) dst(%dma_wait3A_378 : memref<10240x128xf32, #tpu.memory_space<vmem_shared>>)
        tpu.yield
      }) : () -> ()
      %dma_wait3A_312 = arith.constant 3 : i32
      %dma_wait3A_313 = arith.constant 0 : i32
      %dma_wait3A_314 = tpu.memref_slice %arg10[%dma_wait3A_312, %dma_wait3A_313] : memref<8x64xi32, #tpu.memory_space<vmem>> -> memref<1x64xi32, #tpu.memory_space<vmem>>
      %dma_wait3A_315 = tpu.memref_squeeze %dma_wait3A_314 : memref<1x64xi32, #tpu.memory_space<vmem>> -> memref<64xi32, #tpu.memory_space<vmem>>
      %dma_wait3A_316 = arith.constant 0 : i32
      %dma_wait3A_317 = arith.constant 0 : i32
      %dma_wait3A_318 = tpu.memref_slice %arg2[%dma_wait3A_316, %dma_wait3A_317] : memref<20000x128xf32, #tpu.memory_space<hbm>> -> memref<20000x128xf32, #tpu.memory_space<hbm>>
      tpu.wait_indirect_dma semaphore(%arg19 : memref<!tpu.dma_semaphore, #tpu.memory_space<semaphore_mem>>) src(%dma_wait3A_318 : memref<20000x128xf32, #tpu.memory_space<hbm>>) dst(%arg15 : memref<64x128xf32, #tpu.memory_space<vmem>>)
      %dma_start3A_319 = arith.constant 6 : i32
      %dma_start3A_320 = arith.constant 0 : i32
      %dma_start3A_321 = tpu.memref_slice %arg10[%dma_start3A_319, %dma_start3A_320] : memref<8x64xi32, #tpu.memory_space<vmem>> -> memref<1x64xi32, #tpu.memory_space<vmem>>
      %dma_start3A_322 = tpu.memref_squeeze %dma_start3A_321 : memref<1x64xi32, #tpu.memory_space<vmem>> -> memref<64xi32, #tpu.memory_space<vmem>>
      %dma_start3A_323 = arith.constant 0 : i32
      %dma_start3A_324 = arith.constant 0 : i32
      %dma_start3A_325 = tpu.memref_slice %arg2[%dma_start3A_323, %dma_start3A_324] : memref<20000x128xf32, #tpu.memory_space<hbm>> -> memref<20000x128xf32, #tpu.memory_space<hbm>>
      tpu.enqueue_indirect_dma source(%dma_start3A_325 : memref<20000x128xf32, #tpu.memory_space<hbm>>) target(%arg14 : memref<64x128xf32, #tpu.memory_space<vmem>>) offsets(%dma_start3A_322 : memref<64xi32, #tpu.memory_space<vmem>>) semaphore(%arg18 : memref<!tpu.dma_semaphore, #tpu.memory_space<semaphore_mem>>)
      %run_scoped3A_326 = arith.constant 3 : i32
      "tpu.region"() ({
        %run_scoped3A_366 = tpu.sem_alloc : memref<!tpu.dma_semaphore, #tpu.memory_space<semaphore_mem>>
        %dma_start3A_367 = arith.constant 0 : i32
        %dma_start3A_368 = tpu.memref_slice %arg11[%run_scoped3A_326, %dma_start3A_367] : memref<8x64xi32, #tpu.memory_space<vmem>> -> memref<1x64xi32, #tpu.memory_space<vmem>>
        %dma_start3A_369 = tpu.memref_squeeze %dma_start3A_368 : memref<1x64xi32, #tpu.memory_space<vmem>> -> memref<64xi32, #tpu.memory_space<vmem>>
        %dma_start3A_370 = arith.constant 0 : i32
        %dma_start3A_371 = arith.constant 0 : i32
        %dma_start3A_372 = tpu.memref_slice %arg9[%dma_start3A_370, %dma_start3A_371] : memref<10240x128xf32, #tpu.memory_space<vmem_shared>> -> memref<10240x128xf32, #tpu.memory_space<vmem_shared>>
        tpu.enqueue_indirect_dma source(%arg15 : memref<64x128xf32, #tpu.memory_space<vmem>>) target(%dma_start3A_372 : memref<10240x128xf32, #tpu.memory_space<vmem_shared>>) offsets(%dma_start3A_369 : memref<64xi32, #tpu.memory_space<vmem>>) semaphore(%run_scoped3A_366 : memref<!tpu.dma_semaphore, #tpu.memory_space<semaphore_mem>>) {add = true}
        %dma_wait3A_373 = arith.constant 0 : i32
        %dma_wait3A_374 = tpu.memref_slice %arg11[%run_scoped3A_326, %dma_wait3A_373] : memref<8x64xi32, #tpu.memory_space<vmem>> -> memref<1x64xi32, #tpu.memory_space<vmem>>
        %dma_wait3A_375 = tpu.memref_squeeze %dma_wait3A_374 : memref<1x64xi32, #tpu.memory_space<vmem>> -> memref<64xi32, #tpu.memory_space<vmem>>
        %dma_wait3A_376 = arith.constant 0 : i32
        %dma_wait3A_377 = arith.constant 0 : i32
        %dma_wait3A_378 = tpu.memref_slice %arg9[%dma_wait3A_376, %dma_wait3A_377] : memref<10240x128xf32, #tpu.memory_space<vmem_shared>> -> memref<10240x128xf32, #tpu.memory_space<vmem_shared>>
        tpu.wait_indirect_dma semaphore(%run_scoped3A_366 : memref<!tpu.dma_semaphore, #tpu.memory_space<semaphore_mem>>) src(%arg15 : memref<64x128xf32, #tpu.memory_space<vmem>>) dst(%dma_wait3A_378 : memref<10240x128xf32, #tpu.memory_space<vmem_shared>>)
        tpu.yield
      }) : () -> ()
      %dma_wait3A_327 = arith.constant 4 : i32
      %dma_wait3A_328 = arith.constant 0 : i32
      %dma_wait3A_329 = tpu.memref_slice %arg10[%dma_wait3A_327, %dma_wait3A_328] : memref<8x64xi32, #tpu.memory_space<vmem>> -> memref<1x64xi32, #tpu.memory_space<vmem>>
      %dma_wait3A_330 = tpu.memref_squeeze %dma_wait3A_329 : memref<1x64xi32, #tpu.memory_space<vmem>> -> memref<64xi32, #tpu.memory_space<vmem>>
      %dma_wait3A_331 = arith.constant 0 : i32
      %dma_wait3A_332 = arith.constant 0 : i32
      %dma_wait3A_333 = tpu.memref_slice %arg2[%dma_wait3A_331, %dma_wait3A_332] : memref<20000x128xf32, #tpu.memory_space<hbm>> -> memref<20000x128xf32, #tpu.memory_space<hbm>>
      tpu.wait_indirect_dma semaphore(%arg16 : memref<!tpu.dma_semaphore, #tpu.memory_space<semaphore_mem>>) src(%dma_wait3A_333 : memref<20000x128xf32, #tpu.memory_space<hbm>>) dst(%arg12 : memref<64x128xf32, #tpu.memory_space<vmem>>)
      %dma_start3A_334 = arith.constant 7 : i32
      %dma_start3A_335 = arith.constant 0 : i32
      %dma_start3A_336 = tpu.memref_slice %arg10[%dma_start3A_334, %dma_start3A_335] : memref<8x64xi32, #tpu.memory_space<vmem>> -> memref<1x64xi32, #tpu.memory_space<vmem>>
      %dma_start3A_337 = tpu.memref_squeeze %dma_start3A_336 : memref<1x64xi32, #tpu.memory_space<vmem>> -> memref<64xi32, #tpu.memory_space<vmem>>
      %dma_start3A_338 = arith.constant 0 : i32
      %dma_start3A_339 = arith.constant 0 : i32
      %dma_start3A_340 = tpu.memref_slice %arg2[%dma_start3A_338, %dma_start3A_339] : memref<20000x128xf32, #tpu.memory_space<hbm>> -> memref<20000x128xf32, #tpu.memory_space<hbm>>
      tpu.enqueue_indirect_dma source(%dma_start3A_340 : memref<20000x128xf32, #tpu.memory_space<hbm>>) target(%arg15 : memref<64x128xf32, #tpu.memory_space<vmem>>) offsets(%dma_start3A_337 : memref<64xi32, #tpu.memory_space<vmem>>) semaphore(%arg19 : memref<!tpu.dma_semaphore, #tpu.memory_space<semaphore_mem>>)
      %run_scoped3A_341 = arith.constant 4 : i32
      "tpu.region"() ({
        %run_scoped3A_366 = tpu.sem_alloc : memref<!tpu.dma_semaphore, #tpu.memory_space<semaphore_mem>>
        %dma_start3A_367 = arith.constant 0 : i32
        %dma_start3A_368 = tpu.memref_slice %arg11[%run_scoped3A_341, %dma_start3A_367] : memref<8x64xi32, #tpu.memory_space<vmem>> -> memref<1x64xi32, #tpu.memory_space<vmem>>
        %dma_start3A_369 = tpu.memref_squeeze %dma_start3A_368 : memref<1x64xi32, #tpu.memory_space<vmem>> -> memref<64xi32, #tpu.memory_space<vmem>>
        %dma_start3A_370 = arith.constant 0 : i32
        %dma_start3A_371 = arith.constant 0 : i32
        %dma_start3A_372 = tpu.memref_slice %arg9[%dma_start3A_370, %dma_start3A_371] : memref<10240x128xf32, #tpu.memory_space<vmem_shared>> -> memref<10240x128xf32, #tpu.memory_space<vmem_shared>>
        tpu.enqueue_indirect_dma source(%arg12 : memref<64x128xf32, #tpu.memory_space<vmem>>) target(%dma_start3A_372 : memref<10240x128xf32, #tpu.memory_space<vmem_shared>>) offsets(%dma_start3A_369 : memref<64xi32, #tpu.memory_space<vmem>>) semaphore(%run_scoped3A_366 : memref<!tpu.dma_semaphore, #tpu.memory_space<semaphore_mem>>) {add = true}
        %dma_wait3A_373 = arith.constant 0 : i32
        %dma_wait3A_374 = tpu.memref_slice %arg11[%run_scoped3A_341, %dma_wait3A_373] : memref<8x64xi32, #tpu.memory_space<vmem>> -> memref<1x64xi32, #tpu.memory_space<vmem>>
        %dma_wait3A_375 = tpu.memref_squeeze %dma_wait3A_374 : memref<1x64xi32, #tpu.memory_space<vmem>> -> memref<64xi32, #tpu.memory_space<vmem>>
        %dma_wait3A_376 = arith.constant 0 : i32
        %dma_wait3A_377 = arith.constant 0 : i32
        %dma_wait3A_378 = tpu.memref_slice %arg9[%dma_wait3A_376, %dma_wait3A_377] : memref<10240x128xf32, #tpu.memory_space<vmem_shared>> -> memref<10240x128xf32, #tpu.memory_space<vmem_shared>>
        tpu.wait_indirect_dma semaphore(%run_scoped3A_366 : memref<!tpu.dma_semaphore, #tpu.memory_space<semaphore_mem>>) src(%arg12 : memref<64x128xf32, #tpu.memory_space<vmem>>) dst(%dma_wait3A_378 : memref<10240x128xf32, #tpu.memory_space<vmem_shared>>)
        tpu.yield
      }) : () -> ()
      %dma_wait3A_342 = arith.constant 5 : i32
      %dma_wait3A_343 = arith.constant 0 : i32
      %dma_wait3A_344 = tpu.memref_slice %arg10[%dma_wait3A_342, %dma_wait3A_343] : memref<8x64xi32, #tpu.memory_space<vmem>> -> memref<1x64xi32, #tpu.memory_space<vmem>>
      %dma_wait3A_345 = tpu.memref_squeeze %dma_wait3A_344 : memref<1x64xi32, #tpu.memory_space<vmem>> -> memref<64xi32, #tpu.memory_space<vmem>>
      %dma_wait3A_346 = arith.constant 0 : i32
      %dma_wait3A_347 = arith.constant 0 : i32
      %dma_wait3A_348 = tpu.memref_slice %arg2[%dma_wait3A_346, %dma_wait3A_347] : memref<20000x128xf32, #tpu.memory_space<hbm>> -> memref<20000x128xf32, #tpu.memory_space<hbm>>
      tpu.wait_indirect_dma semaphore(%arg17 : memref<!tpu.dma_semaphore, #tpu.memory_space<semaphore_mem>>) src(%dma_wait3A_348 : memref<20000x128xf32, #tpu.memory_space<hbm>>) dst(%arg13 : memref<64x128xf32, #tpu.memory_space<vmem>>)
      %run_scoped3A_349 = arith.constant 5 : i32
      "tpu.region"() ({
        %run_scoped3A_366 = tpu.sem_alloc : memref<!tpu.dma_semaphore, #tpu.memory_space<semaphore_mem>>
        %dma_start3A_367 = arith.constant 0 : i32
        %dma_start3A_368 = tpu.memref_slice %arg11[%run_scoped3A_349, %dma_start3A_367] : memref<8x64xi32, #tpu.memory_space<vmem>> -> memref<1x64xi32, #tpu.memory_space<vmem>>
        %dma_start3A_369 = tpu.memref_squeeze %dma_start3A_368 : memref<1x64xi32, #tpu.memory_space<vmem>> -> memref<64xi32, #tpu.memory_space<vmem>>
        %dma_start3A_370 = arith.constant 0 : i32
        %dma_start3A_371 = arith.constant 0 : i32
        %dma_start3A_372 = tpu.memref_slice %arg9[%dma_start3A_370, %dma_start3A_371] : memref<10240x128xf32, #tpu.memory_space<vmem_shared>> -> memref<10240x128xf32, #tpu.memory_space<vmem_shared>>
        tpu.enqueue_indirect_dma source(%arg13 : memref<64x128xf32, #tpu.memory_space<vmem>>) target(%dma_start3A_372 : memref<10240x128xf32, #tpu.memory_space<vmem_shared>>) offsets(%dma_start3A_369 : memref<64xi32, #tpu.memory_space<vmem>>) semaphore(%run_scoped3A_366 : memref<!tpu.dma_semaphore, #tpu.memory_space<semaphore_mem>>) {add = true}
        %dma_wait3A_373 = arith.constant 0 : i32
        %dma_wait3A_374 = tpu.memref_slice %arg11[%run_scoped3A_349, %dma_wait3A_373] : memref<8x64xi32, #tpu.memory_space<vmem>> -> memref<1x64xi32, #tpu.memory_space<vmem>>
        %dma_wait3A_375 = tpu.memref_squeeze %dma_wait3A_374 : memref<1x64xi32, #tpu.memory_space<vmem>> -> memref<64xi32, #tpu.memory_space<vmem>>
        %dma_wait3A_376 = arith.constant 0 : i32
        %dma_wait3A_377 = arith.constant 0 : i32
        %dma_wait3A_378 = tpu.memref_slice %arg9[%dma_wait3A_376, %dma_wait3A_377] : memref<10240x128xf32, #tpu.memory_space<vmem_shared>> -> memref<10240x128xf32, #tpu.memory_space<vmem_shared>>
        tpu.wait_indirect_dma semaphore(%run_scoped3A_366 : memref<!tpu.dma_semaphore, #tpu.memory_space<semaphore_mem>>) src(%arg13 : memref<64x128xf32, #tpu.memory_space<vmem>>) dst(%dma_wait3A_378 : memref<10240x128xf32, #tpu.memory_space<vmem_shared>>)
        tpu.yield
      }) : () -> ()
      %dma_wait3A_350 = arith.constant 6 : i32
      %dma_wait3A_351 = arith.constant 0 : i32
      %dma_wait3A_352 = tpu.memref_slice %arg10[%dma_wait3A_350, %dma_wait3A_351] : memref<8x64xi32, #tpu.memory_space<vmem>> -> memref<1x64xi32, #tpu.memory_space<vmem>>
      %dma_wait3A_353 = tpu.memref_squeeze %dma_wait3A_352 : memref<1x64xi32, #tpu.memory_space<vmem>> -> memref<64xi32, #tpu.memory_space<vmem>>
      %dma_wait3A_354 = arith.constant 0 : i32
      %dma_wait3A_355 = arith.constant 0 : i32
      %dma_wait3A_356 = tpu.memref_slice %arg2[%dma_wait3A_354, %dma_wait3A_355] : memref<20000x128xf32, #tpu.memory_space<hbm>> -> memref<20000x128xf32, #tpu.memory_space<hbm>>
      tpu.wait_indirect_dma semaphore(%arg18 : memref<!tpu.dma_semaphore, #tpu.memory_space<semaphore_mem>>) src(%dma_wait3A_356 : memref<20000x128xf32, #tpu.memory_space<hbm>>) dst(%arg14 : memref<64x128xf32, #tpu.memory_space<vmem>>)
      %run_scoped3A_357 = arith.constant 6 : i32
      "tpu.region"() ({
        %run_scoped3A_366 = tpu.sem_alloc : memref<!tpu.dma_semaphore, #tpu.memory_space<semaphore_mem>>
        %dma_start3A_367 = arith.constant 0 : i32
        %dma_start3A_368 = tpu.memref_slice %arg11[%run_scoped3A_357, %dma_start3A_367] : memref<8x64xi32, #tpu.memory_space<vmem>> -> memref<1x64xi32, #tpu.memory_space<vmem>>
        %dma_start3A_369 = tpu.memref_squeeze %dma_start3A_368 : memref<1x64xi32, #tpu.memory_space<vmem>> -> memref<64xi32, #tpu.memory_space<vmem>>
        %dma_start3A_370 = arith.constant 0 : i32
        %dma_start3A_371 = arith.constant 0 : i32
        %dma_start3A_372 = tpu.memref_slice %arg9[%dma_start3A_370, %dma_start3A_371] : memref<10240x128xf32, #tpu.memory_space<vmem_shared>> -> memref<10240x128xf32, #tpu.memory_space<vmem_shared>>
        tpu.enqueue_indirect_dma source(%arg14 : memref<64x128xf32, #tpu.memory_space<vmem>>) target(%dma_start3A_372 : memref<10240x128xf32, #tpu.memory_space<vmem_shared>>) offsets(%dma_start3A_369 : memref<64xi32, #tpu.memory_space<vmem>>) semaphore(%run_scoped3A_366 : memref<!tpu.dma_semaphore, #tpu.memory_space<semaphore_mem>>) {add = true}
        %dma_wait3A_373 = arith.constant 0 : i32
        %dma_wait3A_374 = tpu.memref_slice %arg11[%run_scoped3A_357, %dma_wait3A_373] : memref<8x64xi32, #tpu.memory_space<vmem>> -> memref<1x64xi32, #tpu.memory_space<vmem>>
        %dma_wait3A_375 = tpu.memref_squeeze %dma_wait3A_374 : memref<1x64xi32, #tpu.memory_space<vmem>> -> memref<64xi32, #tpu.memory_space<vmem>>
        %dma_wait3A_376 = arith.constant 0 : i32
        %dma_wait3A_377 = arith.constant 0 : i32
        %dma_wait3A_378 = tpu.memref_slice %arg9[%dma_wait3A_376, %dma_wait3A_377] : memref<10240x128xf32, #tpu.memory_space<vmem_shared>> -> memref<10240x128xf32, #tpu.memory_space<vmem_shared>>
        tpu.wait_indirect_dma semaphore(%run_scoped3A_366 : memref<!tpu.dma_semaphore, #tpu.memory_space<semaphore_mem>>) src(%arg14 : memref<64x128xf32, #tpu.memory_space<vmem>>) dst(%dma_wait3A_378 : memref<10240x128xf32, #tpu.memory_space<vmem_shared>>)
        tpu.yield
      }) : () -> ()
      %dma_wait3A_358 = arith.constant 7 : i32
      %dma_wait3A_359 = arith.constant 0 : i32
      %dma_wait3A_360 = tpu.memref_slice %arg10[%dma_wait3A_358, %dma_wait3A_359] : memref<8x64xi32, #tpu.memory_space<vmem>> -> memref<1x64xi32, #tpu.memory_space<vmem>>
      %dma_wait3A_361 = tpu.memref_squeeze %dma_wait3A_360 : memref<1x64xi32, #tpu.memory_space<vmem>> -> memref<64xi32, #tpu.memory_space<vmem>>
      %dma_wait3A_362 = arith.constant 0 : i32
      %dma_wait3A_363 = arith.constant 0 : i32
      %dma_wait3A_364 = tpu.memref_slice %arg2[%dma_wait3A_362, %dma_wait3A_363] : memref<20000x128xf32, #tpu.memory_space<hbm>> -> memref<20000x128xf32, #tpu.memory_space<hbm>>
      tpu.wait_indirect_dma semaphore(%arg19 : memref<!tpu.dma_semaphore, #tpu.memory_space<semaphore_mem>>) src(%dma_wait3A_364 : memref<20000x128xf32, #tpu.memory_space<hbm>>) dst(%arg15 : memref<64x128xf32, #tpu.memory_space<vmem>>)
      %run_scoped3A_365 = arith.constant 7 : i32
      "tpu.region"() ({
        %run_scoped3A_366 = tpu.sem_alloc : memref<!tpu.dma_semaphore, #tpu.memory_space<semaphore_mem>>
        %dma_start3A_367 = arith.constant 0 : i32
        %dma_start3A_368 = tpu.memref_slice %arg11[%run_scoped3A_365, %dma_start3A_367] : memref<8x64xi32, #tpu.memory_space<vmem>> -> memref<1x64xi32, #tpu.memory_space<vmem>>
        %dma_start3A_369 = tpu.memref_squeeze %dma_start3A_368 : memref<1x64xi32, #tpu.memory_space<vmem>> -> memref<64xi32, #tpu.memory_space<vmem>>
        %dma_start3A_370 = arith.constant 0 : i32
        %dma_start3A_371 = arith.constant 0 : i32
        %dma_start3A_372 = tpu.memref_slice %arg9[%dma_start3A_370, %dma_start3A_371] : memref<10240x128xf32, #tpu.memory_space<vmem_shared>> -> memref<10240x128xf32, #tpu.memory_space<vmem_shared>>
        tpu.enqueue_indirect_dma source(%arg15 : memref<64x128xf32, #tpu.memory_space<vmem>>) target(%dma_start3A_372 : memref<10240x128xf32, #tpu.memory_space<vmem_shared>>) offsets(%dma_start3A_369 : memref<64xi32, #tpu.memory_space<vmem>>) semaphore(%run_scoped3A_366 : memref<!tpu.dma_semaphore, #tpu.memory_space<semaphore_mem>>) {add = true}
        %dma_wait3A_373 = arith.constant 0 : i32
        %dma_wait3A_374 = tpu.memref_slice %arg11[%run_scoped3A_365, %dma_wait3A_373] : memref<8x64xi32, #tpu.memory_space<vmem>> -> memref<1x64xi32, #tpu.memory_space<vmem>>
        %dma_wait3A_375 = tpu.memref_squeeze %dma_wait3A_374 : memref<1x64xi32, #tpu.memory_space<vmem>> -> memref<64xi32, #tpu.memory_space<vmem>>
        %dma_wait3A_376 = arith.constant 0 : i32
        %dma_wait3A_377 = arith.constant 0 : i32
        %dma_wait3A_378 = tpu.memref_slice %arg9[%dma_wait3A_376, %dma_wait3A_377] : memref<10240x128xf32, #tpu.memory_space<vmem_shared>> -> memref<10240x128xf32, #tpu.memory_space<vmem_shared>>
        tpu.wait_indirect_dma semaphore(%run_scoped3A_366 : memref<!tpu.dma_semaphore, #tpu.memory_space<semaphore_mem>>) src(%arg15 : memref<64x128xf32, #tpu.memory_space<vmem>>) dst(%dma_wait3A_378 : memref<10240x128xf32, #tpu.memory_space<vmem_shared>>)
        tpu.yield
      }) : () -> ()
    }
    %scan3A_24 = arith.constant 20 : i32
    %barrier3A_25 = arith.constant 0 : index
    tpu.barrier barrier_id(%barrier3A_25)
    %add3A_26 = arith.constant 0 : i32
    %add3A_27 = arith.addi %mul3A_0, %add3A_26 : i32
    "tpu.region"() ({
      %run_scoped3A = tpu.sem_alloc : memref<!tpu.dma_semaphore, #tpu.memory_space<semaphore_mem>>
      %dma_start3A = arith.constant 0 : i32
      %dma_start3A_194 = tpu.memref_slice %arg9[%add3A_27, %dma_start3A] : memref<10240x128xf32, #tpu.memory_space<vmem_shared>> -> memref<64x128xf32, #tpu.memory_space<vmem_shared>>
      %dma_start3A_195 = arith.constant 0 : i32
      %dma_start3A_196 = tpu.memref_slice %arg9[%add3A_27, %dma_start3A_195] : memref<10240x128xf32, #tpu.memory_space<vmem_shared>> -> memref<64x128xf32, #tpu.memory_space<vmem_shared>>
      tpu.enqueue_dma source(%dma_start3A_196 : memref<64x128xf32, #tpu.memory_space<vmem_shared>>) target(%arg12 : memref<64x128xf32, #tpu.memory_space<vmem>>) target_semaphore(%run_scoped3A : memref<!tpu.dma_semaphore, #tpu.memory_space<semaphore_mem>>)
      %dma_wait3A = arith.constant 0 : i32
      %dma_wait3A_197 = tpu.memref_slice %arg9[%add3A_27, %dma_wait3A] : memref<10240x128xf32, #tpu.memory_space<vmem_shared>> -> memref<64x128xf32, #tpu.memory_space<vmem_shared>>
      %dma_wait3A_198 = arith.constant 0 : i32
      %dma_wait3A_199 = tpu.memref_slice %arg9[%add3A_27, %dma_wait3A_198] : memref<10240x128xf32, #tpu.memory_space<vmem_shared>> -> memref<64x128xf32, #tpu.memory_space<vmem_shared>>
      tpu.wait_dma2 semaphore(%run_scoped3A : memref<!tpu.dma_semaphore, #tpu.memory_space<semaphore_mem>>) src(%dma_wait3A_199 : memref<64x128xf32, #tpu.memory_space<vmem_shared>>) dst(%arg12 : memref<64x128xf32, #tpu.memory_space<vmem>>)
      tpu.yield
    }) : () -> ()
    %mul3A_28 = arith.constant 10240 : i32
    %mul3A_29 = arith.muli %arg0, %mul3A_28 : i32
    %add3A_30 = arith.addi %mul3A_29, %mul3A_0 : i32
    %add3A_31 = arith.constant 0 : i32
    %add3A_32 = arith.addi %add3A_30, %add3A_31 : i32
    "tpu.region"() ({
      %run_scoped3A = tpu.sem_alloc : memref<!tpu.dma_semaphore, #tpu.memory_space<semaphore_mem>>
      %dma_start3A = arith.constant 0 : i32
      %dma_start3A_194 = tpu.memref_slice %arg7[%add3A_32, %dma_start3A] : memref<20480x128xf32, #tpu.memory_space<hbm>> -> memref<64x128xf32, #tpu.memory_space<hbm>>
      %dma_start3A_195 = arith.constant 0 : i32
      %dma_start3A_196 = tpu.memref_slice %arg7[%add3A_32, %dma_start3A_195] : memref<20480x128xf32, #tpu.memory_space<hbm>> -> memref<64x128xf32, #tpu.memory_space<hbm>>
      tpu.enqueue_dma source(%arg12 : memref<64x128xf32, #tpu.memory_space<vmem>>) target(%dma_start3A_196 : memref<64x128xf32, #tpu.memory_space<hbm>>) target_semaphore(%run_scoped3A : memref<!tpu.dma_semaphore, #tpu.memory_space<semaphore_mem>>)
      %dma_wait3A = arith.constant 0 : i32
      %dma_wait3A_197 = tpu.memref_slice %arg7[%add3A_32, %dma_wait3A] : memref<20480x128xf32, #tpu.memory_space<hbm>> -> memref<64x128xf32, #tpu.memory_space<hbm>>
      %dma_wait3A_198 = arith.constant 0 : i32
      %dma_wait3A_199 = tpu.memref_slice %arg7[%add3A_32, %dma_wait3A_198] : memref<20480x128xf32, #tpu.memory_space<hbm>> -> memref<64x128xf32, #tpu.memory_space<hbm>>
      tpu.wait_dma2 semaphore(%run_scoped3A : memref<!tpu.dma_semaphore, #tpu.memory_space<semaphore_mem>>) src(%arg12 : memref<64x128xf32, #tpu.memory_space<vmem>>) dst(%dma_wait3A_199 : memref<64x128xf32, #tpu.memory_space<hbm>>)
      tpu.yield
    }) : () -> ()
    %add3A_33 = arith.constant 64 : i32
    %add3A_34 = arith.addi %mul3A_0, %add3A_33 : i32
    "tpu.region"() ({
      %run_scoped3A = tpu.sem_alloc : memref<!tpu.dma_semaphore, #tpu.memory_space<semaphore_mem>>
      %dma_start3A = arith.constant 0 : i32
      %dma_start3A_194 = tpu.memref_slice %arg9[%add3A_34, %dma_start3A] : memref<10240x128xf32, #tpu.memory_space<vmem_shared>> -> memref<64x128xf32, #tpu.memory_space<vmem_shared>>
      %dma_start3A_195 = arith.constant 0 : i32
      %dma_start3A_196 = tpu.memref_slice %arg9[%add3A_34, %dma_start3A_195] : memref<10240x128xf32, #tpu.memory_space<vmem_shared>> -> memref<64x128xf32, #tpu.memory_space<vmem_shared>>
      tpu.enqueue_dma source(%dma_start3A_196 : memref<64x128xf32, #tpu.memory_space<vmem_shared>>) target(%arg12 : memref<64x128xf32, #tpu.memory_space<vmem>>) target_semaphore(%run_scoped3A : memref<!tpu.dma_semaphore, #tpu.memory_space<semaphore_mem>>)
      %dma_wait3A = arith.constant 0 : i32
      %dma_wait3A_197 = tpu.memref_slice %arg9[%add3A_34, %dma_wait3A] : memref<10240x128xf32, #tpu.memory_space<vmem_shared>> -> memref<64x128xf32, #tpu.memory_space<vmem_shared>>
      %dma_wait3A_198 = arith.constant 0 : i32
      %dma_wait3A_199 = tpu.memref_slice %arg9[%add3A_34, %dma_wait3A_198] : memref<10240x128xf32, #tpu.memory_space<vmem_shared>> -> memref<64x128xf32, #tpu.memory_space<vmem_shared>>
      tpu.wait_dma2 semaphore(%run_scoped3A : memref<!tpu.dma_semaphore, #tpu.memory_space<semaphore_mem>>) src(%dma_wait3A_199 : memref<64x128xf32, #tpu.memory_space<vmem_shared>>) dst(%arg12 : memref<64x128xf32, #tpu.memory_space<vmem>>)
      tpu.yield
    }) : () -> ()
    %mul3A_35 = arith.constant 10240 : i32
    %mul3A_36 = arith.muli %arg0, %mul3A_35 : i32
    %add3A_37 = arith.addi %mul3A_36, %mul3A_0 : i32
    %add3A_38 = arith.constant 64 : i32
    %add3A_39 = arith.addi %add3A_37, %add3A_38 : i32
    "tpu.region"() ({
      %run_scoped3A = tpu.sem_alloc : memref<!tpu.dma_semaphore, #tpu.memory_space<semaphore_mem>>
      %dma_start3A = arith.constant 0 : i32
      %dma_start3A_194 = tpu.memref_slice %arg7[%add3A_39, %dma_start3A] : memref<20480x128xf32, #tpu.memory_space<hbm>> -> memref<64x128xf32, #tpu.memory_space<hbm>>
      %dma_start3A_195 = arith.constant 0 : i32
      %dma_start3A_196 = tpu.memref_slice %arg7[%add3A_39, %dma_start3A_195] : memref<20480x128xf32, #tpu.memory_space<hbm>> -> memref<64x128xf32, #tpu.memory_space<hbm>>
      tpu.enqueue_dma source(%arg12 : memref<64x128xf32, #tpu.memory_space<vmem>>) target(%dma_start3A_196 : memref<64x128xf32, #tpu.memory_space<hbm>>) target_semaphore(%run_scoped3A : memref<!tpu.dma_semaphore, #tpu.memory_space<semaphore_mem>>)
      %dma_wait3A = arith.constant 0 : i32
      %dma_wait3A_197 = tpu.memref_slice %arg7[%add3A_39, %dma_wait3A] : memref<20480x128xf32, #tpu.memory_space<hbm>> -> memref<64x128xf32, #tpu.memory_space<hbm>>
      %dma_wait3A_198 = arith.constant 0 : i32
      %dma_wait3A_199 = tpu.memref_slice %arg7[%add3A_39, %dma_wait3A_198] : memref<20480x128xf32, #tpu.memory_space<hbm>> -> memref<64x128xf32, #tpu.memory_space<hbm>>
      tpu.wait_dma2 semaphore(%run_scoped3A : memref<!tpu.dma_semaphore, #tpu.memory_space<semaphore_mem>>) src(%arg12 : memref<64x128xf32, #tpu.memory_space<vmem>>) dst(%dma_wait3A_199 : memref<64x128xf32, #tpu.memory_space<hbm>>)
      tpu.yield
    }) : () -> ()
    %add3A_40 = arith.constant 128 : i32
    %add3A_41 = arith.addi %mul3A_0, %add3A_40 : i32
    "tpu.region"() ({
      %run_scoped3A = tpu.sem_alloc : memref<!tpu.dma_semaphore, #tpu.memory_space<semaphore_mem>>
      %dma_start3A = arith.constant 0 : i32
      %dma_start3A_194 = tpu.memref_slice %arg9[%add3A_41, %dma_start3A] : memref<10240x128xf32, #tpu.memory_space<vmem_shared>> -> memref<64x128xf32, #tpu.memory_space<vmem_shared>>
      %dma_start3A_195 = arith.constant 0 : i32
      %dma_start3A_196 = tpu.memref_slice %arg9[%add3A_41, %dma_start3A_195] : memref<10240x128xf32, #tpu.memory_space<vmem_shared>> -> memref<64x128xf32, #tpu.memory_space<vmem_shared>>
      tpu.enqueue_dma source(%dma_start3A_196 : memref<64x128xf32, #tpu.memory_space<vmem_shared>>) target(%arg12 : memref<64x128xf32, #tpu.memory_space<vmem>>) target_semaphore(%run_scoped3A : memref<!tpu.dma_semaphore, #tpu.memory_space<semaphore_mem>>)
      %dma_wait3A = arith.constant 0 : i32
      %dma_wait3A_197 = tpu.memref_slice %arg9[%add3A_41, %dma_wait3A] : memref<10240x128xf32, #tpu.memory_space<vmem_shared>> -> memref<64x128xf32, #tpu.memory_space<vmem_shared>>
      %dma_wait3A_198 = arith.constant 0 : i32
      %dma_wait3A_199 = tpu.memref_slice %arg9[%add3A_41, %dma_wait3A_198] : memref<10240x128xf32, #tpu.memory_space<vmem_shared>> -> memref<64x128xf32, #tpu.memory_space<vmem_shared>>
      tpu.wait_dma2 semaphore(%run_scoped3A : memref<!tpu.dma_semaphore, #tpu.memory_space<semaphore_mem>>) src(%dma_wait3A_199 : memref<64x128xf32, #tpu.memory_space<vmem_shared>>) dst(%arg12 : memref<64x128xf32, #tpu.memory_space<vmem>>)
      tpu.yield
    }) : () -> ()
    %mul3A_42 = arith.constant 10240 : i32
    %mul3A_43 = arith.muli %arg0, %mul3A_42 : i32
    %add3A_44 = arith.addi %mul3A_43, %mul3A_0 : i32
    %add3A_45 = arith.constant 128 : i32
    %add3A_46 = arith.addi %add3A_44, %add3A_45 : i32
    "tpu.region"() ({
      %run_scoped3A = tpu.sem_alloc : memref<!tpu.dma_semaphore, #tpu.memory_space<semaphore_mem>>
      %dma_start3A = arith.constant 0 : i32
      %dma_start3A_194 = tpu.memref_slice %arg7[%add3A_46, %dma_start3A] : memref<20480x128xf32, #tpu.memory_space<hbm>> -> memref<64x128xf32, #tpu.memory_space<hbm>>
      %dma_start3A_195 = arith.constant 0 : i32
      %dma_start3A_196 = tpu.memref_slice %arg7[%add3A_46, %dma_start3A_195] : memref<20480x128xf32, #tpu.memory_space<hbm>> -> memref<64x128xf32, #tpu.memory_space<hbm>>
      tpu.enqueue_dma source(%arg12 : memref<64x128xf32, #tpu.memory_space<vmem>>) target(%dma_start3A_196 : memref<64x128xf32, #tpu.memory_space<hbm>>) target_semaphore(%run_scoped3A : memref<!tpu.dma_semaphore, #tpu.memory_space<semaphore_mem>>)
      %dma_wait3A = arith.constant 0 : i32
      %dma_wait3A_197 = tpu.memref_slice %arg7[%add3A_46, %dma_wait3A] : memref<20480x128xf32, #tpu.memory_space<hbm>> -> memref<64x128xf32, #tpu.memory_space<hbm>>
      %dma_wait3A_198 = arith.constant 0 : i32
      %dma_wait3A_199 = tpu.memref_slice %arg7[%add3A_46, %dma_wait3A_198] : memref<20480x128xf32, #tpu.memory_space<hbm>> -> memref<64x128xf32, #tpu.memory_space<hbm>>
      tpu.wait_dma2 semaphore(%run_scoped3A : memref<!tpu.dma_semaphore, #tpu.memory_space<semaphore_mem>>) src(%arg12 : memref<64x128xf32, #tpu.memory_space<vmem>>) dst(%dma_wait3A_199 : memref<64x128xf32, #tpu.memory_space<hbm>>)
      tpu.yield
    }) : () -> ()
    %add3A_47 = arith.constant 192 : i32
    %add3A_48 = arith.addi %mul3A_0, %add3A_47 : i32
    "tpu.region"() ({
      %run_scoped3A = tpu.sem_alloc : memref<!tpu.dma_semaphore, #tpu.memory_space<semaphore_mem>>
      %dma_start3A = arith.constant 0 : i32
      %dma_start3A_194 = tpu.memref_slice %arg9[%add3A_48, %dma_start3A] : memref<10240x128xf32, #tpu.memory_space<vmem_shared>> -> memref<64x128xf32, #tpu.memory_space<vmem_shared>>
      %dma_start3A_195 = arith.constant 0 : i32
      %dma_start3A_196 = tpu.memref_slice %arg9[%add3A_48, %dma_start3A_195] : memref<10240x128xf32, #tpu.memory_space<vmem_shared>> -> memref<64x128xf32, #tpu.memory_space<vmem_shared>>
      tpu.enqueue_dma source(%dma_start3A_196 : memref<64x128xf32, #tpu.memory_space<vmem_shared>>) target(%arg12 : memref<64x128xf32, #tpu.memory_space<vmem>>) target_semaphore(%run_scoped3A : memref<!tpu.dma_semaphore, #tpu.memory_space<semaphore_mem>>)
      %dma_wait3A = arith.constant 0 : i32
      %dma_wait3A_197 = tpu.memref_slice %arg9[%add3A_48, %dma_wait3A] : memref<10240x128xf32, #tpu.memory_space<vmem_shared>> -> memref<64x128xf32, #tpu.memory_space<vmem_shared>>
      %dma_wait3A_198 = arith.constant 0 : i32
      %dma_wait3A_199 = tpu.memref_slice %arg9[%add3A_48, %dma_wait3A_198] : memref<10240x128xf32, #tpu.memory_space<vmem_shared>> -> memref<64x128xf32, #tpu.memory_space<vmem_shared>>
      tpu.wait_dma2 semaphore(%run_scoped3A : memref<!tpu.dma_semaphore, #tpu.memory_space<semaphore_mem>>) src(%dma_wait3A_199 : memref<64x128xf32, #tpu.memory_space<vmem_shared>>) dst(%arg12 : memref<64x128xf32, #tpu.memory_space<vmem>>)
      tpu.yield
    }) : () -> ()
    %mul3A_49 = arith.constant 10240 : i32
    %mul3A_50 = arith.muli %arg0, %mul3A_49 : i32
    %add3A_51 = arith.addi %mul3A_50, %mul3A_0 : i32
    %add3A_52 = arith.constant 192 : i32
    %add3A_53 = arith.addi %add3A_51, %add3A_52 : i32
    "tpu.region"() ({
      %run_scoped3A = tpu.sem_alloc : memref<!tpu.dma_semaphore, #tpu.memory_space<semaphore_mem>>
      %dma_start3A = arith.constant 0 : i32
      %dma_start3A_194 = tpu.memref_slice %arg7[%add3A_53, %dma_start3A] : memref<20480x128xf32, #tpu.memory_space<hbm>> -> memref<64x128xf32, #tpu.memory_space<hbm>>
      %dma_start3A_195 = arith.constant 0 : i32
      %dma_start3A_196 = tpu.memref_slice %arg7[%add3A_53, %dma_start3A_195] : memref<20480x128xf32, #tpu.memory_space<hbm>> -> memref<64x128xf32, #tpu.memory_space<hbm>>
      tpu.enqueue_dma source(%arg12 : memref<64x128xf32, #tpu.memory_space<vmem>>) target(%dma_start3A_196 : memref<64x128xf32, #tpu.memory_space<hbm>>) target_semaphore(%run_scoped3A : memref<!tpu.dma_semaphore, #tpu.memory_space<semaphore_mem>>)
      %dma_wait3A = arith.constant 0 : i32
      %dma_wait3A_197 = tpu.memref_slice %arg7[%add3A_53, %dma_wait3A] : memref<20480x128xf32, #tpu.memory_space<hbm>> -> memref<64x128xf32, #tpu.memory_space<hbm>>
      %dma_wait3A_198 = arith.constant 0 : i32
      %dma_wait3A_199 = tpu.memref_slice %arg7[%add3A_53, %dma_wait3A_198] : memref<20480x128xf32, #tpu.memory_space<hbm>> -> memref<64x128xf32, #tpu.memory_space<hbm>>
      tpu.wait_dma2 semaphore(%run_scoped3A : memref<!tpu.dma_semaphore, #tpu.memory_space<semaphore_mem>>) src(%arg12 : memref<64x128xf32, #tpu.memory_space<vmem>>) dst(%dma_wait3A_199 : memref<64x128xf32, #tpu.memory_space<hbm>>)
      tpu.yield
    }) : () -> ()
    %add3A_54 = arith.constant 256 : i32
    %add3A_55 = arith.addi %mul3A_0, %add3A_54 : i32
    "tpu.region"() ({
      %run_scoped3A = tpu.sem_alloc : memref<!tpu.dma_semaphore, #tpu.memory_space<semaphore_mem>>
      %dma_start3A = arith.constant 0 : i32
      %dma_start3A_194 = tpu.memref_slice %arg9[%add3A_55, %dma_start3A] : memref<10240x128xf32, #tpu.memory_space<vmem_shared>> -> memref<64x128xf32, #tpu.memory_space<vmem_shared>>
      %dma_start3A_195 = arith.constant 0 : i32
      %dma_start3A_196 = tpu.memref_slice %arg9[%add3A_55, %dma_start3A_195] : memref<10240x128xf32, #tpu.memory_space<vmem_shared>> -> memref<64x128xf32, #tpu.memory_space<vmem_shared>>
      tpu.enqueue_dma source(%dma_start3A_196 : memref<64x128xf32, #tpu.memory_space<vmem_shared>>) target(%arg12 : memref<64x128xf32, #tpu.memory_space<vmem>>) target_semaphore(%run_scoped3A : memref<!tpu.dma_semaphore, #tpu.memory_space<semaphore_mem>>)
      %dma_wait3A = arith.constant 0 : i32
      %dma_wait3A_197 = tpu.memref_slice %arg9[%add3A_55, %dma_wait3A] : memref<10240x128xf32, #tpu.memory_space<vmem_shared>> -> memref<64x128xf32, #tpu.memory_space<vmem_shared>>
      %dma_wait3A_198 = arith.constant 0 : i32
      %dma_wait3A_199 = tpu.memref_slice %arg9[%add3A_55, %dma_wait3A_198] : memref<10240x128xf32, #tpu.memory_space<vmem_shared>> -> memref<64x128xf32, #tpu.memory_space<vmem_shared>>
      tpu.wait_dma2 semaphore(%run_scoped3A : memref<!tpu.dma_semaphore, #tpu.memory_space<semaphore_mem>>) src(%dma_wait3A_199 : memref<64x128xf32, #tpu.memory_space<vmem_shared>>) dst(%arg12 : memref<64x128xf32, #tpu.memory_space<vmem>>)
      tpu.yield
    }) : () -> ()
    %mul3A_56 = arith.constant 10240 : i32
    %mul3A_57 = arith.muli %arg0, %mul3A_56 : i32
    %add3A_58 = arith.addi %mul3A_57, %mul3A_0 : i32
    %add3A_59 = arith.constant 256 : i32
    %add3A_60 = arith.addi %add3A_58, %add3A_59 : i32
    "tpu.region"() ({
      %run_scoped3A = tpu.sem_alloc : memref<!tpu.dma_semaphore, #tpu.memory_space<semaphore_mem>>
      %dma_start3A = arith.constant 0 : i32
      %dma_start3A_194 = tpu.memref_slice %arg7[%add3A_60, %dma_start3A] : memref<20480x128xf32, #tpu.memory_space<hbm>> -> memref<64x128xf32, #tpu.memory_space<hbm>>
      %dma_start3A_195 = arith.constant 0 : i32
      %dma_start3A_196 = tpu.memref_slice %arg7[%add3A_60, %dma_start3A_195] : memref<20480x128xf32, #tpu.memory_space<hbm>> -> memref<64x128xf32, #tpu.memory_space<hbm>>
      tpu.enqueue_dma source(%arg12 : memref<64x128xf32, #tpu.memory_space<vmem>>) target(%dma_start3A_196 : memref<64x128xf32, #tpu.memory_space<hbm>>) target_semaphore(%run_scoped3A : memref<!tpu.dma_semaphore, #tpu.memory_space<semaphore_mem>>)
      %dma_wait3A = arith.constant 0 : i32
      %dma_wait3A_197 = tpu.memref_slice %arg7[%add3A_60, %dma_wait3A] : memref<20480x128xf32, #tpu.memory_space<hbm>> -> memref<64x128xf32, #tpu.memory_space<hbm>>
      %dma_wait3A_198 = arith.constant 0 : i32
      %dma_wait3A_199 = tpu.memref_slice %arg7[%add3A_60, %dma_wait3A_198] : memref<20480x128xf32, #tpu.memory_space<hbm>> -> memref<64x128xf32, #tpu.memory_space<hbm>>
      tpu.wait_dma2 semaphore(%run_scoped3A : memref<!tpu.dma_semaphore, #tpu.memory_space<semaphore_mem>>) src(%arg12 : memref<64x128xf32, #tpu.memory_space<vmem>>) dst(%dma_wait3A_199 : memref<64x128xf32, #tpu.memory_space<hbm>>)
      tpu.yield
    }) : () -> ()
    %add3A_61 = arith.constant 320 : i32
    %add3A_62 = arith.addi %mul3A_0, %add3A_61 : i32
    "tpu.region"() ({
      %run_scoped3A = tpu.sem_alloc : memref<!tpu.dma_semaphore, #tpu.memory_space<semaphore_mem>>
      %dma_start3A = arith.constant 0 : i32
      %dma_start3A_194 = tpu.memref_slice %arg9[%add3A_62, %dma_start3A] : memref<10240x128xf32, #tpu.memory_space<vmem_shared>> -> memref<64x128xf32, #tpu.memory_space<vmem_shared>>
      %dma_start3A_195 = arith.constant 0 : i32
      %dma_start3A_196 = tpu.memref_slice %arg9[%add3A_62, %dma_start3A_195] : memref<10240x128xf32, #tpu.memory_space<vmem_shared>> -> memref<64x128xf32, #tpu.memory_space<vmem_shared>>
      tpu.enqueue_dma source(%dma_start3A_196 : memref<64x128xf32, #tpu.memory_space<vmem_shared>>) target(%arg12 : memref<64x128xf32, #tpu.memory_space<vmem>>) target_semaphore(%run_scoped3A : memref<!tpu.dma_semaphore, #tpu.memory_space<semaphore_mem>>)
      %dma_wait3A = arith.constant 0 : i32
      %dma_wait3A_197 = tpu.memref_slice %arg9[%add3A_62, %dma_wait3A] : memref<10240x128xf32, #tpu.memory_space<vmem_shared>> -> memref<64x128xf32, #tpu.memory_space<vmem_shared>>
      %dma_wait3A_198 = arith.constant 0 : i32
      %dma_wait3A_199 = tpu.memref_slice %arg9[%add3A_62, %dma_wait3A_198] : memref<10240x128xf32, #tpu.memory_space<vmem_shared>> -> memref<64x128xf32, #tpu.memory_space<vmem_shared>>
      tpu.wait_dma2 semaphore(%run_scoped3A : memref<!tpu.dma_semaphore, #tpu.memory_space<semaphore_mem>>) src(%dma_wait3A_199 : memref<64x128xf32, #tpu.memory_space<vmem_shared>>) dst(%arg12 : memref<64x128xf32, #tpu.memory_space<vmem>>)
      tpu.yield
    }) : () -> ()
    %mul3A_63 = arith.constant 10240 : i32
    %mul3A_64 = arith.muli %arg0, %mul3A_63 : i32
    %add3A_65 = arith.addi %mul3A_64, %mul3A_0 : i32
    %add3A_66 = arith.constant 320 : i32
    %add3A_67 = arith.addi %add3A_65, %add3A_66 : i32
    "tpu.region"() ({
      %run_scoped3A = tpu.sem_alloc : memref<!tpu.dma_semaphore, #tpu.memory_space<semaphore_mem>>
      %dma_start3A = arith.constant 0 : i32
      %dma_start3A_194 = tpu.memref_slice %arg7[%add3A_67, %dma_start3A] : memref<20480x128xf32, #tpu.memory_space<hbm>> -> memref<64x128xf32, #tpu.memory_space<hbm>>
      %dma_start3A_195 = arith.constant 0 : i32
      %dma_start3A_196 = tpu.memref_slice %arg7[%add3A_67, %dma_start3A_195] : memref<20480x128xf32, #tpu.memory_space<hbm>> -> memref<64x128xf32, #tpu.memory_space<hbm>>
      tpu.enqueue_dma source(%arg12 : memref<64x128xf32, #tpu.memory_space<vmem>>) target(%dma_start3A_196 : memref<64x128xf32, #tpu.memory_space<hbm>>) target_semaphore(%run_scoped3A : memref<!tpu.dma_semaphore, #tpu.memory_space<semaphore_mem>>)
      %dma_wait3A = arith.constant 0 : i32
      %dma_wait3A_197 = tpu.memref_slice %arg7[%add3A_67, %dma_wait3A] : memref<20480x128xf32, #tpu.memory_space<hbm>> -> memref<64x128xf32, #tpu.memory_space<hbm>>
      %dma_wait3A_198 = arith.constant 0 : i32
      %dma_wait3A_199 = tpu.memref_slice %arg7[%add3A_67, %dma_wait3A_198] : memref<20480x128xf32, #tpu.memory_space<hbm>> -> memref<64x128xf32, #tpu.memory_space<hbm>>
      tpu.wait_dma2 semaphore(%run_scoped3A : memref<!tpu.dma_semaphore, #tpu.memory_space<semaphore_mem>>) src(%arg12 : memref<64x128xf32, #tpu.memory_space<vmem>>) dst(%dma_wait3A_199 : memref<64x128xf32, #tpu.memory_space<hbm>>)
      tpu.yield
    }) : () -> ()
    %add3A_68 = arith.constant 384 : i32
    %add3A_69 = arith.addi %mul3A_0, %add3A_68 : i32
    "tpu.region"() ({
      %run_scoped3A = tpu.sem_alloc : memref<!tpu.dma_semaphore, #tpu.memory_space<semaphore_mem>>
      %dma_start3A = arith.constant 0 : i32
      %dma_start3A_194 = tpu.memref_slice %arg9[%add3A_69, %dma_start3A] : memref<10240x128xf32, #tpu.memory_space<vmem_shared>> -> memref<64x128xf32, #tpu.memory_space<vmem_shared>>
      %dma_start3A_195 = arith.constant 0 : i32
      %dma_start3A_196 = tpu.memref_slice %arg9[%add3A_69, %dma_start3A_195] : memref<10240x128xf32, #tpu.memory_space<vmem_shared>> -> memref<64x128xf32, #tpu.memory_space<vmem_shared>>
      tpu.enqueue_dma source(%dma_start3A_196 : memref<64x128xf32, #tpu.memory_space<vmem_shared>>) target(%arg12 : memref<64x128xf32, #tpu.memory_space<vmem>>) target_semaphore(%run_scoped3A : memref<!tpu.dma_semaphore, #tpu.memory_space<semaphore_mem>>)
      %dma_wait3A = arith.constant 0 : i32
      %dma_wait3A_197 = tpu.memref_slice %arg9[%add3A_69, %dma_wait3A] : memref<10240x128xf32, #tpu.memory_space<vmem_shared>> -> memref<64x128xf32, #tpu.memory_space<vmem_shared>>
      %dma_wait3A_198 = arith.constant 0 : i32
      %dma_wait3A_199 = tpu.memref_slice %arg9[%add3A_69, %dma_wait3A_198] : memref<10240x128xf32, #tpu.memory_space<vmem_shared>> -> memref<64x128xf32, #tpu.memory_space<vmem_shared>>
      tpu.wait_dma2 semaphore(%run_scoped3A : memref<!tpu.dma_semaphore, #tpu.memory_space<semaphore_mem>>) src(%dma_wait3A_199 : memref<64x128xf32, #tpu.memory_space<vmem_shared>>) dst(%arg12 : memref<64x128xf32, #tpu.memory_space<vmem>>)
      tpu.yield
    }) : () -> ()
    %mul3A_70 = arith.constant 10240 : i32
    %mul3A_71 = arith.muli %arg0, %mul3A_70 : i32
    %add3A_72 = arith.addi %mul3A_71, %mul3A_0 : i32
    %add3A_73 = arith.constant 384 : i32
    %add3A_74 = arith.addi %add3A_72, %add3A_73 : i32
    "tpu.region"() ({
      %run_scoped3A = tpu.sem_alloc : memref<!tpu.dma_semaphore, #tpu.memory_space<semaphore_mem>>
      %dma_start3A = arith.constant 0 : i32
      %dma_start3A_194 = tpu.memref_slice %arg7[%add3A_74, %dma_start3A] : memref<20480x128xf32, #tpu.memory_space<hbm>> -> memref<64x128xf32, #tpu.memory_space<hbm>>
      %dma_start3A_195 = arith.constant 0 : i32
      %dma_start3A_196 = tpu.memref_slice %arg7[%add3A_74, %dma_start3A_195] : memref<20480x128xf32, #tpu.memory_space<hbm>> -> memref<64x128xf32, #tpu.memory_space<hbm>>
      tpu.enqueue_dma source(%arg12 : memref<64x128xf32, #tpu.memory_space<vmem>>) target(%dma_start3A_196 : memref<64x128xf32, #tpu.memory_space<hbm>>) target_semaphore(%run_scoped3A : memref<!tpu.dma_semaphore, #tpu.memory_space<semaphore_mem>>)
      %dma_wait3A = arith.constant 0 : i32
      %dma_wait3A_197 = tpu.memref_slice %arg7[%add3A_74, %dma_wait3A] : memref<20480x128xf32, #tpu.memory_space<hbm>> -> memref<64x128xf32, #tpu.memory_space<hbm>>
      %dma_wait3A_198 = arith.constant 0 : i32
      %dma_wait3A_199 = tpu.memref_slice %arg7[%add3A_74, %dma_wait3A_198] : memref<20480x128xf32, #tpu.memory_space<hbm>> -> memref<64x128xf32, #tpu.memory_space<hbm>>
      tpu.wait_dma2 semaphore(%run_scoped3A : memref<!tpu.dma_semaphore, #tpu.memory_space<semaphore_mem>>) src(%arg12 : memref<64x128xf32, #tpu.memory_space<vmem>>) dst(%dma_wait3A_199 : memref<64x128xf32, #tpu.memory_space<hbm>>)
      tpu.yield
    }) : () -> ()
    %add3A_75 = arith.constant 448 : i32
    %add3A_76 = arith.addi %mul3A_0, %add3A_75 : i32
    "tpu.region"() ({
      %run_scoped3A = tpu.sem_alloc : memref<!tpu.dma_semaphore, #tpu.memory_space<semaphore_mem>>
      %dma_start3A = arith.constant 0 : i32
      %dma_start3A_194 = tpu.memref_slice %arg9[%add3A_76, %dma_start3A] : memref<10240x128xf32, #tpu.memory_space<vmem_shared>> -> memref<64x128xf32, #tpu.memory_space<vmem_shared>>
      %dma_start3A_195 = arith.constant 0 : i32
      %dma_start3A_196 = tpu.memref_slice %arg9[%add3A_76, %dma_start3A_195] : memref<10240x128xf32, #tpu.memory_space<vmem_shared>> -> memref<64x128xf32, #tpu.memory_space<vmem_shared>>
      tpu.enqueue_dma source(%dma_start3A_196 : memref<64x128xf32, #tpu.memory_space<vmem_shared>>) target(%arg12 : memref<64x128xf32, #tpu.memory_space<vmem>>) target_semaphore(%run_scoped3A : memref<!tpu.dma_semaphore, #tpu.memory_space<semaphore_mem>>)
      %dma_wait3A = arith.constant 0 : i32
      %dma_wait3A_197 = tpu.memref_slice %arg9[%add3A_76, %dma_wait3A] : memref<10240x128xf32, #tpu.memory_space<vmem_shared>> -> memref<64x128xf32, #tpu.memory_space<vmem_shared>>
      %dma_wait3A_198 = arith.constant 0 : i32
      %dma_wait3A_199 = tpu.memref_slice %arg9[%add3A_76, %dma_wait3A_198] : memref<10240x128xf32, #tpu.memory_space<vmem_shared>> -> memref<64x128xf32, #tpu.memory_space<vmem_shared>>
      tpu.wait_dma2 semaphore(%run_scoped3A : memref<!tpu.dma_semaphore, #tpu.memory_space<semaphore_mem>>) src(%dma_wait3A_199 : memref<64x128xf32, #tpu.memory_space<vmem_shared>>) dst(%arg12 : memref<64x128xf32, #tpu.memory_space<vmem>>)
      tpu.yield
    }) : () -> ()
    %mul3A_77 = arith.constant 10240 : i32
    %mul3A_78 = arith.muli %arg0, %mul3A_77 : i32
    %add3A_79 = arith.addi %mul3A_78, %mul3A_0 : i32
    %add3A_80 = arith.constant 448 : i32
    %add3A_81 = arith.addi %add3A_79, %add3A_80 : i32
    "tpu.region"() ({
      %run_scoped3A = tpu.sem_alloc : memref<!tpu.dma_semaphore, #tpu.memory_space<semaphore_mem>>
      %dma_start3A = arith.constant 0 : i32
      %dma_start3A_194 = tpu.memref_slice %arg7[%add3A_81, %dma_start3A] : memref<20480x128xf32, #tpu.memory_space<hbm>> -> memref<64x128xf32, #tpu.memory_space<hbm>>
      %dma_start3A_195 = arith.constant 0 : i32
      %dma_start3A_196 = tpu.memref_slice %arg7[%add3A_81, %dma_start3A_195] : memref<20480x128xf32, #tpu.memory_space<hbm>> -> memref<64x128xf32, #tpu.memory_space<hbm>>
      tpu.enqueue_dma source(%arg12 : memref<64x128xf32, #tpu.memory_space<vmem>>) target(%dma_start3A_196 : memref<64x128xf32, #tpu.memory_space<hbm>>) target_semaphore(%run_scoped3A : memref<!tpu.dma_semaphore, #tpu.memory_space<semaphore_mem>>)
      %dma_wait3A = arith.constant 0 : i32
      %dma_wait3A_197 = tpu.memref_slice %arg7[%add3A_81, %dma_wait3A] : memref<20480x128xf32, #tpu.memory_space<hbm>> -> memref<64x128xf32, #tpu.memory_space<hbm>>
      %dma_wait3A_198 = arith.constant 0 : i32
      %dma_wait3A_199 = tpu.memref_slice %arg7[%add3A_81, %dma_wait3A_198] : memref<20480x128xf32, #tpu.memory_space<hbm>> -> memref<64x128xf32, #tpu.memory_space<hbm>>
      tpu.wait_dma2 semaphore(%run_scoped3A : memref<!tpu.dma_semaphore, #tpu.memory_space<semaphore_mem>>) src(%arg12 : memref<64x128xf32, #tpu.memory_space<vmem>>) dst(%dma_wait3A_199 : memref<64x128xf32, #tpu.memory_space<hbm>>)
      tpu.yield
    }) : () -> ()
    %add3A_82 = arith.constant 512 : i32
    %add3A_83 = arith.addi %mul3A_0, %add3A_82 : i32
    "tpu.region"() ({
      %run_scoped3A = tpu.sem_alloc : memref<!tpu.dma_semaphore, #tpu.memory_space<semaphore_mem>>
      %dma_start3A = arith.constant 0 : i32
      %dma_start3A_194 = tpu.memref_slice %arg9[%add3A_83, %dma_start3A] : memref<10240x128xf32, #tpu.memory_space<vmem_shared>> -> memref<64x128xf32, #tpu.memory_space<vmem_shared>>
      %dma_start3A_195 = arith.constant 0 : i32
      %dma_start3A_196 = tpu.memref_slice %arg9[%add3A_83, %dma_start3A_195] : memref<10240x128xf32, #tpu.memory_space<vmem_shared>> -> memref<64x128xf32, #tpu.memory_space<vmem_shared>>
      tpu.enqueue_dma source(%dma_start3A_196 : memref<64x128xf32, #tpu.memory_space<vmem_shared>>) target(%arg12 : memref<64x128xf32, #tpu.memory_space<vmem>>) target_semaphore(%run_scoped3A : memref<!tpu.dma_semaphore, #tpu.memory_space<semaphore_mem>>)
      %dma_wait3A = arith.constant 0 : i32
      %dma_wait3A_197 = tpu.memref_slice %arg9[%add3A_83, %dma_wait3A] : memref<10240x128xf32, #tpu.memory_space<vmem_shared>> -> memref<64x128xf32, #tpu.memory_space<vmem_shared>>
      %dma_wait3A_198 = arith.constant 0 : i32
      %dma_wait3A_199 = tpu.memref_slice %arg9[%add3A_83, %dma_wait3A_198] : memref<10240x128xf32, #tpu.memory_space<vmem_shared>> -> memref<64x128xf32, #tpu.memory_space<vmem_shared>>
      tpu.wait_dma2 semaphore(%run_scoped3A : memref<!tpu.dma_semaphore, #tpu.memory_space<semaphore_mem>>) src(%dma_wait3A_199 : memref<64x128xf32, #tpu.memory_space<vmem_shared>>) dst(%arg12 : memref<64x128xf32, #tpu.memory_space<vmem>>)
      tpu.yield
    }) : () -> ()
    %mul3A_84 = arith.constant 10240 : i32
    %mul3A_85 = arith.muli %arg0, %mul3A_84 : i32
    %add3A_86 = arith.addi %mul3A_85, %mul3A_0 : i32
    %add3A_87 = arith.constant 512 : i32
    %add3A_88 = arith.addi %add3A_86, %add3A_87 : i32
    "tpu.region"() ({
      %run_scoped3A = tpu.sem_alloc : memref<!tpu.dma_semaphore, #tpu.memory_space<semaphore_mem>>
      %dma_start3A = arith.constant 0 : i32
      %dma_start3A_194 = tpu.memref_slice %arg7[%add3A_88, %dma_start3A] : memref<20480x128xf32, #tpu.memory_space<hbm>> -> memref<64x128xf32, #tpu.memory_space<hbm>>
      %dma_start3A_195 = arith.constant 0 : i32
      %dma_start3A_196 = tpu.memref_slice %arg7[%add3A_88, %dma_start3A_195] : memref<20480x128xf32, #tpu.memory_space<hbm>> -> memref<64x128xf32, #tpu.memory_space<hbm>>
      tpu.enqueue_dma source(%arg12 : memref<64x128xf32, #tpu.memory_space<vmem>>) target(%dma_start3A_196 : memref<64x128xf32, #tpu.memory_space<hbm>>) target_semaphore(%run_scoped3A : memref<!tpu.dma_semaphore, #tpu.memory_space<semaphore_mem>>)
      %dma_wait3A = arith.constant 0 : i32
      %dma_wait3A_197 = tpu.memref_slice %arg7[%add3A_88, %dma_wait3A] : memref<20480x128xf32, #tpu.memory_space<hbm>> -> memref<64x128xf32, #tpu.memory_space<hbm>>
      %dma_wait3A_198 = arith.constant 0 : i32
      %dma_wait3A_199 = tpu.memref_slice %arg7[%add3A_88, %dma_wait3A_198] : memref<20480x128xf32, #tpu.memory_space<hbm>> -> memref<64x128xf32, #tpu.memory_space<hbm>>
      tpu.wait_dma2 semaphore(%run_scoped3A : memref<!tpu.dma_semaphore, #tpu.memory_space<semaphore_mem>>) src(%arg12 : memref<64x128xf32, #tpu.memory_space<vmem>>) dst(%dma_wait3A_199 : memref<64x128xf32, #tpu.memory_space<hbm>>)
      tpu.yield
    }) : () -> ()
    %add3A_89 = arith.constant 576 : i32
    %add3A_90 = arith.addi %mul3A_0, %add3A_89 : i32
    "tpu.region"() ({
      %run_scoped3A = tpu.sem_alloc : memref<!tpu.dma_semaphore, #tpu.memory_space<semaphore_mem>>
      %dma_start3A = arith.constant 0 : i32
      %dma_start3A_194 = tpu.memref_slice %arg9[%add3A_90, %dma_start3A] : memref<10240x128xf32, #tpu.memory_space<vmem_shared>> -> memref<64x128xf32, #tpu.memory_space<vmem_shared>>
      %dma_start3A_195 = arith.constant 0 : i32
      %dma_start3A_196 = tpu.memref_slice %arg9[%add3A_90, %dma_start3A_195] : memref<10240x128xf32, #tpu.memory_space<vmem_shared>> -> memref<64x128xf32, #tpu.memory_space<vmem_shared>>
      tpu.enqueue_dma source(%dma_start3A_196 : memref<64x128xf32, #tpu.memory_space<vmem_shared>>) target(%arg12 : memref<64x128xf32, #tpu.memory_space<vmem>>) target_semaphore(%run_scoped3A : memref<!tpu.dma_semaphore, #tpu.memory_space<semaphore_mem>>)
      %dma_wait3A = arith.constant 0 : i32
      %dma_wait3A_197 = tpu.memref_slice %arg9[%add3A_90, %dma_wait3A] : memref<10240x128xf32, #tpu.memory_space<vmem_shared>> -> memref<64x128xf32, #tpu.memory_space<vmem_shared>>
      %dma_wait3A_198 = arith.constant 0 : i32
      %dma_wait3A_199 = tpu.memref_slice %arg9[%add3A_90, %dma_wait3A_198] : memref<10240x128xf32, #tpu.memory_space<vmem_shared>> -> memref<64x128xf32, #tpu.memory_space<vmem_shared>>
      tpu.wait_dma2 semaphore(%run_scoped3A : memref<!tpu.dma_semaphore, #tpu.memory_space<semaphore_mem>>) src(%dma_wait3A_199 : memref<64x128xf32, #tpu.memory_space<vmem_shared>>) dst(%arg12 : memref<64x128xf32, #tpu.memory_space<vmem>>)
      tpu.yield
    }) : () -> ()
    %mul3A_91 = arith.constant 10240 : i32
    %mul3A_92 = arith.muli %arg0, %mul3A_91 : i32
    %add3A_93 = arith.addi %mul3A_92, %mul3A_0 : i32
    %add3A_94 = arith.constant 576 : i32
    %add3A_95 = arith.addi %add3A_93, %add3A_94 : i32
    "tpu.region"() ({
      %run_scoped3A = tpu.sem_alloc : memref<!tpu.dma_semaphore, #tpu.memory_space<semaphore_mem>>
      %dma_start3A = arith.constant 0 : i32
      %dma_start3A_194 = tpu.memref_slice %arg7[%add3A_95, %dma_start3A] : memref<20480x128xf32, #tpu.memory_space<hbm>> -> memref<64x128xf32, #tpu.memory_space<hbm>>
      %dma_start3A_195 = arith.constant 0 : i32
      %dma_start3A_196 = tpu.memref_slice %arg7[%add3A_95, %dma_start3A_195] : memref<20480x128xf32, #tpu.memory_space<hbm>> -> memref<64x128xf32, #tpu.memory_space<hbm>>
      tpu.enqueue_dma source(%arg12 : memref<64x128xf32, #tpu.memory_space<vmem>>) target(%dma_start3A_196 : memref<64x128xf32, #tpu.memory_space<hbm>>) target_semaphore(%run_scoped3A : memref<!tpu.dma_semaphore, #tpu.memory_space<semaphore_mem>>)
      %dma_wait3A = arith.constant 0 : i32
      %dma_wait3A_197 = tpu.memref_slice %arg7[%add3A_95, %dma_wait3A] : memref<20480x128xf32, #tpu.memory_space<hbm>> -> memref<64x128xf32, #tpu.memory_space<hbm>>
      %dma_wait3A_198 = arith.constant 0 : i32
      %dma_wait3A_199 = tpu.memref_slice %arg7[%add3A_95, %dma_wait3A_198] : memref<20480x128xf32, #tpu.memory_space<hbm>> -> memref<64x128xf32, #tpu.memory_space<hbm>>
      tpu.wait_dma2 semaphore(%run_scoped3A : memref<!tpu.dma_semaphore, #tpu.memory_space<semaphore_mem>>) src(%arg12 : memref<64x128xf32, #tpu.memory_space<vmem>>) dst(%dma_wait3A_199 : memref<64x128xf32, #tpu.memory_space<hbm>>)
      tpu.yield
    }) : () -> ()
    "tpu.region"() ({
      %run_scoped3A = tpu.sem_alloc : memref<!tpu.dma_semaphore, #tpu.memory_space<semaphore_mem>>
      tpu.enqueue_dma source(%arg6 : memref<64x128xf32, #tpu.memory_space<hbm>>) target(%arg12 : memref<64x128xf32, #tpu.memory_space<vmem>>) target_semaphore(%run_scoped3A : memref<!tpu.dma_semaphore, #tpu.memory_space<semaphore_mem>>)
      tpu.wait_dma2 semaphore(%run_scoped3A : memref<!tpu.dma_semaphore, #tpu.memory_space<semaphore_mem>>) src(%arg6 : memref<64x128xf32, #tpu.memory_space<hbm>>) dst(%arg12 : memref<64x128xf32, #tpu.memory_space<vmem>>)
      tpu.yield
    }) : () -> ()
    %add3A_96 = arith.constant 0 : i32
    %add3A_97 = arith.addi %mul3A_0, %add3A_96 : i32
    "tpu.region"() ({
      %run_scoped3A = tpu.sem_alloc : memref<!tpu.dma_semaphore, #tpu.memory_space<semaphore_mem>>
      %dma_start3A = arith.constant 0 : i32
      %dma_start3A_194 = tpu.memref_slice %arg9[%add3A_97, %dma_start3A] : memref<10240x128xf32, #tpu.memory_space<vmem_shared>> -> memref<64x128xf32, #tpu.memory_space<vmem_shared>>
      %dma_start3A_195 = arith.constant 0 : i32
      %dma_start3A_196 = tpu.memref_slice %arg9[%add3A_97, %dma_start3A_195] : memref<10240x128xf32, #tpu.memory_space<vmem_shared>> -> memref<64x128xf32, #tpu.memory_space<vmem_shared>>
      tpu.enqueue_dma source(%arg12 : memref<64x128xf32, #tpu.memory_space<vmem>>) target(%dma_start3A_196 : memref<64x128xf32, #tpu.memory_space<vmem_shared>>) target_semaphore(%run_scoped3A : memref<!tpu.dma_semaphore, #tpu.memory_space<semaphore_mem>>)
      %dma_wait3A = arith.constant 0 : i32
      %dma_wait3A_197 = tpu.memref_slice %arg9[%add3A_97, %dma_wait3A] : memref<10240x128xf32, #tpu.memory_space<vmem_shared>> -> memref<64x128xf32, #tpu.memory_space<vmem_shared>>
      %dma_wait3A_198 = arith.constant 0 : i32
      %dma_wait3A_199 = tpu.memref_slice %arg9[%add3A_97, %dma_wait3A_198] : memref<10240x128xf32, #tpu.memory_space<vmem_shared>> -> memref<64x128xf32, #tpu.memory_space<vmem_shared>>
      tpu.wait_dma2 semaphore(%run_scoped3A : memref<!tpu.dma_semaphore, #tpu.memory_space<semaphore_mem>>) src(%arg12 : memref<64x128xf32, #tpu.memory_space<vmem>>) dst(%dma_wait3A_199 : memref<64x128xf32, #tpu.memory_space<vmem_shared>>)
      tpu.yield
    }) : () -> ()
    %add3A_98 = arith.constant 64 : i32
    %add3A_99 = arith.addi %mul3A_0, %add3A_98 : i32
    "tpu.region"() ({
      %run_scoped3A = tpu.sem_alloc : memref<!tpu.dma_semaphore, #tpu.memory_space<semaphore_mem>>
      %dma_start3A = arith.constant 0 : i32
      %dma_start3A_194 = tpu.memref_slice %arg9[%add3A_99, %dma_start3A] : memref<10240x128xf32, #tpu.memory_space<vmem_shared>> -> memref<64x128xf32, #tpu.memory_space<vmem_shared>>
      %dma_start3A_195 = arith.constant 0 : i32
      %dma_start3A_196 = tpu.memref_slice %arg9[%add3A_99, %dma_start3A_195] : memref<10240x128xf32, #tpu.memory_space<vmem_shared>> -> memref<64x128xf32, #tpu.memory_space<vmem_shared>>
      tpu.enqueue_dma source(%arg12 : memref<64x128xf32, #tpu.memory_space<vmem>>) target(%dma_start3A_196 : memref<64x128xf32, #tpu.memory_space<vmem_shared>>) target_semaphore(%run_scoped3A : memref<!tpu.dma_semaphore, #tpu.memory_space<semaphore_mem>>)
      %dma_wait3A = arith.constant 0 : i32
      %dma_wait3A_197 = tpu.memref_slice %arg9[%add3A_99, %dma_wait3A] : memref<10240x128xf32, #tpu.memory_space<vmem_shared>> -> memref<64x128xf32, #tpu.memory_space<vmem_shared>>
      %dma_wait3A_198 = arith.constant 0 : i32
      %dma_wait3A_199 = tpu.memref_slice %arg9[%add3A_99, %dma_wait3A_198] : memref<10240x128xf32, #tpu.memory_space<vmem_shared>> -> memref<64x128xf32, #tpu.memory_space<vmem_shared>>
      tpu.wait_dma2 semaphore(%run_scoped3A : memref<!tpu.dma_semaphore, #tpu.memory_space<semaphore_mem>>) src(%arg12 : memref<64x128xf32, #tpu.memory_space<vmem>>) dst(%dma_wait3A_199 : memref<64x128xf32, #tpu.memory_space<vmem_shared>>)
      tpu.yield
    }) : () -> ()
    %add3A_100 = arith.constant 128 : i32
    %add3A_101 = arith.addi %mul3A_0, %add3A_100 : i32
    "tpu.region"() ({
      %run_scoped3A = tpu.sem_alloc : memref<!tpu.dma_semaphore, #tpu.memory_space<semaphore_mem>>
      %dma_start3A = arith.constant 0 : i32
      %dma_start3A_194 = tpu.memref_slice %arg9[%add3A_101, %dma_start3A] : memref<10240x128xf32, #tpu.memory_space<vmem_shared>> -> memref<64x128xf32, #tpu.memory_space<vmem_shared>>
      %dma_start3A_195 = arith.constant 0 : i32
      %dma_start3A_196 = tpu.memref_slice %arg9[%add3A_101, %dma_start3A_195] : memref<10240x128xf32, #tpu.memory_space<vmem_shared>> -> memref<64x128xf32, #tpu.memory_space<vmem_shared>>
      tpu.enqueue_dma source(%arg12 : memref<64x128xf32, #tpu.memory_space<vmem>>) target(%dma_start3A_196 : memref<64x128xf32, #tpu.memory_space<vmem_shared>>) target_semaphore(%run_scoped3A : memref<!tpu.dma_semaphore, #tpu.memory_space<semaphore_mem>>)
      %dma_wait3A = arith.constant 0 : i32
      %dma_wait3A_197 = tpu.memref_slice %arg9[%add3A_101, %dma_wait3A] : memref<10240x128xf32, #tpu.memory_space<vmem_shared>> -> memref<64x128xf32, #tpu.memory_space<vmem_shared>>
      %dma_wait3A_198 = arith.constant 0 : i32
      %dma_wait3A_199 = tpu.memref_slice %arg9[%add3A_101, %dma_wait3A_198] : memref<10240x128xf32, #tpu.memory_space<vmem_shared>> -> memref<64x128xf32, #tpu.memory_space<vmem_shared>>
      tpu.wait_dma2 semaphore(%run_scoped3A : memref<!tpu.dma_semaphore, #tpu.memory_space<semaphore_mem>>) src(%arg12 : memref<64x128xf32, #tpu.memory_space<vmem>>) dst(%dma_wait3A_199 : memref<64x128xf32, #tpu.memory_space<vmem_shared>>)
      tpu.yield
    }) : () -> ()
    %add3A_102 = arith.constant 192 : i32
    %add3A_103 = arith.addi %mul3A_0, %add3A_102 : i32
    "tpu.region"() ({
      %run_scoped3A = tpu.sem_alloc : memref<!tpu.dma_semaphore, #tpu.memory_space<semaphore_mem>>
      %dma_start3A = arith.constant 0 : i32
      %dma_start3A_194 = tpu.memref_slice %arg9[%add3A_103, %dma_start3A] : memref<10240x128xf32, #tpu.memory_space<vmem_shared>> -> memref<64x128xf32, #tpu.memory_space<vmem_shared>>
      %dma_start3A_195 = arith.constant 0 : i32
      %dma_start3A_196 = tpu.memref_slice %arg9[%add3A_103, %dma_start3A_195] : memref<10240x128xf32, #tpu.memory_space<vmem_shared>> -> memref<64x128xf32, #tpu.memory_space<vmem_shared>>
      tpu.enqueue_dma source(%arg12 : memref<64x128xf32, #tpu.memory_space<vmem>>) target(%dma_start3A_196 : memref<64x128xf32, #tpu.memory_space<vmem_shared>>) target_semaphore(%run_scoped3A : memref<!tpu.dma_semaphore, #tpu.memory_space<semaphore_mem>>)
      %dma_wait3A = arith.constant 0 : i32
      %dma_wait3A_197 = tpu.memref_slice %arg9[%add3A_103, %dma_wait3A] : memref<10240x128xf32, #tpu.memory_space<vmem_shared>> -> memref<64x128xf32, #tpu.memory_space<vmem_shared>>
      %dma_wait3A_198 = arith.constant 0 : i32
      %dma_wait3A_199 = tpu.memref_slice %arg9[%add3A_103, %dma_wait3A_198] : memref<10240x128xf32, #tpu.memory_space<vmem_shared>> -> memref<64x128xf32, #tpu.memory_space<vmem_shared>>
      tpu.wait_dma2 semaphore(%run_scoped3A : memref<!tpu.dma_semaphore, #tpu.memory_space<semaphore_mem>>) src(%arg12 : memref<64x128xf32, #tpu.memory_space<vmem>>) dst(%dma_wait3A_199 : memref<64x128xf32, #tpu.memory_space<vmem_shared>>)
      tpu.yield
    }) : () -> ()
    %add3A_104 = arith.constant 256 : i32
    %add3A_105 = arith.addi %mul3A_0, %add3A_104 : i32
    "tpu.region"() ({
      %run_scoped3A = tpu.sem_alloc : memref<!tpu.dma_semaphore, #tpu.memory_space<semaphore_mem>>
      %dma_start3A = arith.constant 0 : i32
      %dma_start3A_194 = tpu.memref_slice %arg9[%add3A_105, %dma_start3A] : memref<10240x128xf32, #tpu.memory_space<vmem_shared>> -> memref<64x128xf32, #tpu.memory_space<vmem_shared>>
      %dma_start3A_195 = arith.constant 0 : i32
      %dma_start3A_196 = tpu.memref_slice %arg9[%add3A_105, %dma_start3A_195] : memref<10240x128xf32, #tpu.memory_space<vmem_shared>> -> memref<64x128xf32, #tpu.memory_space<vmem_shared>>
      tpu.enqueue_dma source(%arg12 : memref<64x128xf32, #tpu.memory_space<vmem>>) target(%dma_start3A_196 : memref<64x128xf32, #tpu.memory_space<vmem_shared>>) target_semaphore(%run_scoped3A : memref<!tpu.dma_semaphore, #tpu.memory_space<semaphore_mem>>)
      %dma_wait3A = arith.constant 0 : i32
      %dma_wait3A_197 = tpu.memref_slice %arg9[%add3A_105, %dma_wait3A] : memref<10240x128xf32, #tpu.memory_space<vmem_shared>> -> memref<64x128xf32, #tpu.memory_space<vmem_shared>>
      %dma_wait3A_198 = arith.constant 0 : i32
      %dma_wait3A_199 = tpu.memref_slice %arg9[%add3A_105, %dma_wait3A_198] : memref<10240x128xf32, #tpu.memory_space<vmem_shared>> -> memref<64x128xf32, #tpu.memory_space<vmem_shared>>
      tpu.wait_dma2 semaphore(%run_scoped3A : memref<!tpu.dma_semaphore, #tpu.memory_space<semaphore_mem>>) src(%arg12 : memref<64x128xf32, #tpu.memory_space<vmem>>) dst(%dma_wait3A_199 : memref<64x128xf32, #tpu.memory_space<vmem_shared>>)
      tpu.yield
    }) : () -> ()
    %add3A_106 = arith.constant 320 : i32
    %add3A_107 = arith.addi %mul3A_0, %add3A_106 : i32
    "tpu.region"() ({
      %run_scoped3A = tpu.sem_alloc : memref<!tpu.dma_semaphore, #tpu.memory_space<semaphore_mem>>
      %dma_start3A = arith.constant 0 : i32
      %dma_start3A_194 = tpu.memref_slice %arg9[%add3A_107, %dma_start3A] : memref<10240x128xf32, #tpu.memory_space<vmem_shared>> -> memref<64x128xf32, #tpu.memory_space<vmem_shared>>
      %dma_start3A_195 = arith.constant 0 : i32
      %dma_start3A_196 = tpu.memref_slice %arg9[%add3A_107, %dma_start3A_195] : memref<10240x128xf32, #tpu.memory_space<vmem_shared>> -> memref<64x128xf32, #tpu.memory_space<vmem_shared>>
      tpu.enqueue_dma source(%arg12 : memref<64x128xf32, #tpu.memory_space<vmem>>) target(%dma_start3A_196 : memref<64x128xf32, #tpu.memory_space<vmem_shared>>) target_semaphore(%run_scoped3A : memref<!tpu.dma_semaphore, #tpu.memory_space<semaphore_mem>>)
      %dma_wait3A = arith.constant 0 : i32
      %dma_wait3A_197 = tpu.memref_slice %arg9[%add3A_107, %dma_wait3A] : memref<10240x128xf32, #tpu.memory_space<vmem_shared>> -> memref<64x128xf32, #tpu.memory_space<vmem_shared>>
      %dma_wait3A_198 = arith.constant 0 : i32
      %dma_wait3A_199 = tpu.memref_slice %arg9[%add3A_107, %dma_wait3A_198] : memref<10240x128xf32, #tpu.memory_space<vmem_shared>> -> memref<64x128xf32, #tpu.memory_space<vmem_shared>>
      tpu.wait_dma2 semaphore(%run_scoped3A : memref<!tpu.dma_semaphore, #tpu.memory_space<semaphore_mem>>) src(%arg12 : memref<64x128xf32, #tpu.memory_space<vmem>>) dst(%dma_wait3A_199 : memref<64x128xf32, #tpu.memory_space<vmem_shared>>)
      tpu.yield
    }) : () -> ()
    %add3A_108 = arith.constant 384 : i32
    %add3A_109 = arith.addi %mul3A_0, %add3A_108 : i32
    "tpu.region"() ({
      %run_scoped3A = tpu.sem_alloc : memref<!tpu.dma_semaphore, #tpu.memory_space<semaphore_mem>>
      %dma_start3A = arith.constant 0 : i32
      %dma_start3A_194 = tpu.memref_slice %arg9[%add3A_109, %dma_start3A] : memref<10240x128xf32, #tpu.memory_space<vmem_shared>> -> memref<64x128xf32, #tpu.memory_space<vmem_shared>>
      %dma_start3A_195 = arith.constant 0 : i32
      %dma_start3A_196 = tpu.memref_slice %arg9[%add3A_109, %dma_start3A_195] : memref<10240x128xf32, #tpu.memory_space<vmem_shared>> -> memref<64x128xf32, #tpu.memory_space<vmem_shared>>
      tpu.enqueue_dma source(%arg12 : memref<64x128xf32, #tpu.memory_space<vmem>>) target(%dma_start3A_196 : memref<64x128xf32, #tpu.memory_space<vmem_shared>>) target_semaphore(%run_scoped3A : memref<!tpu.dma_semaphore, #tpu.memory_space<semaphore_mem>>)
      %dma_wait3A = arith.constant 0 : i32
      %dma_wait3A_197 = tpu.memref_slice %arg9[%add3A_109, %dma_wait3A] : memref<10240x128xf32, #tpu.memory_space<vmem_shared>> -> memref<64x128xf32, #tpu.memory_space<vmem_shared>>
      %dma_wait3A_198 = arith.constant 0 : i32
      %dma_wait3A_199 = tpu.memref_slice %arg9[%add3A_109, %dma_wait3A_198] : memref<10240x128xf32, #tpu.memory_space<vmem_shared>> -> memref<64x128xf32, #tpu.memory_space<vmem_shared>>
      tpu.wait_dma2 semaphore(%run_scoped3A : memref<!tpu.dma_semaphore, #tpu.memory_space<semaphore_mem>>) src(%arg12 : memref<64x128xf32, #tpu.memory_space<vmem>>) dst(%dma_wait3A_199 : memref<64x128xf32, #tpu.memory_space<vmem_shared>>)
      tpu.yield
    }) : () -> ()
    %add3A_110 = arith.constant 448 : i32
    %add3A_111 = arith.addi %mul3A_0, %add3A_110 : i32
    "tpu.region"() ({
      %run_scoped3A = tpu.sem_alloc : memref<!tpu.dma_semaphore, #tpu.memory_space<semaphore_mem>>
      %dma_start3A = arith.constant 0 : i32
      %dma_start3A_194 = tpu.memref_slice %arg9[%add3A_111, %dma_start3A] : memref<10240x128xf32, #tpu.memory_space<vmem_shared>> -> memref<64x128xf32, #tpu.memory_space<vmem_shared>>
      %dma_start3A_195 = arith.constant 0 : i32
      %dma_start3A_196 = tpu.memref_slice %arg9[%add3A_111, %dma_start3A_195] : memref<10240x128xf32, #tpu.memory_space<vmem_shared>> -> memref<64x128xf32, #tpu.memory_space<vmem_shared>>
      tpu.enqueue_dma source(%arg12 : memref<64x128xf32, #tpu.memory_space<vmem>>) target(%dma_start3A_196 : memref<64x128xf32, #tpu.memory_space<vmem_shared>>) target_semaphore(%run_scoped3A : memref<!tpu.dma_semaphore, #tpu.memory_space<semaphore_mem>>)
      %dma_wait3A = arith.constant 0 : i32
      %dma_wait3A_197 = tpu.memref_slice %arg9[%add3A_111, %dma_wait3A] : memref<10240x128xf32, #tpu.memory_space<vmem_shared>> -> memref<64x128xf32, #tpu.memory_space<vmem_shared>>
      %dma_wait3A_198 = arith.constant 0 : i32
      %dma_wait3A_199 = tpu.memref_slice %arg9[%add3A_111, %dma_wait3A_198] : memref<10240x128xf32, #tpu.memory_space<vmem_shared>> -> memref<64x128xf32, #tpu.memory_space<vmem_shared>>
      tpu.wait_dma2 semaphore(%run_scoped3A : memref<!tpu.dma_semaphore, #tpu.memory_space<semaphore_mem>>) src(%arg12 : memref<64x128xf32, #tpu.memory_space<vmem>>) dst(%dma_wait3A_199 : memref<64x128xf32, #tpu.memory_space<vmem_shared>>)
      tpu.yield
    }) : () -> ()
    %add3A_112 = arith.constant 512 : i32
    %add3A_113 = arith.addi %mul3A_0, %add3A_112 : i32
    "tpu.region"() ({
      %run_scoped3A = tpu.sem_alloc : memref<!tpu.dma_semaphore, #tpu.memory_space<semaphore_mem>>
      %dma_start3A = arith.constant 0 : i32
      %dma_start3A_194 = tpu.memref_slice %arg9[%add3A_113, %dma_start3A] : memref<10240x128xf32, #tpu.memory_space<vmem_shared>> -> memref<64x128xf32, #tpu.memory_space<vmem_shared>>
      %dma_start3A_195 = arith.constant 0 : i32
      %dma_start3A_196 = tpu.memref_slice %arg9[%add3A_113, %dma_start3A_195] : memref<10240x128xf32, #tpu.memory_space<vmem_shared>> -> memref<64x128xf32, #tpu.memory_space<vmem_shared>>
      tpu.enqueue_dma source(%arg12 : memref<64x128xf32, #tpu.memory_space<vmem>>) target(%dma_start3A_196 : memref<64x128xf32, #tpu.memory_space<vmem_shared>>) target_semaphore(%run_scoped3A : memref<!tpu.dma_semaphore, #tpu.memory_space<semaphore_mem>>)
      %dma_wait3A = arith.constant 0 : i32
      %dma_wait3A_197 = tpu.memref_slice %arg9[%add3A_113, %dma_wait3A] : memref<10240x128xf32, #tpu.memory_space<vmem_shared>> -> memref<64x128xf32, #tpu.memory_space<vmem_shared>>
      %dma_wait3A_198 = arith.constant 0 : i32
      %dma_wait3A_199 = tpu.memref_slice %arg9[%add3A_113, %dma_wait3A_198] : memref<10240x128xf32, #tpu.memory_space<vmem_shared>> -> memref<64x128xf32, #tpu.memory_space<vmem_shared>>
      tpu.wait_dma2 semaphore(%run_scoped3A : memref<!tpu.dma_semaphore, #tpu.memory_space<semaphore_mem>>) src(%arg12 : memref<64x128xf32, #tpu.memory_space<vmem>>) dst(%dma_wait3A_199 : memref<64x128xf32, #tpu.memory_space<vmem_shared>>)
      tpu.yield
    }) : () -> ()
    %add3A_114 = arith.constant 576 : i32
    %add3A_115 = arith.addi %mul3A_0, %add3A_114 : i32
    "tpu.region"() ({
      %run_scoped3A = tpu.sem_alloc : memref<!tpu.dma_semaphore, #tpu.memory_space<semaphore_mem>>
      %dma_start3A = arith.constant 0 : i32
      %dma_start3A_194 = tpu.memref_slice %arg9[%add3A_115, %dma_start3A] : memref<10240x128xf32, #tpu.memory_space<vmem_shared>> -> memref<64x128xf32, #tpu.memory_space<vmem_shared>>
      %dma_start3A_195 = arith.constant 0 : i32
      %dma_start3A_196 = tpu.memref_slice %arg9[%add3A_115, %dma_start3A_195] : memref<10240x128xf32, #tpu.memory_space<vmem_shared>> -> memref<64x128xf32, #tpu.memory_space<vmem_shared>>
      tpu.enqueue_dma source(%arg12 : memref<64x128xf32, #tpu.memory_space<vmem>>) target(%dma_start3A_196 : memref<64x128xf32, #tpu.memory_space<vmem_shared>>) target_semaphore(%run_scoped3A : memref<!tpu.dma_semaphore, #tpu.memory_space<semaphore_mem>>)
      %dma_wait3A = arith.constant 0 : i32
      %dma_wait3A_197 = tpu.memref_slice %arg9[%add3A_115, %dma_wait3A] : memref<10240x128xf32, #tpu.memory_space<vmem_shared>> -> memref<64x128xf32, #tpu.memory_space<vmem_shared>>
      %dma_wait3A_198 = arith.constant 0 : i32
      %dma_wait3A_199 = tpu.memref_slice %arg9[%add3A_115, %dma_wait3A_198] : memref<10240x128xf32, #tpu.memory_space<vmem_shared>> -> memref<64x128xf32, #tpu.memory_space<vmem_shared>>
      tpu.wait_dma2 semaphore(%run_scoped3A : memref<!tpu.dma_semaphore, #tpu.memory_space<semaphore_mem>>) src(%arg12 : memref<64x128xf32, #tpu.memory_space<vmem>>) dst(%dma_wait3A_199 : memref<64x128xf32, #tpu.memory_space<vmem_shared>>)
      tpu.yield
    }) : () -> ()
    %barrier3A_116 = arith.constant 0 : index
    tpu.barrier barrier_id(%barrier3A_116)
    %scan3A_117 = arith.constant 0 : i32
    %scan3A_118 = arith.constant 0 : i32
    %scan3A_119 = arith.constant 10 : i32
    %scan3A_120 = arith.addi %scan3A_118, %scan3A_119 : i32
    %scan3A_121 = arith.constant 1 : i32
    scf.for %scan3A_194 = %scan3A_118 to %scan3A_120 step %scan3A_121  : i32 {
      %mul3A_195 = arith.constant 81920 : i32
      %mul3A_196 = arith.muli %arg0, %mul3A_195 : i32
      %mul3A_197 = arith.constant 5120 : i32
      %mul3A_198 = arith.muli %arg1, %mul3A_197 : i32
      %add3A_199 = arith.addi %mul3A_196, %mul3A_198 : i32
      %jit3A = arith.constant 64 : i32
      %div3A = arith.divsi %add3A_199, %jit3A : i32
      %sign3A = arith.constant 0 : i32
      %sign3A_200 = arith.cmpi sgt, %add3A_199, %sign3A : i32
      %sign3A_201 = arith.extui %sign3A_200 : i1 to i32
      %sign3A_202 = arith.constant 0 : i32
      %sign3A_203 = arith.cmpi slt, %add3A_199, %sign3A_202 : i32
      %sign3A_204 = arith.extui %sign3A_203 : i1 to i32
      %sign3A_205 = arith.subi %sign3A_201, %sign3A_204 : i32
      %sign3A_206 = arith.constant 0 : i32
      %sign3A_207 = arith.cmpi sgt, %jit3A, %sign3A_206 : i32
      %sign3A_208 = arith.extui %sign3A_207 : i1 to i32
      %sign3A_209 = arith.constant 0 : i32
      %sign3A_210 = arith.cmpi slt, %jit3A, %sign3A_209 : i32
      %sign3A_211 = arith.extui %sign3A_210 : i1 to i32
      %sign3A_212 = arith.subi %sign3A_208, %sign3A_211 : i32
      %ne3A = arith.cmpi ne, %sign3A_205, %sign3A_212 : i32
      %rem3A = arith.remsi %add3A_199, %jit3A : i32
      %ne3A_213 = arith.constant 0 : i32
      %ne3A_214 = arith.cmpi ne, %rem3A, %ne3A_213 : i32
      %and3A = arith.andi %ne3A, %ne3A_214 : i1
      %sub3A = arith.constant 1 : i32
      %sub3A_215 = arith.subi %div3A, %sub3A : i32
      %select_n3A = arith.select %and3A, %sub3A_215, %div3A : i32
      %mul3A_216 = arith.constant 8 : i32
      %mul3A_217 = arith.muli %scan3A_194, %mul3A_216 : i32
      %add3A_218 = arith.addi %select_n3A, %mul3A_217 : i32
      %multiple_of3A = tpu.assume_multiple %add3A_218, 8 : i32
      "tpu.region"() ({
        %run_scoped3A_376 = tpu.sem_alloc : memref<!tpu.dma_semaphore, #tpu.memory_space<semaphore_mem>>
        %dma_start3A_377 = arith.constant 0 : i32
        %dma_start3A_378 = tpu.memref_slice %arg4[%multiple_of3A, %dma_start3A_377] : memref<2560x64xi32, #tpu.memory_space<hbm>> -> memref<8x64xi32, #tpu.memory_space<hbm>>
        %dma_start3A_379 = arith.constant 0 : i32
        %dma_start3A_380 = tpu.memref_slice %arg4[%multiple_of3A, %dma_start3A_379] : memref<2560x64xi32, #tpu.memory_space<hbm>> -> memref<8x64xi32, #tpu.memory_space<hbm>>
        tpu.enqueue_dma source(%dma_start3A_380 : memref<8x64xi32, #tpu.memory_space<hbm>>) target(%arg11 : memref<8x64xi32, #tpu.memory_space<vmem>>) target_semaphore(%run_scoped3A_376 : memref<!tpu.dma_semaphore, #tpu.memory_space<semaphore_mem>>)
        %dma_wait3A_381 = arith.constant 0 : i32
        %dma_wait3A_382 = tpu.memref_slice %arg4[%multiple_of3A, %dma_wait3A_381] : memref<2560x64xi32, #tpu.memory_space<hbm>> -> memref<8x64xi32, #tpu.memory_space<hbm>>
        %dma_wait3A_383 = arith.constant 0 : i32
        %dma_wait3A_384 = tpu.memref_slice %arg4[%multiple_of3A, %dma_wait3A_383] : memref<2560x64xi32, #tpu.memory_space<hbm>> -> memref<8x64xi32, #tpu.memory_space<hbm>>
        tpu.wait_dma2 semaphore(%run_scoped3A_376 : memref<!tpu.dma_semaphore, #tpu.memory_space<semaphore_mem>>) src(%dma_wait3A_384 : memref<8x64xi32, #tpu.memory_space<hbm>>) dst(%arg11 : memref<8x64xi32, #tpu.memory_space<vmem>>)
        tpu.yield
      }) : () -> ()
      %mul3A_219 = arith.constant 81920 : i32
      %mul3A_220 = arith.muli %arg0, %mul3A_219 : i32
      %mul3A_221 = arith.constant 5120 : i32
      %mul3A_222 = arith.muli %arg1, %mul3A_221 : i32
      %add3A_223 = arith.addi %mul3A_220, %mul3A_222 : i32
      %mul3A_224 = arith.constant 512 : i32
      %mul3A_225 = arith.muli %scan3A_194, %mul3A_224 : i32
      %add3A_226 = arith.addi %add3A_223, %mul3A_225 : i32
      %add3A_227 = arith.constant 0 : i32
      %add3A_228 = arith.addi %add3A_226, %add3A_227 : i32
      %multiple_of3A_229 = tpu.assume_multiple %add3A_228, 8 : i32
      %dma_start3A = arith.constant 0 : i32
      %dma_start3A_230 = tpu.memref_slice %arg5[%multiple_of3A_229, %dma_start3A] : memref<163840x128xf32, #tpu.memory_space<hbm>> -> memref<64x128xf32, #tpu.memory_space<hbm>>
      %dma_start3A_231 = arith.constant 0 : i32
      %dma_start3A_232 = tpu.memref_slice %arg5[%multiple_of3A_229, %dma_start3A_231] : memref<163840x128xf32, #tpu.memory_space<hbm>> -> memref<64x128xf32, #tpu.memory_space<hbm>>
      tpu.enqueue_dma source(%dma_start3A_232 : memref<64x128xf32, #tpu.memory_space<hbm>>) target(%arg12 : memref<64x128xf32, #tpu.memory_space<vmem>>) target_semaphore(%arg16 : memref<!tpu.dma_semaphore, #tpu.memory_space<semaphore_mem>>)
      %mul3A_233 = arith.constant 81920 : i32
      %mul3A_234 = arith.muli %arg0, %mul3A_233 : i32
      %mul3A_235 = arith.constant 5120 : i32
      %mul3A_236 = arith.muli %arg1, %mul3A_235 : i32
      %add3A_237 = arith.addi %mul3A_234, %mul3A_236 : i32
      %mul3A_238 = arith.constant 512 : i32
      %mul3A_239 = arith.muli %scan3A_194, %mul3A_238 : i32
      %add3A_240 = arith.addi %add3A_237, %mul3A_239 : i32
      %add3A_241 = arith.constant 64 : i32
      %add3A_242 = arith.addi %add3A_240, %add3A_241 : i32
      %multiple_of3A_243 = tpu.assume_multiple %add3A_242, 8 : i32
      %dma_start3A_244 = arith.constant 0 : i32
      %dma_start3A_245 = tpu.memref_slice %arg5[%multiple_of3A_243, %dma_start3A_244] : memref<163840x128xf32, #tpu.memory_space<hbm>> -> memref<64x128xf32, #tpu.memory_space<hbm>>
      %dma_start3A_246 = arith.constant 0 : i32
      %dma_start3A_247 = tpu.memref_slice %arg5[%multiple_of3A_243, %dma_start3A_246] : memref<163840x128xf32, #tpu.memory_space<hbm>> -> memref<64x128xf32, #tpu.memory_space<hbm>>
      tpu.enqueue_dma source(%dma_start3A_247 : memref<64x128xf32, #tpu.memory_space<hbm>>) target(%arg13 : memref<64x128xf32, #tpu.memory_space<vmem>>) target_semaphore(%arg17 : memref<!tpu.dma_semaphore, #tpu.memory_space<semaphore_mem>>)
      %mul3A_248 = arith.constant 81920 : i32
      %mul3A_249 = arith.muli %arg0, %mul3A_248 : i32
      %mul3A_250 = arith.constant 5120 : i32
      %mul3A_251 = arith.muli %arg1, %mul3A_250 : i32
      %add3A_252 = arith.addi %mul3A_249, %mul3A_251 : i32
      %mul3A_253 = arith.constant 512 : i32
      %mul3A_254 = arith.muli %scan3A_194, %mul3A_253 : i32
      %add3A_255 = arith.addi %add3A_252, %mul3A_254 : i32
      %add3A_256 = arith.constant 128 : i32
      %add3A_257 = arith.addi %add3A_255, %add3A_256 : i32
      %multiple_of3A_258 = tpu.assume_multiple %add3A_257, 8 : i32
      %dma_start3A_259 = arith.constant 0 : i32
      %dma_start3A_260 = tpu.memref_slice %arg5[%multiple_of3A_258, %dma_start3A_259] : memref<163840x128xf32, #tpu.memory_space<hbm>> -> memref<64x128xf32, #tpu.memory_space<hbm>>
      %dma_start3A_261 = arith.constant 0 : i32
      %dma_start3A_262 = tpu.memref_slice %arg5[%multiple_of3A_258, %dma_start3A_261] : memref<163840x128xf32, #tpu.memory_space<hbm>> -> memref<64x128xf32, #tpu.memory_space<hbm>>
      tpu.enqueue_dma source(%dma_start3A_262 : memref<64x128xf32, #tpu.memory_space<hbm>>) target(%arg14 : memref<64x128xf32, #tpu.memory_space<vmem>>) target_semaphore(%arg18 : memref<!tpu.dma_semaphore, #tpu.memory_space<semaphore_mem>>)
      %dma_wait3A = arith.constant 0 : i32
      %dma_wait3A_263 = tpu.memref_slice %arg5[%multiple_of3A_229, %dma_wait3A] : memref<163840x128xf32, #tpu.memory_space<hbm>> -> memref<64x128xf32, #tpu.memory_space<hbm>>
      %dma_wait3A_264 = arith.constant 0 : i32
      %dma_wait3A_265 = tpu.memref_slice %arg5[%multiple_of3A_229, %dma_wait3A_264] : memref<163840x128xf32, #tpu.memory_space<hbm>> -> memref<64x128xf32, #tpu.memory_space<hbm>>
      tpu.wait_dma2 semaphore(%arg16 : memref<!tpu.dma_semaphore, #tpu.memory_space<semaphore_mem>>) src(%dma_wait3A_265 : memref<64x128xf32, #tpu.memory_space<hbm>>) dst(%arg12 : memref<64x128xf32, #tpu.memory_space<vmem>>)
      %mul3A_266 = arith.constant 81920 : i32
      %mul3A_267 = arith.muli %arg0, %mul3A_266 : i32
      %mul3A_268 = arith.constant 5120 : i32
      %mul3A_269 = arith.muli %arg1, %mul3A_268 : i32
      %add3A_270 = arith.addi %mul3A_267, %mul3A_269 : i32
      %mul3A_271 = arith.constant 512 : i32
      %mul3A_272 = arith.muli %scan3A_194, %mul3A_271 : i32
      %add3A_273 = arith.addi %add3A_270, %mul3A_272 : i32
      %add3A_274 = arith.constant 192 : i32
      %add3A_275 = arith.addi %add3A_273, %add3A_274 : i32
      %multiple_of3A_276 = tpu.assume_multiple %add3A_275, 8 : i32
      %dma_start3A_277 = arith.constant 0 : i32
      %dma_start3A_278 = tpu.memref_slice %arg5[%multiple_of3A_276, %dma_start3A_277] : memref<163840x128xf32, #tpu.memory_space<hbm>> -> memref<64x128xf32, #tpu.memory_space<hbm>>
      %dma_start3A_279 = arith.constant 0 : i32
      %dma_start3A_280 = tpu.memref_slice %arg5[%multiple_of3A_276, %dma_start3A_279] : memref<163840x128xf32, #tpu.memory_space<hbm>> -> memref<64x128xf32, #tpu.memory_space<hbm>>
      tpu.enqueue_dma source(%dma_start3A_280 : memref<64x128xf32, #tpu.memory_space<hbm>>) target(%arg15 : memref<64x128xf32, #tpu.memory_space<vmem>>) target_semaphore(%arg19 : memref<!tpu.dma_semaphore, #tpu.memory_space<semaphore_mem>>)
      %run_scoped3A = arith.constant 0 : i32
      "tpu.region"() ({
        %run_scoped3A_376 = tpu.sem_alloc : memref<!tpu.dma_semaphore, #tpu.memory_space<semaphore_mem>>
        %dma_start3A_377 = arith.constant 0 : i32
        %dma_start3A_378 = tpu.memref_slice %arg11[%run_scoped3A, %dma_start3A_377] : memref<8x64xi32, #tpu.memory_space<vmem>> -> memref<1x64xi32, #tpu.memory_space<vmem>>
        %dma_start3A_379 = tpu.memref_squeeze %dma_start3A_378 : memref<1x64xi32, #tpu.memory_space<vmem>> -> memref<64xi32, #tpu.memory_space<vmem>>
        %dma_start3A_380 = arith.constant 0 : i32
        %dma_start3A_381 = arith.constant 0 : i32
        %dma_start3A_382 = tpu.memref_slice %arg9[%dma_start3A_380, %dma_start3A_381] : memref<10240x128xf32, #tpu.memory_space<vmem_shared>> -> memref<10240x128xf32, #tpu.memory_space<vmem_shared>>
        tpu.enqueue_indirect_dma source(%arg12 : memref<64x128xf32, #tpu.memory_space<vmem>>) target(%dma_start3A_382 : memref<10240x128xf32, #tpu.memory_space<vmem_shared>>) offsets(%dma_start3A_379 : memref<64xi32, #tpu.memory_space<vmem>>) semaphore(%run_scoped3A_376 : memref<!tpu.dma_semaphore, #tpu.memory_space<semaphore_mem>>) {add = true}
        %dma_wait3A_383 = arith.constant 0 : i32
        %dma_wait3A_384 = tpu.memref_slice %arg11[%run_scoped3A, %dma_wait3A_383] : memref<8x64xi32, #tpu.memory_space<vmem>> -> memref<1x64xi32, #tpu.memory_space<vmem>>
        %dma_wait3A_385 = tpu.memref_squeeze %dma_wait3A_384 : memref<1x64xi32, #tpu.memory_space<vmem>> -> memref<64xi32, #tpu.memory_space<vmem>>
        %dma_wait3A_386 = arith.constant 0 : i32
        %dma_wait3A_387 = arith.constant 0 : i32
        %dma_wait3A_388 = tpu.memref_slice %arg9[%dma_wait3A_386, %dma_wait3A_387] : memref<10240x128xf32, #tpu.memory_space<vmem_shared>> -> memref<10240x128xf32, #tpu.memory_space<vmem_shared>>
        tpu.wait_indirect_dma semaphore(%run_scoped3A_376 : memref<!tpu.dma_semaphore, #tpu.memory_space<semaphore_mem>>) src(%arg12 : memref<64x128xf32, #tpu.memory_space<vmem>>) dst(%dma_wait3A_388 : memref<10240x128xf32, #tpu.memory_space<vmem_shared>>)
        tpu.yield
      }) : () -> ()
      %dma_wait3A_281 = arith.constant 0 : i32
      %dma_wait3A_282 = tpu.memref_slice %arg5[%multiple_of3A_243, %dma_wait3A_281] : memref<163840x128xf32, #tpu.memory_space<hbm>> -> memref<64x128xf32, #tpu.memory_space<hbm>>
      %dma_wait3A_283 = arith.constant 0 : i32
      %dma_wait3A_284 = tpu.memref_slice %arg5[%multiple_of3A_243, %dma_wait3A_283] : memref<163840x128xf32, #tpu.memory_space<hbm>> -> memref<64x128xf32, #tpu.memory_space<hbm>>
      tpu.wait_dma2 semaphore(%arg17 : memref<!tpu.dma_semaphore, #tpu.memory_space<semaphore_mem>>) src(%dma_wait3A_284 : memref<64x128xf32, #tpu.memory_space<hbm>>) dst(%arg13 : memref<64x128xf32, #tpu.memory_space<vmem>>)
      %mul3A_285 = arith.constant 81920 : i32
      %mul3A_286 = arith.muli %arg0, %mul3A_285 : i32
      %mul3A_287 = arith.constant 5120 : i32
      %mul3A_288 = arith.muli %arg1, %mul3A_287 : i32
      %add3A_289 = arith.addi %mul3A_286, %mul3A_288 : i32
      %mul3A_290 = arith.constant 512 : i32
      %mul3A_291 = arith.muli %scan3A_194, %mul3A_290 : i32
      %add3A_292 = arith.addi %add3A_289, %mul3A_291 : i32
      %add3A_293 = arith.constant 256 : i32
      %add3A_294 = arith.addi %add3A_292, %add3A_293 : i32
      %multiple_of3A_295 = tpu.assume_multiple %add3A_294, 8 : i32
      %dma_start3A_296 = arith.constant 0 : i32
      %dma_start3A_297 = tpu.memref_slice %arg5[%multiple_of3A_295, %dma_start3A_296] : memref<163840x128xf32, #tpu.memory_space<hbm>> -> memref<64x128xf32, #tpu.memory_space<hbm>>
      %dma_start3A_298 = arith.constant 0 : i32
      %dma_start3A_299 = tpu.memref_slice %arg5[%multiple_of3A_295, %dma_start3A_298] : memref<163840x128xf32, #tpu.memory_space<hbm>> -> memref<64x128xf32, #tpu.memory_space<hbm>>
      tpu.enqueue_dma source(%dma_start3A_299 : memref<64x128xf32, #tpu.memory_space<hbm>>) target(%arg12 : memref<64x128xf32, #tpu.memory_space<vmem>>) target_semaphore(%arg16 : memref<!tpu.dma_semaphore, #tpu.memory_space<semaphore_mem>>)
      %run_scoped3A_300 = arith.constant 1 : i32
      "tpu.region"() ({
        %run_scoped3A_376 = tpu.sem_alloc : memref<!tpu.dma_semaphore, #tpu.memory_space<semaphore_mem>>
        %dma_start3A_377 = arith.constant 0 : i32
        %dma_start3A_378 = tpu.memref_slice %arg11[%run_scoped3A_300, %dma_start3A_377] : memref<8x64xi32, #tpu.memory_space<vmem>> -> memref<1x64xi32, #tpu.memory_space<vmem>>
        %dma_start3A_379 = tpu.memref_squeeze %dma_start3A_378 : memref<1x64xi32, #tpu.memory_space<vmem>> -> memref<64xi32, #tpu.memory_space<vmem>>
        %dma_start3A_380 = arith.constant 0 : i32
        %dma_start3A_381 = arith.constant 0 : i32
        %dma_start3A_382 = tpu.memref_slice %arg9[%dma_start3A_380, %dma_start3A_381] : memref<10240x128xf32, #tpu.memory_space<vmem_shared>> -> memref<10240x128xf32, #tpu.memory_space<vmem_shared>>
        tpu.enqueue_indirect_dma source(%arg13 : memref<64x128xf32, #tpu.memory_space<vmem>>) target(%dma_start3A_382 : memref<10240x128xf32, #tpu.memory_space<vmem_shared>>) offsets(%dma_start3A_379 : memref<64xi32, #tpu.memory_space<vmem>>) semaphore(%run_scoped3A_376 : memref<!tpu.dma_semaphore, #tpu.memory_space<semaphore_mem>>) {add = true}
        %dma_wait3A_383 = arith.constant 0 : i32
        %dma_wait3A_384 = tpu.memref_slice %arg11[%run_scoped3A_300, %dma_wait3A_383] : memref<8x64xi32, #tpu.memory_space<vmem>> -> memref<1x64xi32, #tpu.memory_space<vmem>>
        %dma_wait3A_385 = tpu.memref_squeeze %dma_wait3A_384 : memref<1x64xi32, #tpu.memory_space<vmem>> -> memref<64xi32, #tpu.memory_space<vmem>>
        %dma_wait3A_386 = arith.constant 0 : i32
        %dma_wait3A_387 = arith.constant 0 : i32
        %dma_wait3A_388 = tpu.memref_slice %arg9[%dma_wait3A_386, %dma_wait3A_387] : memref<10240x128xf32, #tpu.memory_space<vmem_shared>> -> memref<10240x128xf32, #tpu.memory_space<vmem_shared>>
        tpu.wait_indirect_dma semaphore(%run_scoped3A_376 : memref<!tpu.dma_semaphore, #tpu.memory_space<semaphore_mem>>) src(%arg13 : memref<64x128xf32, #tpu.memory_space<vmem>>) dst(%dma_wait3A_388 : memref<10240x128xf32, #tpu.memory_space<vmem_shared>>)
        tpu.yield
      }) : () -> ()
      %dma_wait3A_301 = arith.constant 0 : i32
      %dma_wait3A_302 = tpu.memref_slice %arg5[%multiple_of3A_258, %dma_wait3A_301] : memref<163840x128xf32, #tpu.memory_space<hbm>> -> memref<64x128xf32, #tpu.memory_space<hbm>>
      %dma_wait3A_303 = arith.constant 0 : i32
      %dma_wait3A_304 = tpu.memref_slice %arg5[%multiple_of3A_258, %dma_wait3A_303] : memref<163840x128xf32, #tpu.memory_space<hbm>> -> memref<64x128xf32, #tpu.memory_space<hbm>>
      tpu.wait_dma2 semaphore(%arg18 : memref<!tpu.dma_semaphore, #tpu.memory_space<semaphore_mem>>) src(%dma_wait3A_304 : memref<64x128xf32, #tpu.memory_space<hbm>>) dst(%arg14 : memref<64x128xf32, #tpu.memory_space<vmem>>)
      %mul3A_305 = arith.constant 81920 : i32
      %mul3A_306 = arith.muli %arg0, %mul3A_305 : i32
      %mul3A_307 = arith.constant 5120 : i32
      %mul3A_308 = arith.muli %arg1, %mul3A_307 : i32
      %add3A_309 = arith.addi %mul3A_306, %mul3A_308 : i32
      %mul3A_310 = arith.constant 512 : i32
      %mul3A_311 = arith.muli %scan3A_194, %mul3A_310 : i32
      %add3A_312 = arith.addi %add3A_309, %mul3A_311 : i32
      %add3A_313 = arith.constant 320 : i32
      %add3A_314 = arith.addi %add3A_312, %add3A_313 : i32
      %multiple_of3A_315 = tpu.assume_multiple %add3A_314, 8 : i32
      %dma_start3A_316 = arith.constant 0 : i32
      %dma_start3A_317 = tpu.memref_slice %arg5[%multiple_of3A_315, %dma_start3A_316] : memref<163840x128xf32, #tpu.memory_space<hbm>> -> memref<64x128xf32, #tpu.memory_space<hbm>>
      %dma_start3A_318 = arith.constant 0 : i32
      %dma_start3A_319 = tpu.memref_slice %arg5[%multiple_of3A_315, %dma_start3A_318] : memref<163840x128xf32, #tpu.memory_space<hbm>> -> memref<64x128xf32, #tpu.memory_space<hbm>>
      tpu.enqueue_dma source(%dma_start3A_319 : memref<64x128xf32, #tpu.memory_space<hbm>>) target(%arg13 : memref<64x128xf32, #tpu.memory_space<vmem>>) target_semaphore(%arg17 : memref<!tpu.dma_semaphore, #tpu.memory_space<semaphore_mem>>)
      %run_scoped3A_320 = arith.constant 2 : i32
      "tpu.region"() ({
        %run_scoped3A_376 = tpu.sem_alloc : memref<!tpu.dma_semaphore, #tpu.memory_space<semaphore_mem>>
        %dma_start3A_377 = arith.constant 0 : i32
        %dma_start3A_378 = tpu.memref_slice %arg11[%run_scoped3A_320, %dma_start3A_377] : memref<8x64xi32, #tpu.memory_space<vmem>> -> memref<1x64xi32, #tpu.memory_space<vmem>>
        %dma_start3A_379 = tpu.memref_squeeze %dma_start3A_378 : memref<1x64xi32, #tpu.memory_space<vmem>> -> memref<64xi32, #tpu.memory_space<vmem>>
        %dma_start3A_380 = arith.constant 0 : i32
        %dma_start3A_381 = arith.constant 0 : i32
        %dma_start3A_382 = tpu.memref_slice %arg9[%dma_start3A_380, %dma_start3A_381] : memref<10240x128xf32, #tpu.memory_space<vmem_shared>> -> memref<10240x128xf32, #tpu.memory_space<vmem_shared>>
        tpu.enqueue_indirect_dma source(%arg14 : memref<64x128xf32, #tpu.memory_space<vmem>>) target(%dma_start3A_382 : memref<10240x128xf32, #tpu.memory_space<vmem_shared>>) offsets(%dma_start3A_379 : memref<64xi32, #tpu.memory_space<vmem>>) semaphore(%run_scoped3A_376 : memref<!tpu.dma_semaphore, #tpu.memory_space<semaphore_mem>>) {add = true}
        %dma_wait3A_383 = arith.constant 0 : i32
        %dma_wait3A_384 = tpu.memref_slice %arg11[%run_scoped3A_320, %dma_wait3A_383] : memref<8x64xi32, #tpu.memory_space<vmem>> -> memref<1x64xi32, #tpu.memory_space<vmem>>
        %dma_wait3A_385 = tpu.memref_squeeze %dma_wait3A_384 : memref<1x64xi32, #tpu.memory_space<vmem>> -> memref<64xi32, #tpu.memory_space<vmem>>
        %dma_wait3A_386 = arith.constant 0 : i32
        %dma_wait3A_387 = arith.constant 0 : i32
        %dma_wait3A_388 = tpu.memref_slice %arg9[%dma_wait3A_386, %dma_wait3A_387] : memref<10240x128xf32, #tpu.memory_space<vmem_shared>> -> memref<10240x128xf32, #tpu.memory_space<vmem_shared>>
        tpu.wait_indirect_dma semaphore(%run_scoped3A_376 : memref<!tpu.dma_semaphore, #tpu.memory_space<semaphore_mem>>) src(%arg14 : memref<64x128xf32, #tpu.memory_space<vmem>>) dst(%dma_wait3A_388 : memref<10240x128xf32, #tpu.memory_space<vmem_shared>>)
        tpu.yield
      }) : () -> ()
      %dma_wait3A_321 = arith.constant 0 : i32
      %dma_wait3A_322 = tpu.memref_slice %arg5[%multiple_of3A_276, %dma_wait3A_321] : memref<163840x128xf32, #tpu.memory_space<hbm>> -> memref<64x128xf32, #tpu.memory_space<hbm>>
      %dma_wait3A_323 = arith.constant 0 : i32
      %dma_wait3A_324 = tpu.memref_slice %arg5[%multiple_of3A_276, %dma_wait3A_323] : memref<163840x128xf32, #tpu.memory_space<hbm>> -> memref<64x128xf32, #tpu.memory_space<hbm>>
      tpu.wait_dma2 semaphore(%arg19 : memref<!tpu.dma_semaphore, #tpu.memory_space<semaphore_mem>>) src(%dma_wait3A_324 : memref<64x128xf32, #tpu.memory_space<hbm>>) dst(%arg15 : memref<64x128xf32, #tpu.memory_space<vmem>>)
      %mul3A_325 = arith.constant 81920 : i32
      %mul3A_326 = arith.muli %arg0, %mul3A_325 : i32
      %mul3A_327 = arith.constant 5120 : i32
      %mul3A_328 = arith.muli %arg1, %mul3A_327 : i32
      %add3A_329 = arith.addi %mul3A_326, %mul3A_328 : i32
      %mul3A_330 = arith.constant 512 : i32
      %mul3A_331 = arith.muli %scan3A_194, %mul3A_330 : i32
      %add3A_332 = arith.addi %add3A_329, %mul3A_331 : i32
      %add3A_333 = arith.constant 384 : i32
      %add3A_334 = arith.addi %add3A_332, %add3A_333 : i32
      %multiple_of3A_335 = tpu.assume_multiple %add3A_334, 8 : i32
      %dma_start3A_336 = arith.constant 0 : i32
      %dma_start3A_337 = tpu.memref_slice %arg5[%multiple_of3A_335, %dma_start3A_336] : memref<163840x128xf32, #tpu.memory_space<hbm>> -> memref<64x128xf32, #tpu.memory_space<hbm>>
      %dma_start3A_338 = arith.constant 0 : i32
      %dma_start3A_339 = tpu.memref_slice %arg5[%multiple_of3A_335, %dma_start3A_338] : memref<163840x128xf32, #tpu.memory_space<hbm>> -> memref<64x128xf32, #tpu.memory_space<hbm>>
      tpu.enqueue_dma source(%dma_start3A_339 : memref<64x128xf32, #tpu.memory_space<hbm>>) target(%arg14 : memref<64x128xf32, #tpu.memory_space<vmem>>) target_semaphore(%arg18 : memref<!tpu.dma_semaphore, #tpu.memory_space<semaphore_mem>>)
      %run_scoped3A_340 = arith.constant 3 : i32
      "tpu.region"() ({
        %run_scoped3A_376 = tpu.sem_alloc : memref<!tpu.dma_semaphore, #tpu.memory_space<semaphore_mem>>
        %dma_start3A_377 = arith.constant 0 : i32
        %dma_start3A_378 = tpu.memref_slice %arg11[%run_scoped3A_340, %dma_start3A_377] : memref<8x64xi32, #tpu.memory_space<vmem>> -> memref<1x64xi32, #tpu.memory_space<vmem>>
        %dma_start3A_379 = tpu.memref_squeeze %dma_start3A_378 : memref<1x64xi32, #tpu.memory_space<vmem>> -> memref<64xi32, #tpu.memory_space<vmem>>
        %dma_start3A_380 = arith.constant 0 : i32
        %dma_start3A_381 = arith.constant 0 : i32
        %dma_start3A_382 = tpu.memref_slice %arg9[%dma_start3A_380, %dma_start3A_381] : memref<10240x128xf32, #tpu.memory_space<vmem_shared>> -> memref<10240x128xf32, #tpu.memory_space<vmem_shared>>
        tpu.enqueue_indirect_dma source(%arg15 : memref<64x128xf32, #tpu.memory_space<vmem>>) target(%dma_start3A_382 : memref<10240x128xf32, #tpu.memory_space<vmem_shared>>) offsets(%dma_start3A_379 : memref<64xi32, #tpu.memory_space<vmem>>) semaphore(%run_scoped3A_376 : memref<!tpu.dma_semaphore, #tpu.memory_space<semaphore_mem>>) {add = true}
        %dma_wait3A_383 = arith.constant 0 : i32
        %dma_wait3A_384 = tpu.memref_slice %arg11[%run_scoped3A_340, %dma_wait3A_383] : memref<8x64xi32, #tpu.memory_space<vmem>> -> memref<1x64xi32, #tpu.memory_space<vmem>>
        %dma_wait3A_385 = tpu.memref_squeeze %dma_wait3A_384 : memref<1x64xi32, #tpu.memory_space<vmem>> -> memref<64xi32, #tpu.memory_space<vmem>>
        %dma_wait3A_386 = arith.constant 0 : i32
        %dma_wait3A_387 = arith.constant 0 : i32
        %dma_wait3A_388 = tpu.memref_slice %arg9[%dma_wait3A_386, %dma_wait3A_387] : memref<10240x128xf32, #tpu.memory_space<vmem_shared>> -> memref<10240x128xf32, #tpu.memory_space<vmem_shared>>
        tpu.wait_indirect_dma semaphore(%run_scoped3A_376 : memref<!tpu.dma_semaphore, #tpu.memory_space<semaphore_mem>>) src(%arg15 : memref<64x128xf32, #tpu.memory_space<vmem>>) dst(%dma_wait3A_388 : memref<10240x128xf32, #tpu.memory_space<vmem_shared>>)
        tpu.yield
      }) : () -> ()
      %dma_wait3A_341 = arith.constant 0 : i32
      %dma_wait3A_342 = tpu.memref_slice %arg5[%multiple_of3A_295, %dma_wait3A_341] : memref<163840x128xf32, #tpu.memory_space<hbm>> -> memref<64x128xf32, #tpu.memory_space<hbm>>
      %dma_wait3A_343 = arith.constant 0 : i32
      %dma_wait3A_344 = tpu.memref_slice %arg5[%multiple_of3A_295, %dma_wait3A_343] : memref<163840x128xf32, #tpu.memory_space<hbm>> -> memref<64x128xf32, #tpu.memory_space<hbm>>
      tpu.wait_dma2 semaphore(%arg16 : memref<!tpu.dma_semaphore, #tpu.memory_space<semaphore_mem>>) src(%dma_wait3A_344 : memref<64x128xf32, #tpu.memory_space<hbm>>) dst(%arg12 : memref<64x128xf32, #tpu.memory_space<vmem>>)
      %mul3A_345 = arith.constant 81920 : i32
      %mul3A_346 = arith.muli %arg0, %mul3A_345 : i32
      %mul3A_347 = arith.constant 5120 : i32
      %mul3A_348 = arith.muli %arg1, %mul3A_347 : i32
      %add3A_349 = arith.addi %mul3A_346, %mul3A_348 : i32
      %mul3A_350 = arith.constant 512 : i32
      %mul3A_351 = arith.muli %scan3A_194, %mul3A_350 : i32
      %add3A_352 = arith.addi %add3A_349, %mul3A_351 : i32
      %add3A_353 = arith.constant 448 : i32
      %add3A_354 = arith.addi %add3A_352, %add3A_353 : i32
      %multiple_of3A_355 = tpu.assume_multiple %add3A_354, 8 : i32
      %dma_start3A_356 = arith.constant 0 : i32
      %dma_start3A_357 = tpu.memref_slice %arg5[%multiple_of3A_355, %dma_start3A_356] : memref<163840x128xf32, #tpu.memory_space<hbm>> -> memref<64x128xf32, #tpu.memory_space<hbm>>
      %dma_start3A_358 = arith.constant 0 : i32
      %dma_start3A_359 = tpu.memref_slice %arg5[%multiple_of3A_355, %dma_start3A_358] : memref<163840x128xf32, #tpu.memory_space<hbm>> -> memref<64x128xf32, #tpu.memory_space<hbm>>
      tpu.enqueue_dma source(%dma_start3A_359 : memref<64x128xf32, #tpu.memory_space<hbm>>) target(%arg15 : memref<64x128xf32, #tpu.memory_space<vmem>>) target_semaphore(%arg19 : memref<!tpu.dma_semaphore, #tpu.memory_space<semaphore_mem>>)
      %run_scoped3A_360 = arith.constant 4 : i32
      "tpu.region"() ({
        %run_scoped3A_376 = tpu.sem_alloc : memref<!tpu.dma_semaphore, #tpu.memory_space<semaphore_mem>>
        %dma_start3A_377 = arith.constant 0 : i32
        %dma_start3A_378 = tpu.memref_slice %arg11[%run_scoped3A_360, %dma_start3A_377] : memref<8x64xi32, #tpu.memory_space<vmem>> -> memref<1x64xi32, #tpu.memory_space<vmem>>
        %dma_start3A_379 = tpu.memref_squeeze %dma_start3A_378 : memref<1x64xi32, #tpu.memory_space<vmem>> -> memref<64xi32, #tpu.memory_space<vmem>>
        %dma_start3A_380 = arith.constant 0 : i32
        %dma_start3A_381 = arith.constant 0 : i32
        %dma_start3A_382 = tpu.memref_slice %arg9[%dma_start3A_380, %dma_start3A_381] : memref<10240x128xf32, #tpu.memory_space<vmem_shared>> -> memref<10240x128xf32, #tpu.memory_space<vmem_shared>>
        tpu.enqueue_indirect_dma source(%arg12 : memref<64x128xf32, #tpu.memory_space<vmem>>) target(%dma_start3A_382 : memref<10240x128xf32, #tpu.memory_space<vmem_shared>>) offsets(%dma_start3A_379 : memref<64xi32, #tpu.memory_space<vmem>>) semaphore(%run_scoped3A_376 : memref<!tpu.dma_semaphore, #tpu.memory_space<semaphore_mem>>) {add = true}
        %dma_wait3A_383 = arith.constant 0 : i32
        %dma_wait3A_384 = tpu.memref_slice %arg11[%run_scoped3A_360, %dma_wait3A_383] : memref<8x64xi32, #tpu.memory_space<vmem>> -> memref<1x64xi32, #tpu.memory_space<vmem>>
        %dma_wait3A_385 = tpu.memref_squeeze %dma_wait3A_384 : memref<1x64xi32, #tpu.memory_space<vmem>> -> memref<64xi32, #tpu.memory_space<vmem>>
        %dma_wait3A_386 = arith.constant 0 : i32
        %dma_wait3A_387 = arith.constant 0 : i32
        %dma_wait3A_388 = tpu.memref_slice %arg9[%dma_wait3A_386, %dma_wait3A_387] : memref<10240x128xf32, #tpu.memory_space<vmem_shared>> -> memref<10240x128xf32, #tpu.memory_space<vmem_shared>>
        tpu.wait_indirect_dma semaphore(%run_scoped3A_376 : memref<!tpu.dma_semaphore, #tpu.memory_space<semaphore_mem>>) src(%arg12 : memref<64x128xf32, #tpu.memory_space<vmem>>) dst(%dma_wait3A_388 : memref<10240x128xf32, #tpu.memory_space<vmem_shared>>)
        tpu.yield
      }) : () -> ()
      %dma_wait3A_361 = arith.constant 0 : i32
      %dma_wait3A_362 = tpu.memref_slice %arg5[%multiple_of3A_315, %dma_wait3A_361] : memref<163840x128xf32, #tpu.memory_space<hbm>> -> memref<64x128xf32, #tpu.memory_space<hbm>>
      %dma_wait3A_363 = arith.constant 0 : i32
      %dma_wait3A_364 = tpu.memref_slice %arg5[%multiple_of3A_315, %dma_wait3A_363] : memref<163840x128xf32, #tpu.memory_space<hbm>> -> memref<64x128xf32, #tpu.memory_space<hbm>>
      tpu.wait_dma2 semaphore(%arg17 : memref<!tpu.dma_semaphore, #tpu.memory_space<semaphore_mem>>) src(%dma_wait3A_364 : memref<64x128xf32, #tpu.memory_space<hbm>>) dst(%arg13 : memref<64x128xf32, #tpu.memory_space<vmem>>)
      %run_scoped3A_365 = arith.constant 5 : i32
      "tpu.region"() ({
        %run_scoped3A_376 = tpu.sem_alloc : memref<!tpu.dma_semaphore, #tpu.memory_space<semaphore_mem>>
        %dma_start3A_377 = arith.constant 0 : i32
        %dma_start3A_378 = tpu.memref_slice %arg11[%run_scoped3A_365, %dma_start3A_377] : memref<8x64xi32, #tpu.memory_space<vmem>> -> memref<1x64xi32, #tpu.memory_space<vmem>>
        %dma_start3A_379 = tpu.memref_squeeze %dma_start3A_378 : memref<1x64xi32, #tpu.memory_space<vmem>> -> memref<64xi32, #tpu.memory_space<vmem>>
        %dma_start3A_380 = arith.constant 0 : i32
        %dma_start3A_381 = arith.constant 0 : i32
        %dma_start3A_382 = tpu.memref_slice %arg9[%dma_start3A_380, %dma_start3A_381] : memref<10240x128xf32, #tpu.memory_space<vmem_shared>> -> memref<10240x128xf32, #tpu.memory_space<vmem_shared>>
        tpu.enqueue_indirect_dma source(%arg13 : memref<64x128xf32, #tpu.memory_space<vmem>>) target(%dma_start3A_382 : memref<10240x128xf32, #tpu.memory_space<vmem_shared>>) offsets(%dma_start3A_379 : memref<64xi32, #tpu.memory_space<vmem>>) semaphore(%run_scoped3A_376 : memref<!tpu.dma_semaphore, #tpu.memory_space<semaphore_mem>>) {add = true}
        %dma_wait3A_383 = arith.constant 0 : i32
        %dma_wait3A_384 = tpu.memref_slice %arg11[%run_scoped3A_365, %dma_wait3A_383] : memref<8x64xi32, #tpu.memory_space<vmem>> -> memref<1x64xi32, #tpu.memory_space<vmem>>
        %dma_wait3A_385 = tpu.memref_squeeze %dma_wait3A_384 : memref<1x64xi32, #tpu.memory_space<vmem>> -> memref<64xi32, #tpu.memory_space<vmem>>
        %dma_wait3A_386 = arith.constant 0 : i32
        %dma_wait3A_387 = arith.constant 0 : i32
        %dma_wait3A_388 = tpu.memref_slice %arg9[%dma_wait3A_386, %dma_wait3A_387] : memref<10240x128xf32, #tpu.memory_space<vmem_shared>> -> memref<10240x128xf32, #tpu.memory_space<vmem_shared>>
        tpu.wait_indirect_dma semaphore(%run_scoped3A_376 : memref<!tpu.dma_semaphore, #tpu.memory_space<semaphore_mem>>) src(%arg13 : memref<64x128xf32, #tpu.memory_space<vmem>>) dst(%dma_wait3A_388 : memref<10240x128xf32, #tpu.memory_space<vmem_shared>>)
        tpu.yield
      }) : () -> ()
      %dma_wait3A_366 = arith.constant 0 : i32
      %dma_wait3A_367 = tpu.memref_slice %arg5[%multiple_of3A_335, %dma_wait3A_366] : memref<163840x128xf32, #tpu.memory_space<hbm>> -> memref<64x128xf32, #tpu.memory_space<hbm>>
      %dma_wait3A_368 = arith.constant 0 : i32
      %dma_wait3A_369 = tpu.memref_slice %arg5[%multiple_of3A_335, %dma_wait3A_368] : memref<163840x128xf32, #tpu.memory_space<hbm>> -> memref<64x128xf32, #tpu.memory_space<hbm>>
      tpu.wait_dma2 semaphore(%arg18 : memref<!tpu.dma_semaphore, #tpu.memory_space<semaphore_mem>>) src(%dma_wait3A_369 : memref<64x128xf32, #tpu.memory_space<hbm>>) dst(%arg14 : memref<64x128xf32, #tpu.memory_space<vmem>>)
      %run_scoped3A_370 = arith.constant 6 : i32
      "tpu.region"() ({
        %run_scoped3A_376 = tpu.sem_alloc : memref<!tpu.dma_semaphore, #tpu.memory_space<semaphore_mem>>
        %dma_start3A_377 = arith.constant 0 : i32
        %dma_start3A_378 = tpu.memref_slice %arg11[%run_scoped3A_370, %dma_start3A_377] : memref<8x64xi32, #tpu.memory_space<vmem>> -> memref<1x64xi32, #tpu.memory_space<vmem>>
        %dma_start3A_379 = tpu.memref_squeeze %dma_start3A_378 : memref<1x64xi32, #tpu.memory_space<vmem>> -> memref<64xi32, #tpu.memory_space<vmem>>
        %dma_start3A_380 = arith.constant 0 : i32
        %dma_start3A_381 = arith.constant 0 : i32
        %dma_start3A_382 = tpu.memref_slice %arg9[%dma_start3A_380, %dma_start3A_381] : memref<10240x128xf32, #tpu.memory_space<vmem_shared>> -> memref<10240x128xf32, #tpu.memory_space<vmem_shared>>
        tpu.enqueue_indirect_dma source(%arg14 : memref<64x128xf32, #tpu.memory_space<vmem>>) target(%dma_start3A_382 : memref<10240x128xf32, #tpu.memory_space<vmem_shared>>) offsets(%dma_start3A_379 : memref<64xi32, #tpu.memory_space<vmem>>) semaphore(%run_scoped3A_376 : memref<!tpu.dma_semaphore, #tpu.memory_space<semaphore_mem>>) {add = true}
        %dma_wait3A_383 = arith.constant 0 : i32
        %dma_wait3A_384 = tpu.memref_slice %arg11[%run_scoped3A_370, %dma_wait3A_383] : memref<8x64xi32, #tpu.memory_space<vmem>> -> memref<1x64xi32, #tpu.memory_space<vmem>>
        %dma_wait3A_385 = tpu.memref_squeeze %dma_wait3A_384 : memref<1x64xi32, #tpu.memory_space<vmem>> -> memref<64xi32, #tpu.memory_space<vmem>>
        %dma_wait3A_386 = arith.constant 0 : i32
        %dma_wait3A_387 = arith.constant 0 : i32
        %dma_wait3A_388 = tpu.memref_slice %arg9[%dma_wait3A_386, %dma_wait3A_387] : memref<10240x128xf32, #tpu.memory_space<vmem_shared>> -> memref<10240x128xf32, #tpu.memory_space<vmem_shared>>
        tpu.wait_indirect_dma semaphore(%run_scoped3A_376 : memref<!tpu.dma_semaphore, #tpu.memory_space<semaphore_mem>>) src(%arg14 : memref<64x128xf32, #tpu.memory_space<vmem>>) dst(%dma_wait3A_388 : memref<10240x128xf32, #tpu.memory_space<vmem_shared>>)
        tpu.yield
      }) : () -> ()
      %dma_wait3A_371 = arith.constant 0 : i32
      %dma_wait3A_372 = tpu.memref_slice %arg5[%multiple_of3A_355, %dma_wait3A_371] : memref<163840x128xf32, #tpu.memory_space<hbm>> -> memref<64x128xf32, #tpu.memory_space<hbm>>
      %dma_wait3A_373 = arith.constant 0 : i32
      %dma_wait3A_374 = tpu.memref_slice %arg5[%multiple_of3A_355, %dma_wait3A_373] : memref<163840x128xf32, #tpu.memory_space<hbm>> -> memref<64x128xf32, #tpu.memory_space<hbm>>
      tpu.wait_dma2 semaphore(%arg19 : memref<!tpu.dma_semaphore, #tpu.memory_space<semaphore_mem>>) src(%dma_wait3A_374 : memref<64x128xf32, #tpu.memory_space<hbm>>) dst(%arg15 : memref<64x128xf32, #tpu.memory_space<vmem>>)
      %run_scoped3A_375 = arith.constant 7 : i32
      "tpu.region"() ({
        %run_scoped3A_376 = tpu.sem_alloc : memref<!tpu.dma_semaphore, #tpu.memory_space<semaphore_mem>>
        %dma_start3A_377 = arith.constant 0 : i32
        %dma_start3A_378 = tpu.memref_slice %arg11[%run_scoped3A_375, %dma_start3A_377] : memref<8x64xi32, #tpu.memory_space<vmem>> -> memref<1x64xi32, #tpu.memory_space<vmem>>
        %dma_start3A_379 = tpu.memref_squeeze %dma_start3A_378 : memref<1x64xi32, #tpu.memory_space<vmem>> -> memref<64xi32, #tpu.memory_space<vmem>>
        %dma_start3A_380 = arith.constant 0 : i32
        %dma_start3A_381 = arith.constant 0 : i32
        %dma_start3A_382 = tpu.memref_slice %arg9[%dma_start3A_380, %dma_start3A_381] : memref<10240x128xf32, #tpu.memory_space<vmem_shared>> -> memref<10240x128xf32, #tpu.memory_space<vmem_shared>>
        tpu.enqueue_indirect_dma source(%arg15 : memref<64x128xf32, #tpu.memory_space<vmem>>) target(%dma_start3A_382 : memref<10240x128xf32, #tpu.memory_space<vmem_shared>>) offsets(%dma_start3A_379 : memref<64xi32, #tpu.memory_space<vmem>>) semaphore(%run_scoped3A_376 : memref<!tpu.dma_semaphore, #tpu.memory_space<semaphore_mem>>) {add = true}
        %dma_wait3A_383 = arith.constant 0 : i32
        %dma_wait3A_384 = tpu.memref_slice %arg11[%run_scoped3A_375, %dma_wait3A_383] : memref<8x64xi32, #tpu.memory_space<vmem>> -> memref<1x64xi32, #tpu.memory_space<vmem>>
        %dma_wait3A_385 = tpu.memref_squeeze %dma_wait3A_384 : memref<1x64xi32, #tpu.memory_space<vmem>> -> memref<64xi32, #tpu.memory_space<vmem>>
        %dma_wait3A_386 = arith.constant 0 : i32
        %dma_wait3A_387 = arith.constant 0 : i32
        %dma_wait3A_388 = tpu.memref_slice %arg9[%dma_wait3A_386, %dma_wait3A_387] : memref<10240x128xf32, #tpu.memory_space<vmem_shared>> -> memref<10240x128xf32, #tpu.memory_space<vmem_shared>>
        tpu.wait_indirect_dma semaphore(%run_scoped3A_376 : memref<!tpu.dma_semaphore, #tpu.memory_space<semaphore_mem>>) src(%arg15 : memref<64x128xf32, #tpu.memory_space<vmem>>) dst(%dma_wait3A_388 : memref<10240x128xf32, #tpu.memory_space<vmem_shared>>)
        tpu.yield
      }) : () -> ()
    }
    %scan3A_122 = arith.constant 10 : i32
    %barrier3A_123 = arith.constant 0 : index
    tpu.barrier barrier_id(%barrier3A_123)
    %add3A_124 = arith.constant 0 : i32
    %add3A_125 = arith.addi %mul3A_0, %add3A_124 : i32
    "tpu.region"() ({
      %run_scoped3A = tpu.sem_alloc : memref<!tpu.dma_semaphore, #tpu.memory_space<semaphore_mem>>
      %dma_start3A = arith.constant 0 : i32
      %dma_start3A_194 = tpu.memref_slice %arg9[%add3A_125, %dma_start3A] : memref<10240x128xf32, #tpu.memory_space<vmem_shared>> -> memref<64x128xf32, #tpu.memory_space<vmem_shared>>
      %dma_start3A_195 = arith.constant 0 : i32
      %dma_start3A_196 = tpu.memref_slice %arg9[%add3A_125, %dma_start3A_195] : memref<10240x128xf32, #tpu.memory_space<vmem_shared>> -> memref<64x128xf32, #tpu.memory_space<vmem_shared>>
      tpu.enqueue_dma source(%dma_start3A_196 : memref<64x128xf32, #tpu.memory_space<vmem_shared>>) target(%arg12 : memref<64x128xf32, #tpu.memory_space<vmem>>) target_semaphore(%run_scoped3A : memref<!tpu.dma_semaphore, #tpu.memory_space<semaphore_mem>>)
      %dma_wait3A = arith.constant 0 : i32
      %dma_wait3A_197 = tpu.memref_slice %arg9[%add3A_125, %dma_wait3A] : memref<10240x128xf32, #tpu.memory_space<vmem_shared>> -> memref<64x128xf32, #tpu.memory_space<vmem_shared>>
      %dma_wait3A_198 = arith.constant 0 : i32
      %dma_wait3A_199 = tpu.memref_slice %arg9[%add3A_125, %dma_wait3A_198] : memref<10240x128xf32, #tpu.memory_space<vmem_shared>> -> memref<64x128xf32, #tpu.memory_space<vmem_shared>>
      tpu.wait_dma2 semaphore(%run_scoped3A : memref<!tpu.dma_semaphore, #tpu.memory_space<semaphore_mem>>) src(%dma_wait3A_199 : memref<64x128xf32, #tpu.memory_space<vmem_shared>>) dst(%arg12 : memref<64x128xf32, #tpu.memory_space<vmem>>)
      tpu.yield
    }) : () -> ()
    %mul3A_126 = arith.constant 10240 : i32
    %mul3A_127 = arith.muli %arg0, %mul3A_126 : i32
    %add3A_128 = arith.addi %mul3A_127, %mul3A_0 : i32
    %add3A_129 = arith.constant 0 : i32
    %add3A_130 = arith.addi %add3A_128, %add3A_129 : i32
    "tpu.region"() ({
      %run_scoped3A = tpu.sem_alloc : memref<!tpu.dma_semaphore, #tpu.memory_space<semaphore_mem>>
      %dma_start3A = arith.constant 0 : i32
      %dma_start3A_194 = tpu.memref_slice %arg8[%add3A_130, %dma_start3A] : memref<20480x128xf32, #tpu.memory_space<hbm>> -> memref<64x128xf32, #tpu.memory_space<hbm>>
      %dma_start3A_195 = arith.constant 0 : i32
      %dma_start3A_196 = tpu.memref_slice %arg8[%add3A_130, %dma_start3A_195] : memref<20480x128xf32, #tpu.memory_space<hbm>> -> memref<64x128xf32, #tpu.memory_space<hbm>>
      tpu.enqueue_dma source(%arg12 : memref<64x128xf32, #tpu.memory_space<vmem>>) target(%dma_start3A_196 : memref<64x128xf32, #tpu.memory_space<hbm>>) target_semaphore(%run_scoped3A : memref<!tpu.dma_semaphore, #tpu.memory_space<semaphore_mem>>)
      %dma_wait3A = arith.constant 0 : i32
      %dma_wait3A_197 = tpu.memref_slice %arg8[%add3A_130, %dma_wait3A] : memref<20480x128xf32, #tpu.memory_space<hbm>> -> memref<64x128xf32, #tpu.memory_space<hbm>>
      %dma_wait3A_198 = arith.constant 0 : i32
      %dma_wait3A_199 = tpu.memref_slice %arg8[%add3A_130, %dma_wait3A_198] : memref<20480x128xf32, #tpu.memory_space<hbm>> -> memref<64x128xf32, #tpu.memory_space<hbm>>
      tpu.wait_dma2 semaphore(%run_scoped3A : memref<!tpu.dma_semaphore, #tpu.memory_space<semaphore_mem>>) src(%arg12 : memref<64x128xf32, #tpu.memory_space<vmem>>) dst(%dma_wait3A_199 : memref<64x128xf32, #tpu.memory_space<hbm>>)
      tpu.yield
    }) : () -> ()
    %add3A_131 = arith.constant 64 : i32
    %add3A_132 = arith.addi %mul3A_0, %add3A_131 : i32
    "tpu.region"() ({
      %run_scoped3A = tpu.sem_alloc : memref<!tpu.dma_semaphore, #tpu.memory_space<semaphore_mem>>
      %dma_start3A = arith.constant 0 : i32
      %dma_start3A_194 = tpu.memref_slice %arg9[%add3A_132, %dma_start3A] : memref<10240x128xf32, #tpu.memory_space<vmem_shared>> -> memref<64x128xf32, #tpu.memory_space<vmem_shared>>
      %dma_start3A_195 = arith.constant 0 : i32
      %dma_start3A_196 = tpu.memref_slice %arg9[%add3A_132, %dma_start3A_195] : memref<10240x128xf32, #tpu.memory_space<vmem_shared>> -> memref<64x128xf32, #tpu.memory_space<vmem_shared>>
      tpu.enqueue_dma source(%dma_start3A_196 : memref<64x128xf32, #tpu.memory_space<vmem_shared>>) target(%arg12 : memref<64x128xf32, #tpu.memory_space<vmem>>) target_semaphore(%run_scoped3A : memref<!tpu.dma_semaphore, #tpu.memory_space<semaphore_mem>>)
      %dma_wait3A = arith.constant 0 : i32
      %dma_wait3A_197 = tpu.memref_slice %arg9[%add3A_132, %dma_wait3A] : memref<10240x128xf32, #tpu.memory_space<vmem_shared>> -> memref<64x128xf32, #tpu.memory_space<vmem_shared>>
      %dma_wait3A_198 = arith.constant 0 : i32
      %dma_wait3A_199 = tpu.memref_slice %arg9[%add3A_132, %dma_wait3A_198] : memref<10240x128xf32, #tpu.memory_space<vmem_shared>> -> memref<64x128xf32, #tpu.memory_space<vmem_shared>>
      tpu.wait_dma2 semaphore(%run_scoped3A : memref<!tpu.dma_semaphore, #tpu.memory_space<semaphore_mem>>) src(%dma_wait3A_199 : memref<64x128xf32, #tpu.memory_space<vmem_shared>>) dst(%arg12 : memref<64x128xf32, #tpu.memory_space<vmem>>)
      tpu.yield
    }) : () -> ()
    %mul3A_133 = arith.constant 10240 : i32
    %mul3A_134 = arith.muli %arg0, %mul3A_133 : i32
    %add3A_135 = arith.addi %mul3A_134, %mul3A_0 : i32
    %add3A_136 = arith.constant 64 : i32
    %add3A_137 = arith.addi %add3A_135, %add3A_136 : i32
    "tpu.region"() ({
      %run_scoped3A = tpu.sem_alloc : memref<!tpu.dma_semaphore, #tpu.memory_space<semaphore_mem>>
      %dma_start3A = arith.constant 0 : i32
      %dma_start3A_194 = tpu.memref_slice %arg8[%add3A_137, %dma_start3A] : memref<20480x128xf32, #tpu.memory_space<hbm>> -> memref<64x128xf32, #tpu.memory_space<hbm>>
      %dma_start3A_195 = arith.constant 0 : i32
      %dma_start3A_196 = tpu.memref_slice %arg8[%add3A_137, %dma_start3A_195] : memref<20480x128xf32, #tpu.memory_space<hbm>> -> memref<64x128xf32, #tpu.memory_space<hbm>>
      tpu.enqueue_dma source(%arg12 : memref<64x128xf32, #tpu.memory_space<vmem>>) target(%dma_start3A_196 : memref<64x128xf32, #tpu.memory_space<hbm>>) target_semaphore(%run_scoped3A : memref<!tpu.dma_semaphore, #tpu.memory_space<semaphore_mem>>)
      %dma_wait3A = arith.constant 0 : i32
      %dma_wait3A_197 = tpu.memref_slice %arg8[%add3A_137, %dma_wait3A] : memref<20480x128xf32, #tpu.memory_space<hbm>> -> memref<64x128xf32, #tpu.memory_space<hbm>>
      %dma_wait3A_198 = arith.constant 0 : i32
      %dma_wait3A_199 = tpu.memref_slice %arg8[%add3A_137, %dma_wait3A_198] : memref<20480x128xf32, #tpu.memory_space<hbm>> -> memref<64x128xf32, #tpu.memory_space<hbm>>
      tpu.wait_dma2 semaphore(%run_scoped3A : memref<!tpu.dma_semaphore, #tpu.memory_space<semaphore_mem>>) src(%arg12 : memref<64x128xf32, #tpu.memory_space<vmem>>) dst(%dma_wait3A_199 : memref<64x128xf32, #tpu.memory_space<hbm>>)
      tpu.yield
    }) : () -> ()
    %add3A_138 = arith.constant 128 : i32
    %add3A_139 = arith.addi %mul3A_0, %add3A_138 : i32
    "tpu.region"() ({
      %run_scoped3A = tpu.sem_alloc : memref<!tpu.dma_semaphore, #tpu.memory_space<semaphore_mem>>
      %dma_start3A = arith.constant 0 : i32
      %dma_start3A_194 = tpu.memref_slice %arg9[%add3A_139, %dma_start3A] : memref<10240x128xf32, #tpu.memory_space<vmem_shared>> -> memref<64x128xf32, #tpu.memory_space<vmem_shared>>
      %dma_start3A_195 = arith.constant 0 : i32
      %dma_start3A_196 = tpu.memref_slice %arg9[%add3A_139, %dma_start3A_195] : memref<10240x128xf32, #tpu.memory_space<vmem_shared>> -> memref<64x128xf32, #tpu.memory_space<vmem_shared>>
      tpu.enqueue_dma source(%dma_start3A_196 : memref<64x128xf32, #tpu.memory_space<vmem_shared>>) target(%arg12 : memref<64x128xf32, #tpu.memory_space<vmem>>) target_semaphore(%run_scoped3A : memref<!tpu.dma_semaphore, #tpu.memory_space<semaphore_mem>>)
      %dma_wait3A = arith.constant 0 : i32
      %dma_wait3A_197 = tpu.memref_slice %arg9[%add3A_139, %dma_wait3A] : memref<10240x128xf32, #tpu.memory_space<vmem_shared>> -> memref<64x128xf32, #tpu.memory_space<vmem_shared>>
      %dma_wait3A_198 = arith.constant 0 : i32
      %dma_wait3A_199 = tpu.memref_slice %arg9[%add3A_139, %dma_wait3A_198] : memref<10240x128xf32, #tpu.memory_space<vmem_shared>> -> memref<64x128xf32, #tpu.memory_space<vmem_shared>>
      tpu.wait_dma2 semaphore(%run_scoped3A : memref<!tpu.dma_semaphore, #tpu.memory_space<semaphore_mem>>) src(%dma_wait3A_199 : memref<64x128xf32, #tpu.memory_space<vmem_shared>>) dst(%arg12 : memref<64x128xf32, #tpu.memory_space<vmem>>)
      tpu.yield
    }) : () -> ()
    %mul3A_140 = arith.constant 10240 : i32
    %mul3A_141 = arith.muli %arg0, %mul3A_140 : i32
    %add3A_142 = arith.addi %mul3A_141, %mul3A_0 : i32
    %add3A_143 = arith.constant 128 : i32
    %add3A_144 = arith.addi %add3A_142, %add3A_143 : i32
    "tpu.region"() ({
      %run_scoped3A = tpu.sem_alloc : memref<!tpu.dma_semaphore, #tpu.memory_space<semaphore_mem>>
      %dma_start3A = arith.constant 0 : i32
      %dma_start3A_194 = tpu.memref_slice %arg8[%add3A_144, %dma_start3A] : memref<20480x128xf32, #tpu.memory_space<hbm>> -> memref<64x128xf32, #tpu.memory_space<hbm>>
      %dma_start3A_195 = arith.constant 0 : i32
      %dma_start3A_196 = tpu.memref_slice %arg8[%add3A_144, %dma_start3A_195] : memref<20480x128xf32, #tpu.memory_space<hbm>> -> memref<64x128xf32, #tpu.memory_space<hbm>>
      tpu.enqueue_dma source(%arg12 : memref<64x128xf32, #tpu.memory_space<vmem>>) target(%dma_start3A_196 : memref<64x128xf32, #tpu.memory_space<hbm>>) target_semaphore(%run_scoped3A : memref<!tpu.dma_semaphore, #tpu.memory_space<semaphore_mem>>)
      %dma_wait3A = arith.constant 0 : i32
      %dma_wait3A_197 = tpu.memref_slice %arg8[%add3A_144, %dma_wait3A] : memref<20480x128xf32, #tpu.memory_space<hbm>> -> memref<64x128xf32, #tpu.memory_space<hbm>>
      %dma_wait3A_198 = arith.constant 0 : i32
      %dma_wait3A_199 = tpu.memref_slice %arg8[%add3A_144, %dma_wait3A_198] : memref<20480x128xf32, #tpu.memory_space<hbm>> -> memref<64x128xf32, #tpu.memory_space<hbm>>
      tpu.wait_dma2 semaphore(%run_scoped3A : memref<!tpu.dma_semaphore, #tpu.memory_space<semaphore_mem>>) src(%arg12 : memref<64x128xf32, #tpu.memory_space<vmem>>) dst(%dma_wait3A_199 : memref<64x128xf32, #tpu.memory_space<hbm>>)
      tpu.yield
    }) : () -> ()
    %add3A_145 = arith.constant 192 : i32
    %add3A_146 = arith.addi %mul3A_0, %add3A_145 : i32
    "tpu.region"() ({
      %run_scoped3A = tpu.sem_alloc : memref<!tpu.dma_semaphore, #tpu.memory_space<semaphore_mem>>
      %dma_start3A = arith.constant 0 : i32
      %dma_start3A_194 = tpu.memref_slice %arg9[%add3A_146, %dma_start3A] : memref<10240x128xf32, #tpu.memory_space<vmem_shared>> -> memref<64x128xf32, #tpu.memory_space<vmem_shared>>
      %dma_start3A_195 = arith.constant 0 : i32
      %dma_start3A_196 = tpu.memref_slice %arg9[%add3A_146, %dma_start3A_195] : memref<10240x128xf32, #tpu.memory_space<vmem_shared>> -> memref<64x128xf32, #tpu.memory_space<vmem_shared>>
      tpu.enqueue_dma source(%dma_start3A_196 : memref<64x128xf32, #tpu.memory_space<vmem_shared>>) target(%arg12 : memref<64x128xf32, #tpu.memory_space<vmem>>) target_semaphore(%run_scoped3A : memref<!tpu.dma_semaphore, #tpu.memory_space<semaphore_mem>>)
      %dma_wait3A = arith.constant 0 : i32
      %dma_wait3A_197 = tpu.memref_slice %arg9[%add3A_146, %dma_wait3A] : memref<10240x128xf32, #tpu.memory_space<vmem_shared>> -> memref<64x128xf32, #tpu.memory_space<vmem_shared>>
      %dma_wait3A_198 = arith.constant 0 : i32
      %dma_wait3A_199 = tpu.memref_slice %arg9[%add3A_146, %dma_wait3A_198] : memref<10240x128xf32, #tpu.memory_space<vmem_shared>> -> memref<64x128xf32, #tpu.memory_space<vmem_shared>>
      tpu.wait_dma2 semaphore(%run_scoped3A : memref<!tpu.dma_semaphore, #tpu.memory_space<semaphore_mem>>) src(%dma_wait3A_199 : memref<64x128xf32, #tpu.memory_space<vmem_shared>>) dst(%arg12 : memref<64x128xf32, #tpu.memory_space<vmem>>)
      tpu.yield
    }) : () -> ()
    %mul3A_147 = arith.constant 10240 : i32
    %mul3A_148 = arith.muli %arg0, %mul3A_147 : i32
    %add3A_149 = arith.addi %mul3A_148, %mul3A_0 : i32
    %add3A_150 = arith.constant 192 : i32
    %add3A_151 = arith.addi %add3A_149, %add3A_150 : i32
    "tpu.region"() ({
      %run_scoped3A = tpu.sem_alloc : memref<!tpu.dma_semaphore, #tpu.memory_space<semaphore_mem>>
      %dma_start3A = arith.constant 0 : i32
      %dma_start3A_194 = tpu.memref_slice %arg8[%add3A_151, %dma_start3A] : memref<20480x128xf32, #tpu.memory_space<hbm>> -> memref<64x128xf32, #tpu.memory_space<hbm>>
      %dma_start3A_195 = arith.constant 0 : i32
      %dma_start3A_196 = tpu.memref_slice %arg8[%add3A_151, %dma_start3A_195] : memref<20480x128xf32, #tpu.memory_space<hbm>> -> memref<64x128xf32, #tpu.memory_space<hbm>>
      tpu.enqueue_dma source(%arg12 : memref<64x128xf32, #tpu.memory_space<vmem>>) target(%dma_start3A_196 : memref<64x128xf32, #tpu.memory_space<hbm>>) target_semaphore(%run_scoped3A : memref<!tpu.dma_semaphore, #tpu.memory_space<semaphore_mem>>)
      %dma_wait3A = arith.constant 0 : i32
      %dma_wait3A_197 = tpu.memref_slice %arg8[%add3A_151, %dma_wait3A] : memref<20480x128xf32, #tpu.memory_space<hbm>> -> memref<64x128xf32, #tpu.memory_space<hbm>>
      %dma_wait3A_198 = arith.constant 0 : i32
      %dma_wait3A_199 = tpu.memref_slice %arg8[%add3A_151, %dma_wait3A_198] : memref<20480x128xf32, #tpu.memory_space<hbm>> -> memref<64x128xf32, #tpu.memory_space<hbm>>
      tpu.wait_dma2 semaphore(%run_scoped3A : memref<!tpu.dma_semaphore, #tpu.memory_space<semaphore_mem>>) src(%arg12 : memref<64x128xf32, #tpu.memory_space<vmem>>) dst(%dma_wait3A_199 : memref<64x128xf32, #tpu.memory_space<hbm>>)
      tpu.yield
    }) : () -> ()
    %add3A_152 = arith.constant 256 : i32
    %add3A_153 = arith.addi %mul3A_0, %add3A_152 : i32
    "tpu.region"() ({
      %run_scoped3A = tpu.sem_alloc : memref<!tpu.dma_semaphore, #tpu.memory_space<semaphore_mem>>
      %dma_start3A = arith.constant 0 : i32
      %dma_start3A_194 = tpu.memref_slice %arg9[%add3A_153, %dma_start3A] : memref<10240x128xf32, #tpu.memory_space<vmem_shared>> -> memref<64x128xf32, #tpu.memory_space<vmem_shared>>
      %dma_start3A_195 = arith.constant 0 : i32
      %dma_start3A_196 = tpu.memref_slice %arg9[%add3A_153, %dma_start3A_195] : memref<10240x128xf32, #tpu.memory_space<vmem_shared>> -> memref<64x128xf32, #tpu.memory_space<vmem_shared>>
      tpu.enqueue_dma source(%dma_start3A_196 : memref<64x128xf32, #tpu.memory_space<vmem_shared>>) target(%arg12 : memref<64x128xf32, #tpu.memory_space<vmem>>) target_semaphore(%run_scoped3A : memref<!tpu.dma_semaphore, #tpu.memory_space<semaphore_mem>>)
      %dma_wait3A = arith.constant 0 : i32
      %dma_wait3A_197 = tpu.memref_slice %arg9[%add3A_153, %dma_wait3A] : memref<10240x128xf32, #tpu.memory_space<vmem_shared>> -> memref<64x128xf32, #tpu.memory_space<vmem_shared>>
      %dma_wait3A_198 = arith.constant 0 : i32
      %dma_wait3A_199 = tpu.memref_slice %arg9[%add3A_153, %dma_wait3A_198] : memref<10240x128xf32, #tpu.memory_space<vmem_shared>> -> memref<64x128xf32, #tpu.memory_space<vmem_shared>>
      tpu.wait_dma2 semaphore(%run_scoped3A : memref<!tpu.dma_semaphore, #tpu.memory_space<semaphore_mem>>) src(%dma_wait3A_199 : memref<64x128xf32, #tpu.memory_space<vmem_shared>>) dst(%arg12 : memref<64x128xf32, #tpu.memory_space<vmem>>)
      tpu.yield
    }) : () -> ()
    %mul3A_154 = arith.constant 10240 : i32
    %mul3A_155 = arith.muli %arg0, %mul3A_154 : i32
    %add3A_156 = arith.addi %mul3A_155, %mul3A_0 : i32
    %add3A_157 = arith.constant 256 : i32
    %add3A_158 = arith.addi %add3A_156, %add3A_157 : i32
    "tpu.region"() ({
      %run_scoped3A = tpu.sem_alloc : memref<!tpu.dma_semaphore, #tpu.memory_space<semaphore_mem>>
      %dma_start3A = arith.constant 0 : i32
      %dma_start3A_194 = tpu.memref_slice %arg8[%add3A_158, %dma_start3A] : memref<20480x128xf32, #tpu.memory_space<hbm>> -> memref<64x128xf32, #tpu.memory_space<hbm>>
      %dma_start3A_195 = arith.constant 0 : i32
      %dma_start3A_196 = tpu.memref_slice %arg8[%add3A_158, %dma_start3A_195] : memref<20480x128xf32, #tpu.memory_space<hbm>> -> memref<64x128xf32, #tpu.memory_space<hbm>>
      tpu.enqueue_dma source(%arg12 : memref<64x128xf32, #tpu.memory_space<vmem>>) target(%dma_start3A_196 : memref<64x128xf32, #tpu.memory_space<hbm>>) target_semaphore(%run_scoped3A : memref<!tpu.dma_semaphore, #tpu.memory_space<semaphore_mem>>)
      %dma_wait3A = arith.constant 0 : i32
      %dma_wait3A_197 = tpu.memref_slice %arg8[%add3A_158, %dma_wait3A] : memref<20480x128xf32, #tpu.memory_space<hbm>> -> memref<64x128xf32, #tpu.memory_space<hbm>>
      %dma_wait3A_198 = arith.constant 0 : i32
      %dma_wait3A_199 = tpu.memref_slice %arg8[%add3A_158, %dma_wait3A_198] : memref<20480x128xf32, #tpu.memory_space<hbm>> -> memref<64x128xf32, #tpu.memory_space<hbm>>
      tpu.wait_dma2 semaphore(%run_scoped3A : memref<!tpu.dma_semaphore, #tpu.memory_space<semaphore_mem>>) src(%arg12 : memref<64x128xf32, #tpu.memory_space<vmem>>) dst(%dma_wait3A_199 : memref<64x128xf32, #tpu.memory_space<hbm>>)
      tpu.yield
    }) : () -> ()
    %add3A_159 = arith.constant 320 : i32
    %add3A_160 = arith.addi %mul3A_0, %add3A_159 : i32
    "tpu.region"() ({
      %run_scoped3A = tpu.sem_alloc : memref<!tpu.dma_semaphore, #tpu.memory_space<semaphore_mem>>
      %dma_start3A = arith.constant 0 : i32
      %dma_start3A_194 = tpu.memref_slice %arg9[%add3A_160, %dma_start3A] : memref<10240x128xf32, #tpu.memory_space<vmem_shared>> -> memref<64x128xf32, #tpu.memory_space<vmem_shared>>
      %dma_start3A_195 = arith.constant 0 : i32
      %dma_start3A_196 = tpu.memref_slice %arg9[%add3A_160, %dma_start3A_195] : memref<10240x128xf32, #tpu.memory_space<vmem_shared>> -> memref<64x128xf32, #tpu.memory_space<vmem_shared>>
      tpu.enqueue_dma source(%dma_start3A_196 : memref<64x128xf32, #tpu.memory_space<vmem_shared>>) target(%arg12 : memref<64x128xf32, #tpu.memory_space<vmem>>) target_semaphore(%run_scoped3A : memref<!tpu.dma_semaphore, #tpu.memory_space<semaphore_mem>>)
      %dma_wait3A = arith.constant 0 : i32
      %dma_wait3A_197 = tpu.memref_slice %arg9[%add3A_160, %dma_wait3A] : memref<10240x128xf32, #tpu.memory_space<vmem_shared>> -> memref<64x128xf32, #tpu.memory_space<vmem_shared>>
      %dma_wait3A_198 = arith.constant 0 : i32
      %dma_wait3A_199 = tpu.memref_slice %arg9[%add3A_160, %dma_wait3A_198] : memref<10240x128xf32, #tpu.memory_space<vmem_shared>> -> memref<64x128xf32, #tpu.memory_space<vmem_shared>>
      tpu.wait_dma2 semaphore(%run_scoped3A : memref<!tpu.dma_semaphore, #tpu.memory_space<semaphore_mem>>) src(%dma_wait3A_199 : memref<64x128xf32, #tpu.memory_space<vmem_shared>>) dst(%arg12 : memref<64x128xf32, #tpu.memory_space<vmem>>)
      tpu.yield
    }) : () -> ()
    %mul3A_161 = arith.constant 10240 : i32
    %mul3A_162 = arith.muli %arg0, %mul3A_161 : i32
    %add3A_163 = arith.addi %mul3A_162, %mul3A_0 : i32
    %add3A_164 = arith.constant 320 : i32
    %add3A_165 = arith.addi %add3A_163, %add3A_164 : i32
    "tpu.region"() ({
      %run_scoped3A = tpu.sem_alloc : memref<!tpu.dma_semaphore, #tpu.memory_space<semaphore_mem>>
      %dma_start3A = arith.constant 0 : i32
      %dma_start3A_194 = tpu.memref_slice %arg8[%add3A_165, %dma_start3A] : memref<20480x128xf32, #tpu.memory_space<hbm>> -> memref<64x128xf32, #tpu.memory_space<hbm>>
      %dma_start3A_195 = arith.constant 0 : i32
      %dma_start3A_196 = tpu.memref_slice %arg8[%add3A_165, %dma_start3A_195] : memref<20480x128xf32, #tpu.memory_space<hbm>> -> memref<64x128xf32, #tpu.memory_space<hbm>>
      tpu.enqueue_dma source(%arg12 : memref<64x128xf32, #tpu.memory_space<vmem>>) target(%dma_start3A_196 : memref<64x128xf32, #tpu.memory_space<hbm>>) target_semaphore(%run_scoped3A : memref<!tpu.dma_semaphore, #tpu.memory_space<semaphore_mem>>)
      %dma_wait3A = arith.constant 0 : i32
      %dma_wait3A_197 = tpu.memref_slice %arg8[%add3A_165, %dma_wait3A] : memref<20480x128xf32, #tpu.memory_space<hbm>> -> memref<64x128xf32, #tpu.memory_space<hbm>>
      %dma_wait3A_198 = arith.constant 0 : i32
      %dma_wait3A_199 = tpu.memref_slice %arg8[%add3A_165, %dma_wait3A_198] : memref<20480x128xf32, #tpu.memory_space<hbm>> -> memref<64x128xf32, #tpu.memory_space<hbm>>
      tpu.wait_dma2 semaphore(%run_scoped3A : memref<!tpu.dma_semaphore, #tpu.memory_space<semaphore_mem>>) src(%arg12 : memref<64x128xf32, #tpu.memory_space<vmem>>) dst(%dma_wait3A_199 : memref<64x128xf32, #tpu.memory_space<hbm>>)
      tpu.yield
    }) : () -> ()
    %add3A_166 = arith.constant 384 : i32
    %add3A_167 = arith.addi %mul3A_0, %add3A_166 : i32
    "tpu.region"() ({
      %run_scoped3A = tpu.sem_alloc : memref<!tpu.dma_semaphore, #tpu.memory_space<semaphore_mem>>
      %dma_start3A = arith.constant 0 : i32
      %dma_start3A_194 = tpu.memref_slice %arg9[%add3A_167, %dma_start3A] : memref<10240x128xf32, #tpu.memory_space<vmem_shared>> -> memref<64x128xf32, #tpu.memory_space<vmem_shared>>
      %dma_start3A_195 = arith.constant 0 : i32
      %dma_start3A_196 = tpu.memref_slice %arg9[%add3A_167, %dma_start3A_195] : memref<10240x128xf32, #tpu.memory_space<vmem_shared>> -> memref<64x128xf32, #tpu.memory_space<vmem_shared>>
      tpu.enqueue_dma source(%dma_start3A_196 : memref<64x128xf32, #tpu.memory_space<vmem_shared>>) target(%arg12 : memref<64x128xf32, #tpu.memory_space<vmem>>) target_semaphore(%run_scoped3A : memref<!tpu.dma_semaphore, #tpu.memory_space<semaphore_mem>>)
      %dma_wait3A = arith.constant 0 : i32
      %dma_wait3A_197 = tpu.memref_slice %arg9[%add3A_167, %dma_wait3A] : memref<10240x128xf32, #tpu.memory_space<vmem_shared>> -> memref<64x128xf32, #tpu.memory_space<vmem_shared>>
      %dma_wait3A_198 = arith.constant 0 : i32
      %dma_wait3A_199 = tpu.memref_slice %arg9[%add3A_167, %dma_wait3A_198] : memref<10240x128xf32, #tpu.memory_space<vmem_shared>> -> memref<64x128xf32, #tpu.memory_space<vmem_shared>>
      tpu.wait_dma2 semaphore(%run_scoped3A : memref<!tpu.dma_semaphore, #tpu.memory_space<semaphore_mem>>) src(%dma_wait3A_199 : memref<64x128xf32, #tpu.memory_space<vmem_shared>>) dst(%arg12 : memref<64x128xf32, #tpu.memory_space<vmem>>)
      tpu.yield
    }) : () -> ()
    %mul3A_168 = arith.constant 10240 : i32
    %mul3A_169 = arith.muli %arg0, %mul3A_168 : i32
    %add3A_170 = arith.addi %mul3A_169, %mul3A_0 : i32
    %add3A_171 = arith.constant 384 : i32
    %add3A_172 = arith.addi %add3A_170, %add3A_171 : i32
    "tpu.region"() ({
      %run_scoped3A = tpu.sem_alloc : memref<!tpu.dma_semaphore, #tpu.memory_space<semaphore_mem>>
      %dma_start3A = arith.constant 0 : i32
      %dma_start3A_194 = tpu.memref_slice %arg8[%add3A_172, %dma_start3A] : memref<20480x128xf32, #tpu.memory_space<hbm>> -> memref<64x128xf32, #tpu.memory_space<hbm>>
      %dma_start3A_195 = arith.constant 0 : i32
      %dma_start3A_196 = tpu.memref_slice %arg8[%add3A_172, %dma_start3A_195] : memref<20480x128xf32, #tpu.memory_space<hbm>> -> memref<64x128xf32, #tpu.memory_space<hbm>>
      tpu.enqueue_dma source(%arg12 : memref<64x128xf32, #tpu.memory_space<vmem>>) target(%dma_start3A_196 : memref<64x128xf32, #tpu.memory_space<hbm>>) target_semaphore(%run_scoped3A : memref<!tpu.dma_semaphore, #tpu.memory_space<semaphore_mem>>)
      %dma_wait3A = arith.constant 0 : i32
      %dma_wait3A_197 = tpu.memref_slice %arg8[%add3A_172, %dma_wait3A] : memref<20480x128xf32, #tpu.memory_space<hbm>> -> memref<64x128xf32, #tpu.memory_space<hbm>>
      %dma_wait3A_198 = arith.constant 0 : i32
      %dma_wait3A_199 = tpu.memref_slice %arg8[%add3A_172, %dma_wait3A_198] : memref<20480x128xf32, #tpu.memory_space<hbm>> -> memref<64x128xf32, #tpu.memory_space<hbm>>
      tpu.wait_dma2 semaphore(%run_scoped3A : memref<!tpu.dma_semaphore, #tpu.memory_space<semaphore_mem>>) src(%arg12 : memref<64x128xf32, #tpu.memory_space<vmem>>) dst(%dma_wait3A_199 : memref<64x128xf32, #tpu.memory_space<hbm>>)
      tpu.yield
    }) : () -> ()
    %add3A_173 = arith.constant 448 : i32
    %add3A_174 = arith.addi %mul3A_0, %add3A_173 : i32
    "tpu.region"() ({
      %run_scoped3A = tpu.sem_alloc : memref<!tpu.dma_semaphore, #tpu.memory_space<semaphore_mem>>
      %dma_start3A = arith.constant 0 : i32
      %dma_start3A_194 = tpu.memref_slice %arg9[%add3A_174, %dma_start3A] : memref<10240x128xf32, #tpu.memory_space<vmem_shared>> -> memref<64x128xf32, #tpu.memory_space<vmem_shared>>
      %dma_start3A_195 = arith.constant 0 : i32
      %dma_start3A_196 = tpu.memref_slice %arg9[%add3A_174, %dma_start3A_195] : memref<10240x128xf32, #tpu.memory_space<vmem_shared>> -> memref<64x128xf32, #tpu.memory_space<vmem_shared>>
      tpu.enqueue_dma source(%dma_start3A_196 : memref<64x128xf32, #tpu.memory_space<vmem_shared>>) target(%arg12 : memref<64x128xf32, #tpu.memory_space<vmem>>) target_semaphore(%run_scoped3A : memref<!tpu.dma_semaphore, #tpu.memory_space<semaphore_mem>>)
      %dma_wait3A = arith.constant 0 : i32
      %dma_wait3A_197 = tpu.memref_slice %arg9[%add3A_174, %dma_wait3A] : memref<10240x128xf32, #tpu.memory_space<vmem_shared>> -> memref<64x128xf32, #tpu.memory_space<vmem_shared>>
      %dma_wait3A_198 = arith.constant 0 : i32
      %dma_wait3A_199 = tpu.memref_slice %arg9[%add3A_174, %dma_wait3A_198] : memref<10240x128xf32, #tpu.memory_space<vmem_shared>> -> memref<64x128xf32, #tpu.memory_space<vmem_shared>>
      tpu.wait_dma2 semaphore(%run_scoped3A : memref<!tpu.dma_semaphore, #tpu.memory_space<semaphore_mem>>) src(%dma_wait3A_199 : memref<64x128xf32, #tpu.memory_space<vmem_shared>>) dst(%arg12 : memref<64x128xf32, #tpu.memory_space<vmem>>)
      tpu.yield
    }) : () -> ()
    %mul3A_175 = arith.constant 10240 : i32
    %mul3A_176 = arith.muli %arg0, %mul3A_175 : i32
    %add3A_177 = arith.addi %mul3A_176, %mul3A_0 : i32
    %add3A_178 = arith.constant 448 : i32
    %add3A_179 = arith.addi %add3A_177, %add3A_178 : i32
    "tpu.region"() ({
      %run_scoped3A = tpu.sem_alloc : memref<!tpu.dma_semaphore, #tpu.memory_space<semaphore_mem>>
      %dma_start3A = arith.constant 0 : i32
      %dma_start3A_194 = tpu.memref_slice %arg8[%add3A_179, %dma_start3A] : memref<20480x128xf32, #tpu.memory_space<hbm>> -> memref<64x128xf32, #tpu.memory_space<hbm>>
      %dma_start3A_195 = arith.constant 0 : i32
      %dma_start3A_196 = tpu.memref_slice %arg8[%add3A_179, %dma_start3A_195] : memref<20480x128xf32, #tpu.memory_space<hbm>> -> memref<64x128xf32, #tpu.memory_space<hbm>>
      tpu.enqueue_dma source(%arg12 : memref<64x128xf32, #tpu.memory_space<vmem>>) target(%dma_start3A_196 : memref<64x128xf32, #tpu.memory_space<hbm>>) target_semaphore(%run_scoped3A : memref<!tpu.dma_semaphore, #tpu.memory_space<semaphore_mem>>)
      %dma_wait3A = arith.constant 0 : i32
      %dma_wait3A_197 = tpu.memref_slice %arg8[%add3A_179, %dma_wait3A] : memref<20480x128xf32, #tpu.memory_space<hbm>> -> memref<64x128xf32, #tpu.memory_space<hbm>>
      %dma_wait3A_198 = arith.constant 0 : i32
      %dma_wait3A_199 = tpu.memref_slice %arg8[%add3A_179, %dma_wait3A_198] : memref<20480x128xf32, #tpu.memory_space<hbm>> -> memref<64x128xf32, #tpu.memory_space<hbm>>
      tpu.wait_dma2 semaphore(%run_scoped3A : memref<!tpu.dma_semaphore, #tpu.memory_space<semaphore_mem>>) src(%arg12 : memref<64x128xf32, #tpu.memory_space<vmem>>) dst(%dma_wait3A_199 : memref<64x128xf32, #tpu.memory_space<hbm>>)
      tpu.yield
    }) : () -> ()
    %add3A_180 = arith.constant 512 : i32
    %add3A_181 = arith.addi %mul3A_0, %add3A_180 : i32
    "tpu.region"() ({
      %run_scoped3A = tpu.sem_alloc : memref<!tpu.dma_semaphore, #tpu.memory_space<semaphore_mem>>
      %dma_start3A = arith.constant 0 : i32
      %dma_start3A_194 = tpu.memref_slice %arg9[%add3A_181, %dma_start3A] : memref<10240x128xf32, #tpu.memory_space<vmem_shared>> -> memref<64x128xf32, #tpu.memory_space<vmem_shared>>
      %dma_start3A_195 = arith.constant 0 : i32
      %dma_start3A_196 = tpu.memref_slice %arg9[%add3A_181, %dma_start3A_195] : memref<10240x128xf32, #tpu.memory_space<vmem_shared>> -> memref<64x128xf32, #tpu.memory_space<vmem_shared>>
      tpu.enqueue_dma source(%dma_start3A_196 : memref<64x128xf32, #tpu.memory_space<vmem_shared>>) target(%arg12 : memref<64x128xf32, #tpu.memory_space<vmem>>) target_semaphore(%run_scoped3A : memref<!tpu.dma_semaphore, #tpu.memory_space<semaphore_mem>>)
      %dma_wait3A = arith.constant 0 : i32
      %dma_wait3A_197 = tpu.memref_slice %arg9[%add3A_181, %dma_wait3A] : memref<10240x128xf32, #tpu.memory_space<vmem_shared>> -> memref<64x128xf32, #tpu.memory_space<vmem_shared>>
      %dma_wait3A_198 = arith.constant 0 : i32
      %dma_wait3A_199 = tpu.memref_slice %arg9[%add3A_181, %dma_wait3A_198] : memref<10240x128xf32, #tpu.memory_space<vmem_shared>> -> memref<64x128xf32, #tpu.memory_space<vmem_shared>>
      tpu.wait_dma2 semaphore(%run_scoped3A : memref<!tpu.dma_semaphore, #tpu.memory_space<semaphore_mem>>) src(%dma_wait3A_199 : memref<64x128xf32, #tpu.memory_space<vmem_shared>>) dst(%arg12 : memref<64x128xf32, #tpu.memory_space<vmem>>)
      tpu.yield
    }) : () -> ()
    %mul3A_182 = arith.constant 10240 : i32
    %mul3A_183 = arith.muli %arg0, %mul3A_182 : i32
    %add3A_184 = arith.addi %mul3A_183, %mul3A_0 : i32
    %add3A_185 = arith.constant 512 : i32
    %add3A_186 = arith.addi %add3A_184, %add3A_185 : i32
    "tpu.region"() ({
      %run_scoped3A = tpu.sem_alloc : memref<!tpu.dma_semaphore, #tpu.memory_space<semaphore_mem>>
      %dma_start3A = arith.constant 0 : i32
      %dma_start3A_194 = tpu.memref_slice %arg8[%add3A_186, %dma_start3A] : memref<20480x128xf32, #tpu.memory_space<hbm>> -> memref<64x128xf32, #tpu.memory_space<hbm>>
      %dma_start3A_195 = arith.constant 0 : i32
      %dma_start3A_196 = tpu.memref_slice %arg8[%add3A_186, %dma_start3A_195] : memref<20480x128xf32, #tpu.memory_space<hbm>> -> memref<64x128xf32, #tpu.memory_space<hbm>>
      tpu.enqueue_dma source(%arg12 : memref<64x128xf32, #tpu.memory_space<vmem>>) target(%dma_start3A_196 : memref<64x128xf32, #tpu.memory_space<hbm>>) target_semaphore(%run_scoped3A : memref<!tpu.dma_semaphore, #tpu.memory_space<semaphore_mem>>)
      %dma_wait3A = arith.constant 0 : i32
      %dma_wait3A_197 = tpu.memref_slice %arg8[%add3A_186, %dma_wait3A] : memref<20480x128xf32, #tpu.memory_space<hbm>> -> memref<64x128xf32, #tpu.memory_space<hbm>>
      %dma_wait3A_198 = arith.constant 0 : i32
      %dma_wait3A_199 = tpu.memref_slice %arg8[%add3A_186, %dma_wait3A_198] : memref<20480x128xf32, #tpu.memory_space<hbm>> -> memref<64x128xf32, #tpu.memory_space<hbm>>
      tpu.wait_dma2 semaphore(%run_scoped3A : memref<!tpu.dma_semaphore, #tpu.memory_space<semaphore_mem>>) src(%arg12 : memref<64x128xf32, #tpu.memory_space<vmem>>) dst(%dma_wait3A_199 : memref<64x128xf32, #tpu.memory_space<hbm>>)
      tpu.yield
    }) : () -> ()
    %add3A_187 = arith.constant 576 : i32
    %add3A_188 = arith.addi %mul3A_0, %add3A_187 : i32
    "tpu.region"() ({
      %run_scoped3A = tpu.sem_alloc : memref<!tpu.dma_semaphore, #tpu.memory_space<semaphore_mem>>
      %dma_start3A = arith.constant 0 : i32
      %dma_start3A_194 = tpu.memref_slice %arg9[%add3A_188, %dma_start3A] : memref<10240x128xf32, #tpu.memory_space<vmem_shared>> -> memref<64x128xf32, #tpu.memory_space<vmem_shared>>
      %dma_start3A_195 = arith.constant 0 : i32
      %dma_start3A_196 = tpu.memref_slice %arg9[%add3A_188, %dma_start3A_195] : memref<10240x128xf32, #tpu.memory_space<vmem_shared>> -> memref<64x128xf32, #tpu.memory_space<vmem_shared>>
      tpu.enqueue_dma source(%dma_start3A_196 : memref<64x128xf32, #tpu.memory_space<vmem_shared>>) target(%arg12 : memref<64x128xf32, #tpu.memory_space<vmem>>) target_semaphore(%run_scoped3A : memref<!tpu.dma_semaphore, #tpu.memory_space<semaphore_mem>>)
      %dma_wait3A = arith.constant 0 : i32
      %dma_wait3A_197 = tpu.memref_slice %arg9[%add3A_188, %dma_wait3A] : memref<10240x128xf32, #tpu.memory_space<vmem_shared>> -> memref<64x128xf32, #tpu.memory_space<vmem_shared>>
      %dma_wait3A_198 = arith.constant 0 : i32
      %dma_wait3A_199 = tpu.memref_slice %arg9[%add3A_188, %dma_wait3A_198] : memref<10240x128xf32, #tpu.memory_space<vmem_shared>> -> memref<64x128xf32, #tpu.memory_space<vmem_shared>>
      tpu.wait_dma2 semaphore(%run_scoped3A : memref<!tpu.dma_semaphore, #tpu.memory_space<semaphore_mem>>) src(%dma_wait3A_199 : memref<64x128xf32, #tpu.memory_space<vmem_shared>>) dst(%arg12 : memref<64x128xf32, #tpu.memory_space<vmem>>)
      tpu.yield
    }) : () -> ()
    %mul3A_189 = arith.constant 10240 : i32
    %mul3A_190 = arith.muli %arg0, %mul3A_189 : i32
    %add3A_191 = arith.addi %mul3A_190, %mul3A_0 : i32
    %add3A_192 = arith.constant 576 : i32
    %add3A_193 = arith.addi %add3A_191, %add3A_192 : i32
    "tpu.region"() ({
      %run_scoped3A = tpu.sem_alloc : memref<!tpu.dma_semaphore, #tpu.memory_space<semaphore_mem>>
      %dma_start3A = arith.constant 0 : i32
      %dma_start3A_194 = tpu.memref_slice %arg8[%add3A_193, %dma_start3A] : memref<20480x128xf32, #tpu.memory_space<hbm>> -> memref<64x128xf32, #tpu.memory_space<hbm>>
      %dma_start3A_195 = arith.constant 0 : i32
      %dma_start3A_196 = tpu.memref_slice %arg8[%add3A_193, %dma_start3A_195] : memref<20480x128xf32, #tpu.memory_space<hbm>> -> memref<64x128xf32, #tpu.memory_space<hbm>>
      tpu.enqueue_dma source(%arg12 : memref<64x128xf32, #tpu.memory_space<vmem>>) target(%dma_start3A_196 : memref<64x128xf32, #tpu.memory_space<hbm>>) target_semaphore(%run_scoped3A : memref<!tpu.dma_semaphore, #tpu.memory_space<semaphore_mem>>)
      %dma_wait3A = arith.constant 0 : i32
      %dma_wait3A_197 = tpu.memref_slice %arg8[%add3A_193, %dma_wait3A] : memref<20480x128xf32, #tpu.memory_space<hbm>> -> memref<64x128xf32, #tpu.memory_space<hbm>>
      %dma_wait3A_198 = arith.constant 0 : i32
      %dma_wait3A_199 = tpu.memref_slice %arg8[%add3A_193, %dma_wait3A_198] : memref<20480x128xf32, #tpu.memory_space<hbm>> -> memref<64x128xf32, #tpu.memory_space<hbm>>
      tpu.wait_dma2 semaphore(%run_scoped3A : memref<!tpu.dma_semaphore, #tpu.memory_space<semaphore_mem>>) src(%arg12 : memref<64x128xf32, #tpu.memory_space<vmem>>) dst(%dma_wait3A_199 : memref<64x128xf32, #tpu.memory_space<hbm>>)
      tpu.yield
    }) : () -> ()
    return
  }
}

module attributes {stable_mosaic.version = 14 : i64} {
  func.func @_tc_body(%arg0: i32, %arg1: memref<512x128xf32, #tpu.memory_space<vmem>>, %arg2: memref<512x128xf32, #tpu.memory_space<vmem>>, %arg3: memref<512x128xf32, #tpu.memory_space<vmem>>, %arg4: memref<512x128xf32, #tpu.memory_space<vmem>>, %arg5: memref<384x256xf32, #tpu.memory_space<vmem>>, %arg6: memref<512x256xf32, #tpu.memory_space<vmem>>) attributes {dimension_semantics = [#tpu.dimension_semantics<arbitrary>], iteration_bounds = array<i64: 20>, scalar_prefetch = 0 : i64, scratch_operands = 0 : i64, tpu.core_type = #tpu.core_type<tc>, window_params = [{transform_indices = @transform_0, window_bounds = array<i64: 512, 128>}, {transform_indices = @transform_1, window_bounds = array<i64: 512, 128>}, {transform_indices = @transform_2, window_bounds = array<i64: 512, 128>}, {transform_indices = @transform_3, window_bounds = array<i64: 512, 128>}, {pipeline_mode = #tpu.pipeline_mode<synchronous>, transform_indices = @transform_4, window_bounds = array<i64: 384, 256>}, {transform_indices = @transform_5, window_bounds = array<i64: 512, 256>}]} {
    %get3A = arith.constant 0 : index
    %get3A_0 = arith.constant 0 : index
    %get3A_1 = vector.load %arg5[%get3A, %get3A_0] : memref<384x256xf32, #tpu.memory_space<vmem>>, vector<384x256xf32>
    %get3A_2 = arith.constant 0 : index
    %get3A_3 = arith.constant 0 : index
    %get3A_4 = vector.load %arg3[%get3A_2, %get3A_3] : memref<512x128xf32, #tpu.memory_space<vmem>>, vector<512x128xf32>
    %get3A_5 = arith.constant 0 : index
    %get3A_6 = arith.constant 0 : index
    %get3A_7 = vector.load %arg4[%get3A_5, %get3A_6] : memref<512x128xf32, #tpu.memory_space<vmem>>, vector<512x128xf32>
    %add3A = arith.addf %get3A_4, %get3A_7 : vector<512x128xf32>
    %get3A_8 = arith.constant 0 : index
    %get3A_9 = arith.constant 0 : index
    %get3A_10 = vector.load %arg1[%get3A_8, %get3A_9] : memref<512x128xf32, #tpu.memory_space<vmem>>, vector<512x128xf32>
    %slice3A = vector.extract_strided_slice %get3A_1 {offsets = [0, 0], sizes = [128, 256], strides = [1, 1]} : vector<384x256xf32> to vector<128x256xf32>
    %dot_general3A = arith.constant dense<0.000000e+00> : vector<512x256xf32>
    %dot_general3A_11 = tpu.matmul %get3A_10, %slice3A, %dot_general3A {dimension_numbers = #tpu.dot_dimension_numbers<[1], [0], [0], [1], [0, 0, 1, 1], [], []>, transpose_lhs_hint = false} : vector<512x128xf32>, vector<128x256xf32>, vector<512x256xf32> -> vector<512x256xf32>
    %get3A_12 = arith.constant 0 : index
    %get3A_13 = arith.constant 0 : index
    %get3A_14 = vector.load %arg2[%get3A_12, %get3A_13] : memref<512x128xf32, #tpu.memory_space<vmem>>, vector<512x128xf32>
    %slice3A_15 = vector.extract_strided_slice %get3A_1 {offsets = [128, 0], sizes = [128, 256], strides = [1, 1]} : vector<384x256xf32> to vector<128x256xf32>
    %dot_general3A_16 = arith.constant dense<0.000000e+00> : vector<512x256xf32>
    %dot_general3A_17 = tpu.matmul %get3A_14, %slice3A_15, %dot_general3A_16 {dimension_numbers = #tpu.dot_dimension_numbers<[1], [0], [0], [1], [0, 0, 1, 1], [], []>, transpose_lhs_hint = false} : vector<512x128xf32>, vector<128x256xf32>, vector<512x256xf32> -> vector<512x256xf32>
    %add3A_18 = arith.addf %dot_general3A_11, %dot_general3A_17 : vector<512x256xf32>
    %slice3A_19 = vector.extract_strided_slice %get3A_1 {offsets = [256, 0], sizes = [128, 256], strides = [1, 1]} : vector<384x256xf32> to vector<128x256xf32>
    %dot_general3A_20 = arith.constant dense<0.000000e+00> : vector<512x256xf32>
    %dot_general3A_21 = tpu.matmul %add3A, %slice3A_19, %dot_general3A_20 {dimension_numbers = #tpu.dot_dimension_numbers<[1], [0], [0], [1], [0, 0, 1, 1], [], []>, transpose_lhs_hint = false} : vector<512x128xf32>, vector<128x256xf32>, vector<512x256xf32> -> vector<512x256xf32>
    %add3A_22 = arith.addf %add3A_18, %dot_general3A_21 : vector<512x256xf32>
    %slice3A_23 = vector.extract_strided_slice %add3A {offsets = [0, 16], sizes = [512, 1], strides = [1, 1]} : vector<512x128xf32> to vector<512x1xf32>
    %max3A = arith.constant 1.000000e+00 : f32
    %max3A_24 = vector.broadcast %max3A : f32 to vector<512x1xf32>
    %max3A_25 = arith.maximumf %slice3A_23, %max3A_24 : vector<512x1xf32>
    %div3A = vector.broadcast %max3A_25 : vector<512x1xf32> to vector<512x256xf32>
    %div3A_26 = arith.divf %add3A_22, %div3A : vector<512x256xf32>
    %max3A_27 = arith.constant 0.000000e+00 : f32
    %max3A_28 = vector.broadcast %max3A_27 : f32 to vector<512x256xf32>
    %max3A_29 = arith.maximumf %div3A_26, %max3A_28 : vector<512x256xf32>
    %swap3A = arith.constant 0 : index
    %swap3A_30 = arith.constant 0 : index
    %swap3A_31 = vector.load %arg6[%swap3A, %swap3A_30] : memref<512x256xf32, #tpu.memory_space<vmem>>, vector<512x256xf32>
    tpu.vector_store %arg6[%swap3A, %swap3A_30], %max3A_29 {strides = array<i32>} : memref<512x256xf32, #tpu.memory_space<vmem>>, vector<512x256xf32>,
    return
  }
  func.func @transform_0(%arg0: i32) -> (i32, i32) {
    %c0_i32 = arith.constant 0 : i32
    %c0_i32_0 = arith.constant 0 : i32
    return %arg0, %c0_i32 : i32, i32
  }
  func.func @transform_1(%arg0: i32) -> (i32, i32) {
    %add3A = arith.constant 20 : i32
    %add3A_0 = arith.addi %arg0, %add3A : i32
    %c0_i32 = arith.constant 0 : i32
    %c0_i32_1 = arith.constant 0 : i32
    return %add3A_0, %c0_i32 : i32, i32
  }
  func.func @transform_2(%arg0: i32) -> (i32, i32) {
    %c0_i32 = arith.constant 0 : i32
    %c0_i32_0 = arith.constant 0 : i32
    return %arg0, %c0_i32 : i32, i32
  }
  func.func @transform_3(%arg0: i32) -> (i32, i32) {
    %add3A = arith.constant 20 : i32
    %add3A_0 = arith.addi %arg0, %add3A : i32
    %c0_i32 = arith.constant 0 : i32
    %c0_i32_1 = arith.constant 0 : i32
    return %add3A_0, %c0_i32 : i32, i32
  }
  func.func @transform_4(%arg0: i32) -> (i32, i32) {
    %c0_i32 = arith.constant 0 : i32
    %c0_i32_0 = arith.constant 0 : i32
    %c0_i32_1 = arith.constant 0 : i32
    return %c0_i32, %c0_i32_0 : i32, i32
  }
  func.func @transform_5(%arg0: i32) -> (i32, i32) {
    %c0_i32 = arith.constant 0 : i32
    %c0_i32_0 = arith.constant 0 : i32
    return %arg0, %c0_i32 : i32, i32
  }
}

</mosaic_0001>

<sc_bundles>
// kernel: kernel.4.cloned.1.call-start
scs
__scs_entry_jumppad:
0x0: {  	(pc) =	sbr.rel $0x88, $3  }
0x1: {  	(tag) =	ssettag $0x0;
	lr =	simm.s32 $0x1  }
0x2: {  	[smem:$0x3F9C] =	sst lr;
	_ =	strace $0xD0000000  }
0x3: {  	_ = 	snop  }
0x4: {  	_ = 	snop  }
0x5: {  	_ = 	snop  }
0x6: {  	_ = 	snop  }
0x7: {  	_ = 	snop  }
__scs_overlays_trampoline_lowered:
0x8: {  	[smem:$0x3FAB] =	sst s0  }
0x9: {  	[smem:$0x3FAC] =	sst s1  }
0xa: {  	[smem:$0x3FAD] =	sst s2  }
0xb: {  	[smem:$0x3FAE] =	sst s3  }
0xc: {  	[smem:$0x3FAF] =	sst s4  }
0xd: {  	[smem:$0x3FB0] =	sst s5  }
0xe: {  	[smem:$0x3FB1] =	sst s6  }
0xf: {  	[smem:$0x3FB2] =	sst s7  }
0x10: {  	[smem:$0x3FB3] =	sst s8  }
0x11: {  	[smem:$0x3FB4] =	sst s9;
	s0 =	simm.s32 @!p0 $0x0  }
0x12: {  	s1 =	sld [smem:$0x3F9A];
	s0 =	simm.s32 @p0 $0x1  }
0x13: {  	[smem:$0x3FB5] =	sst s0;
	s0 =	simm.s32 @!p1 $0x0  }
0x14: {  	s2 =	sld [smem:$0x3F99];
	s0 =	simm.s32 @p1 $0x1  }
0x15: {  	[smem:$0x3FB6] =	sst s0;
	s0 =	simm.s32 @!p2 $0x0  }
0x16: {  	s3 =	sld [smem:$0x3FDB];
	s0 =	simm.s32 @p2 $0x1  }
0x17: {  	s4 =	simm.s32 $0x1BF5;
	[smem:$0x3FB8] =	sst s0  }
0x18: {  	s0 =	sld [smem:$0x3F9B];
	_ =	swait.ge [sflag:s4], $0x0  }
0x19: {  	s7 =	sld [smem:$0x3F9C]  }
0x1a: {  	s8 =	sadd.s32 $0xFFFFE003, lr  }
0x1b: {  	s9 =	sadd.s32 $0xFFFFFEF7, lr;
	s5 =	simm.s32 $0xFFFFFFFF;
	p2 =	slt.u32 s8, $0xFFFFF086  }
0x1c: {  	p1 =	slt.u32 s9, $0xF7A;
	s5 =	simm.s32 @!p2 $0x0  }
0x1d: {  	s5 =	simm.s32 @p1 $0x1;
	p0 =	seq.s32 s7, s2  }
0x1e: {  	s7 =	smul.u32 @!p0 $0xF7A, s2;
	p2 =	seq.s32 @!p0 s5, $0x0  }
0x1f: {  	s9 =	smul.u32 $0xF7A, s1;
	s8 =	simm.s32 @!p0 $0x1BF5;
	p2 =	por !p2, p0  }
0x20: {  	[sflag:s8] =	ssyncset.s32 @!p0 $0xFFFFF086;
	s6 =	sadd.s32 @!p0 s3, s7;
	s7 =	simm.s32 @!p0 $0x108  }
0x21: {  	s3 =	sadd.s32 s3, s9;
	s6 =	sadd.s32 @!p0 $0x88, s6;
	s7 =	simm.s32 @p2 $0x1082  }
0x22: {  	[simem:s7], [sflag:s8] =	dma.local @!p0 [hbm:s6], $0xF7A  }
0x23: {  	s9 =	sor.u32 $0xD0000000, s2;
	s6 =	simm.s32 $0x108;
	_ =	swait.ge @!p0 [sflag:s8], $0x0  }
0x24: {  	s3 =	sadd.s32 $0x88, s3;
	s6 =	simm.s32 @!p1 $0x1082;
	[sflag:s4] =	ssyncset.s32 $0xFFFFF086  }
0x25: {  	[simem:s6], [sflag:s4] =	dma.local [hbm:s3], $0xF7A  }
0x26: {  	[smem:$0x3F9C] =	sst s1;
	(tag) =	ssettag s2;
	_ =	strace s9  }
0x27: {  	s1 =	sld [smem:$0x3FAC]  }
0x28: {  	s2 =	sld [smem:$0x3FAD]  }
0x29: {  	s4 =	sld [smem:$0x3FAF]  }
0x2a: {  	p0 =	seq.s32 s5, $0x0;
	s5 =	sld [smem:$0x3FB0]  }
0x2b: {  	s6 =	sld [smem:$0x3FB1]  }
0x2c: {  	s7 =	sld [smem:$0x3FB2]  }
0x2d: {  	s3 =	simm.s32 $0x108;
	s8 =	sld [smem:$0x3FB3]  }
0x2e: {  	s3 =	simm.s32 @!p0 $0x1082;
	s9 =	sld [smem:$0x3FB4]  }
0x2f: {  	lr =	sadd.s32 s0, s3;
	s0 =	sld [smem:$0x3FAB]  }
0x30: {  	s3 =	sld [smem:$0x3FAE]  }
0x31: {  	[smem:$0x3FB7] =	sst s10  }
0x32: {  	s10 =	sld [smem:$0x3FB5];
	_ =	sdelay $0x3  }
0x33: {  	p0 =	seq.s32 s10, $0x1;
	s10 =	sld [smem:$0x3FB7];
	_ =	sdelay $0x3  }
0x34: {  	[smem:$0x3FB7] =	sst s10  }
0x35: {  	s10 =	sld [smem:$0x3FB6];
	_ =	sdelay $0x3  }
0x36: {  	p1 =	seq.s32 s10, $0x1;
	s10 =	sld [smem:$0x3FB7];
	_ =	sdelay $0x3  }
0x37: {  	[smem:$0x3FB7] =	sst s10  }
0x38: {  	s10 =	sld [smem:$0x3FB8]  }
0x39: {  	_ = 	snop;
	(pc) =	sbr.ind lr, $3  }
0x3a: {  	_ = 	snop  }
0x3b: {  	_ = 	snop  }
0x3c: {  	p2 =	seq.s32 s10, $0x1;
	s10 =	sld [smem:$0x3FB7]  }
0x3d: {  	_ =	shalt  }
0x3e: {  	_ =	shalt  }
0x3f: {  	_ =	shalt  }
0x40: {  	_ =	shalt  }
0x41: {  	_ =	shalt  }
0x42: {  	_ =	shalt  }
0x43: {  	_ =	shalt  }
0x44: {  	_ =	shalt  }
0x45: {  	_ =	shalt  }
0x46: {  	_ =	shalt  }
0x47: {  	_ =	shalt  }
0x48: {  	_ =	shalt  }
0x49: {  	_ =	shalt  }
0x4a: {  	_ =	shalt  }
0x4b: {  	_ =	shalt  }
0x4c: {  	_ =	shalt  }
0x4d: {  	_ =	shalt  }
0x4e: {  	_ =	shalt  }
0x4f: {  	_ =	shalt  }
0x50: {  	_ =	shalt  }
0x51: {  	_ =	shalt  }
0x52: {  	_ =	shalt  }
0x53: {  	_ =	shalt  }
0x54: {  	_ =	shalt  }
0x55: {  	_ =	shalt  }
0x56: {  	_ =	shalt  }
0x57: {  	_ =	shalt  }
0x58: {  	_ =	shalt  }
0x59: {  	_ =	shalt  }
0x5a: {  	_ =	shalt  }
0x5b: {  	_ =	shalt  }
0x5c: {  	_ =	shalt  }
0x5d: {  	_ =	shalt  }
0x5e: {  	_ =	shalt  }
0x5f: {  	_ =	shalt  }
0x60: {  	_ =	shalt  }
0x61: {  	_ =	shalt  }
0x62: {  	_ =	shalt  }
0x63: {  	_ =	shalt  }
0x64: {  	_ =	shalt  }
0x65: {  	_ =	shalt  }
0x66: {  	_ =	shalt  }
0x67: {  	_ =	shalt  }
0x68: {  	_ =	shalt  }
0x69: {  	_ =	shalt  }
0x6a: {  	_ =	shalt  }
0x6b: {  	_ =	shalt  }
0x6c: {  	_ =	shalt  }
0x6d: {  	_ =	shalt  }
0x6e: {  	_ =	shalt  }
0x6f: {  	_ =	shalt  }
0x70: {  	_ =	shalt  }
0x71: {  	_ =	shalt  }
0x72: {  	_ =	shalt  }
0x73: {  	_ =	shalt  }
0x74: {  	_ =	shalt  }
0x75: {  	_ =	shalt  }
0x76: {  	_ =	shalt  }
0x77: {  	_ =	shalt  }
0x78: {  	_ =	shalt  }
0x79: {  	_ =	shalt  }
0x7a: {  	_ =	shalt  }
0x7b: {  	_ =	shalt  }
0x7c: {  	_ =	shalt  }
0x7d: {  	_ =	shalt  }
0x7e: {  	_ =	shalt  }
0x7f: {  	_ =	shalt  }
0x80: {  	_ =	shalt  }
0x81: {  	_ =	shalt  }
0x82: {  	_ =	shalt  }
0x83: {  	_ =	shalt  }
0x84: {  	_ =	shalt  }
0x85: {  	_ =	shalt  }
0x86: {  	_ =	shalt  }
0x87: {  	_ =	shalt  }
.Lfunc_end0:
.L_simem_size_0:
called_computation_lowered:
.L_overlay_start_0:
0x88: {  	s2 =	sld [smem:$0x3FD9]  }
0x89: {  	s3 =	sld [smem:$0x3FFE];
	_ =	sdelay $0x1  }
0x8a: {  	s1 =	srdreg.scid  }
0x8b: {  	s0 =	sand.u32 $0x1, s1  }
0x8c: {  	s17 =	sshll.u32 s0, $0xA;
	s2 =	sadd.s32 s3, s2  }
0x8d: {  	s2 =	sadd.s32 s2, s17  }
0x8e: {  	[smem:$0x3FC3] =	sst s2  }
0x8f: {  	_ = 	snop  }
0x90: {  	s2 =	sld [smem:$0x3FD0];
	(tm) =	ssettm $0x1  }
0x91: {  	s18 =	sld [smem:$0x3FFB];
	_ =	sdelay $0x3  }
0x92: {  	_ =	strace s18  }
0x93: {  	s3 =	sld [smem:$0x3FFC];
	_ =	sdelay $0x3  }
0x94: {  	_ =	strace s3  }
0x95: {  	s3 =	sld [smem:$0x3FFD];
	_ =	sdelay $0x3  }
0x96: {  	_ =	strace s3  }
0x97: {  	_ =	strace $0x8FFFFFFF  }
0x98: {  	s19 =	sld [smem:$0x3FDB];
	_ =	sdelay $0x1  }
0x99: {  	s4 =	simm.s32 $_scs_section_size  }
0x9a: {  	s5 =	simm.s32 $_size__tile_overlayer_lowered;
	s6 =	simm.s32 $_tile_overlayer_lowered  }
0x9b: {  	s22 =	simm.s32 $0x1BFF;
	s21 =	sshll.u32 s6, $0x1;
	s3 =	sadd.s32 s4, s19  }
0x9c: {  	s7 =	simm.s32 $0x0;
	s20 =	sshll.u32 s5, $0x1;
	s5 =	sadd.s32 s21, s3  }
0x9d: {  	[timem:s7], [sflag:s22] =	dma.local [hbm:s5], s20  }
0x9e: {  	_ =	swait.ge [sflag:s22], s20  }
0x9f: {  	s4 =	ssub.s32 $0x0, s20;
	[sflag:s22] =	ssyncset.done $0x0  }
0xa0: {  	[sflag:s22] =	ssyncadd.s32 s4;
	_ =	sdelay $0x1  }
0xa1: {  	s23 =	simm.s32 $0x1B8B  }
0xa2: {  	_ =	swait.ge [sflag:s23], $0x1  }
0xa3: {  	[sflag:s23] =	ssyncset.done $0x0  }
0xa4: {  	s25 =	simm.s32 $0x1B8E;
	s24 =	sld [smem:$0x3FFE];
	[sflag:s23] =	ssyncadd.s32 $0xFFFFFFFF  }
0xa5: {  	s26 =	simm.s32 $execute0_lowered;
	[smem:$0x3FD2] =	sst s25  }
0xa6: {  	s5 =	sshll.u32 s26, $0x1;
	_ =	strace $0x80000046;
	[dreg:$0x1] =	wrdreg $0xFFFFFFFF  }
0xa7: {  	s28 =	simm.s32 $_size_execute0_lowered;
	s3 =	sadd.s32 s3, s5;
	[dreg:$0x0] =	wrdreg $0x0  }
0xa8: {  	s5 =	sshll.u32 s28, $0x1;
	[dreg:$0x2] =	wrdreg s3  }
0xa9: {  	[dreg:$0x3] =	wrdreg s5  }
0xaa: {  	[dreg:$0x4] =	wrdreg $0xC0  }
0xab: {  	_ =	task [dreg:s7], $0x5FFFF  }
0xac: {  	[dreg:$0x1] =	wrdreg $0xFFFFFFFF  }
0xad: {  	[dreg:$0x0] =	wrdreg $0x60  }
0xae: {  	[dreg:$0x2] =	wrdreg s2  }
0xaf: {  	[dreg:$0x3] =	wrdreg s24  }
0xb0: {  	[dreg:$0x4] =	wrdreg $0x0  }
0xb1: {  	[dreg:$0x5] =	wrdreg $0x9  }
0xb2: {  	_ =	task.clear_ibuf [dreg:s7], $0x6FFFF;
	_ =	strace $0x90000046  }
0xb3: {  	s29 =	simm.s32 $0x9;
	_ =	strace $0x80000048  }
0xb4: {  	_ =	swait.ge [sflag:s29], $0x1  }
0xb5: {  	[sflag:s29] =	ssyncadd.s32 $0xFFFFFFFF  }
0xb6: {  	_ =	strace $0x90000048  }
0xb7: {  	_ =	sfence  }
0xb8: {  	s30 =	sld [smem:$0x0];
	_ =	sdelay $0x2  }
0xb9: {  	s31 =	sshll.u32 s1, $0xD;
	s1 =	sshrl.u32 s1, $0x2  }
0xba: {  	s3 =	sand.u32 $0x4000, s31;
	s1 =	sadd.s32 s1, s30  }
0xbb: {  	s0 =	sor.u32 s3, s0;
	s1 =	sshll.u32 s1, $0x11  }
0xbc: {  	s0 =	sor.u32 s1, s0  }
0xbd: {  	s0 =	sadd.s32 $0x8F2B, s0  }
0xbe: {  	[sflag:s0] =	ssyncadd.remote.s32 $0x1  }
0xbf: {  	_ =	sfence.sel $0xFFFF  }
0xc0: {  	[dreg:$0x0] =	wrdreg $0xFFFFFFFF;
	(pc) =	sbr.abs _section_cstart, $3  }
0xc1: {  	[dreg:$0x1] =	wrdreg $0xFFFFFFFF  }
0xc2: {  	_ =	task.clear_ibuf [dreg:s7], $0x2FFFF;
	_ =	strace $0x9FFFFFFF  }
0xc3: {  	(tm) =	ssettm $0x7FFFFFFF  }
tec
execute0_lowered:
.L_overlay_start_1:
0x0: {  	(tag) =	ssettag $0x1  }
0x1: {  	s19 =	stileid.u32  }
0x2: {  	s6 =	smul.u32 $0x2800, s19  }
0x3: {  	s1 =	rddreg [dreg:$0x0];
	s22 =	smul.u32 $0x280, s19  }
0x4: {  	s2 =	srdreg.scid;
	s15 =	smul.u32 $0x1400, s19  }
0x5: {  	s0 =	rddreg [dreg:$0x1];
	s2 =	sand.u32 $0x1, s2;
	s17 =	smul.u32 $0xA00, s19  }
0x6: {  	s3 =	rddreg [dreg:$0x2];
	s4 =	simm.s32 $0x0;
	s5 =	smul.u32 $0x28000, s2  }
0x7: {  	[smem:$0x7FF] =	sst s4;
	s9 =	sadd.s32 $0x15A00, s0;
	s7 =	smul.u32 $0x140000, s2  }
0x8: {  	s10 =	sadd.s32 $0x1FE00, s0;
	s8 =	smul.u32 $0x2800, s2;
	s11 =	ssub.s32 $0x2, s2  }
0x9: {  	_ =	strace $0x80000047;
	s2 =	smul.u32 $0x14000, s2;
	s12 =	sshrl.u32 s11, $0x1  }
0xa: {  	s26 =	sadd.s32 s17, s9;
	s5 =	sadd.s32 s6, s5;
	s7 =	sadd.s32 s7, s0  }
0xb: {  	s6 =	sadd.s32 s22, s8;
	s8 =	sadd.s32 $0x6FE00, s0;
	s11 =	ssub.s32 s11, s12  }
0xc: {  	s2 =	sadd.s32 s15, s2;
	[dreg:$0x5] =	wrdreg s26;
	s6 =	sshll.u32 s6, $0x4  }
0xd: {  	s5 =	sshrl.u32 s5, $0x2;
	s2 =	sshrl.u32 s2, $0x2;
	s23 =	sadd.s32 s10, s6  }
0xe: {  	s5 =	sadd.s32 s5, s0;
	s2 =	sadd.s32 s2, s9;
	[dreg:$0x9] =	wrdreg s23  }
0xf: {  	s12 =	sor.u32 $0x400, s6;
	s0 =	sadd.s32 $0x1FA00, s0;
	[dreg:$0x1d] =	wrdreg s2  }
0x10: {  	s13 =	sadd.s32 s10, s12;
	[dreg:$0x1f] =	wrdreg s0  }
0x11: {  	s15 =	sadd.s32 $0x1400, s6;
	s5 =	sadd.s32 $0x1A00, s5;
	[dreg:$0xa] =	wrdreg s13  }
0x12: {  	s17 =	sadd.s32 $0x1800, s6;
	s25 =	sadd.s32 s10, s15;
	[dreg:$0x4] =	wrdreg s5  }
0x13: {  	s21 =	sadd.s32 $0x1C00, s6;
	s20 =	sadd.s32 s10, s17;
	[dreg:$0xe] =	wrdreg s25  }
0x14: {  	s22 =	sadd.s32 s10, s21;
	s23 =	sadd.s32 $0x2000, s6;
	[dreg:$0xf] =	wrdreg s20  }
0x15: {  	s29 =	simm.s32 $0x14500;
	[dreg:$0x10] =	wrdreg s22;
	s20 =	sadd.s32 s10, s23  }
0x16: {  	s24 =	smul.u32 $0x14000, s19;
	s25 =	sadd.s32 s8, s12;
	[dreg:$0x11] =	wrdreg s20  }
0x17: {  	s13 =	sadd.s32 $0x800, s6;
	s5 =	sadd.s32 s8, s21;
	[dreg:$0x14] =	wrdreg s25  }
0x18: {  	s7 =	sadd.s32 s24, s7;
	s14 =	sadd.s32 s10, s13;
	[dreg:$0x1a] =	wrdreg s5  }
0x19: {  	s24 =	sadd.s32 $0x2400, s6;
	s26 =	sadd.s32 s8, s13;
	[dreg:$0xb] =	wrdreg s14  }
0x1a: {  	s13 =	sadd.s32 s8, s15;
	s15 =	smul.u32 $0x50000, s19;
	[dreg:$0x15] =	wrdreg s26  }
0x1b: {  	s19 =	smax.u32 s11, $0x1;
	s14 =	sadd.s32 $0xC00, s6;
	[dreg:$0x18] =	wrdreg s13  }
0x1c: {  	[smem:$0x7F3] =	sst s19;
	s16 =	sadd.s32 s10, s14;
	s5 =	sshrl.u32 s15, $0x2  }
0x1d: {  	[dreg:$0xc] =	wrdreg s16;
	s16 =	sadd.s32 $0x1000, s6;
	s6 =	sadd.s32 s8, s6  }
0x1e: {  	s28 =	simm.s32 $0x4;
	s9 =	sadd.s32 s5, s3;
	[dreg:$0x13] =	wrdreg s6  }
0x1f: {  	s30 =	simm.s32 $0x14580;
	s18 =	sadd.s32 s10, s16;
	[dreg:$0x1e] =	wrdreg s9  }
0x20: {  	s31 =	simm.s32 $0x14380;
	s10 =	sadd.s32 s10, s24;
	[dreg:$0xd] =	wrdreg s18  }
0x21: {  	s2 =	simm.s32 $0x14600;
	s12 =	sadd.s32 s8, s16;
	[dreg:$0x12] =	wrdreg s10  }
0x22: {  	s0 =	simm.s32 $0x14680;
	s16 =	simm.s32 $0x14080;
	[dreg:$0x17] =	wrdreg s12  }
0x23: {  	s11 =	simm.s32 $0x5;
	s20 =	sadd.s32 $0x2000, s9;
	[dreg:$0x6] =	wrdreg s16  }
0x24: {  	s13 =	simm.s32 $0x14400;
	s21 =	sadd.s32 $0x4000, s9;
	[smem:$0x7F4] =	sst s20  }
0x25: {  	s19 =	simm.s32 $0x1A800;
	s22 =	sadd.s32 $0x6000, s9;
	[smem:$0x7F5] =	sst s21  }
0x26: {  	s15 =	simm.s32 $0x16800;
	s25 =	sadd.s32 $0xC000, s9;
	[smem:$0x7F6] =	sst s22  }
0x27: {  	s5 =	simm.s32 $0x14700;
	s26 =	sadd.s32 $0xE000, s9;
	[smem:$0x7F9] =	sst s25  }
0x28: {  	s6 =	simm.s32 $0x14780;
	s18 =	sadd.s32 $0x4F7C00, s7;
	[smem:$0x7FA] =	sst s26  }
0x29: {  	s10 =	sadd.s32 s8, s14;
	s14 =	sadd.s32 s8, s17;
	[dreg:$0x8] =	wrdreg s18  }
0x2a: {  	s7 =	sadd.s32 s8, s23;
	s17 =	sadd.s32 s8, s24;
	[dreg:$0x16] =	wrdreg s10  }
0x2b: {  	s23 =	sadd.s32 $0x8000, s9;
	s24 =	sadd.s32 $0xA000, s9;
	[dreg:$0x19] =	wrdreg s14  }
0x2c: {  	s26 =	sadd.s32 $0x10000, s9;
	s8 =	sadd.s32 $0x12000, s9;
	[dreg:$0x1b] =	wrdreg s7  }
0x2d: {  	s12 =	simm.s32 $0x14000;
	s16 =	simm.s32 $0x18800;
	[dreg:$0x1c] =	wrdreg s17  }
0x2e: {  	s20 =	simm.s32 $0x2;
	s21 =	simm.s32 $0x14200;
	[smem:$0x7F7] =	sst s23  }
0x2f: {  	s22 =	simm.s32 $0x14480;
	s25 =	simm.s32 $0x14300;
	[smem:$0x7F8] =	sst s24  }
0x30: {  	s18 =	simm.s32 $0x14100;
	s10 =	simm.s32 $0x14800;
	[smem:$0x7FC] =	sst s26  }
0x31: {  	s14 =	simm.s32 $0x40;
	s17 =	simm.s32 $0x1;
	[smem:$0x7FD] =	sst s8  }
0x32: {  	s23 =	simm.s32 $0x3;
	s7 =	simm.s32 $0x0;
	[dreg:$0x7] =	wrdreg s18  }
0x33: {  	s24 =	simm.s32 $0x14280;
	s18 =	simm.s32 $0x14180;
	[smem:$0x7FB] =	sst s7  }
.LBB2_1:
0x34: {  	s7 =	rddreg [dreg:$0x1f]  }
0x35: {  	[tilespmem:s10], [sflag:$0x5] =	stream.linear.gather [hbm4b:s7+s4], $0x2000, $0x38;
	[tilespmem:$0x1C800] =	vst v63  }
0x36: {  	_ =	swait.ge [sflag:s11], $0x2000  }
0x37: {  	[sflag:s11] =	ssyncset.done $0x0  }
0x38: {  	[sflag:s11] =	ssyncadd.s32 $0xFFFFE000  }
0x39: {  	[spmem:s9] =	stream.linear.scatter [tilespmem:s10], [sflag:$0x5], $0x2000, $0x38;
	[tilespmem:$0x1C800] =	vst v63  }
0x3a: {  	_ =	swait.ge [sflag:s11], $0x2000  }
0x3b: {  	s9 =	sld [smem:$0x7F4]  }
0x3c: {  	[sflag:s11] =	ssyncset.done $0x0  }
0x3d: {  	[sflag:s11] =	ssyncadd.s32 $0xFFFFE000  }
0x3e: {  	[spmem:s9] =	stream.linear.scatter [tilespmem:s10], [sflag:$0x5], $0x2000, $0x38;
	[tilespmem:$0x1C800] =	vst v63  }
0x3f: {  	_ =	swait.ge [sflag:s11], $0x2000  }
0x40: {  	s9 =	sld [smem:$0x7F5]  }
0x41: {  	[sflag:s11] =	ssyncset.done $0x0  }
0x42: {  	[sflag:s11] =	ssyncadd.s32 $0xFFFFE000  }
0x43: {  	[spmem:s9] =	stream.linear.scatter [tilespmem:s10], [sflag:$0x5], $0x2000, $0x38;
	[tilespmem:$0x1C800] =	vst v63  }
0x44: {  	_ =	swait.ge [sflag:s11], $0x2000  }
0x45: {  	s9 =	sld [smem:$0x7F6]  }
0x46: {  	[sflag:s11] =	ssyncset.done $0x0  }
0x47: {  	[sflag:s11] =	ssyncadd.s32 $0xFFFFE000  }
0x48: {  	[spmem:s9] =	stream.linear.scatter [tilespmem:s10], [sflag:$0x5], $0x2000, $0x38;
	[tilespmem:$0x1C800] =	vst v63  }
0x49: {  	_ =	swait.ge [sflag:s11], $0x2000  }
0x4a: {  	s9 =	sld [smem:$0x7F7]  }
0x4b: {  	[sflag:s11] =	ssyncset.done $0x0  }
0x4c: {  	[sflag:s11] =	ssyncadd.s32 $0xFFFFE000  }
0x4d: {  	[spmem:s9] =	stream.linear.scatter [tilespmem:s10], [sflag:$0x5], $0x2000, $0x38;
	[tilespmem:$0x1C800] =	vst v63  }
0x4e: {  	_ =	swait.ge [sflag:s11], $0x2000  }
0x4f: {  	s9 =	sld [smem:$0x7F8]  }
0x50: {  	[sflag:s11] =	ssyncset.done $0x0  }
0x51: {  	[sflag:s11] =	ssyncadd.s32 $0xFFFFE000  }
0x52: {  	[spmem:s9] =	stream.linear.scatter [tilespmem:s10], [sflag:$0x5], $0x2000, $0x38;
	[tilespmem:$0x1C800] =	vst v63  }
0x53: {  	_ =	swait.ge [sflag:s11], $0x2000  }
0x54: {  	s9 =	sld [smem:$0x7F9]  }
0x55: {  	[sflag:s11] =	ssyncset.done $0x0  }
0x56: {  	[sflag:s11] =	ssyncadd.s32 $0xFFFFE000  }
0x57: {  	[spmem:s9] =	stream.linear.scatter [tilespmem:s10], [sflag:$0x5], $0x2000, $0x38;
	[tilespmem:$0x1C800] =	vst v63  }
0x58: {  	_ =	swait.ge [sflag:s11], $0x2000  }
0x59: {  	s9 =	sld [smem:$0x7FA]  }
0x5a: {  	[sflag:s11] =	ssyncset.done $0x0  }
0x5b: {  	[sflag:s11] =	ssyncadd.s32 $0xFFFFE000  }
0x5c: {  	[spmem:s9] =	stream.linear.scatter [tilespmem:s10], [sflag:$0x5], $0x2000, $0x38;
	[tilespmem:$0x1C800] =	vst v63  }
0x5d: {  	_ =	swait.ge [sflag:s11], $0x2000  }
0x5e: {  	[sflag:s11] =	ssyncset.done $0x0  }
0x5f: {  	[sflag:s11] =	ssyncadd.s32 $0xFFFFE000  }
0x60: {  	[spmem:s26] =	stream.linear.scatter [tilespmem:s10], [sflag:$0x5], $0x2000, $0x38;
	[tilespmem:$0x1C800] =	vst v63  }
0x61: {  	_ =	swait.ge [sflag:s11], $0x2000  }
0x62: {  	[sflag:s11] =	ssyncset.done $0x0  }
0x63: {  	[sflag:s11] =	ssyncadd.s32 $0xFFFFE000  }
0x64: {  	[spmem:s8] =	stream.linear.scatter [tilespmem:s10], [sflag:$0x5], $0x2000, $0x38;
	[tilespmem:$0x1C800] =	vst v63  }
0x65: {  	_ =	swait.ge [sflag:s11], $0x2000  }
0x66: {  	[sflag:s11] =	ssyncset.done $0x0  }
0x67: {  	[sflag:s11] =	ssyncadd.s32 $0xFFFFE000  }
0x68: {  	[bflag:$0x0] =	sbarrier.arrive $0xFFFF  }
0x69: {  	s26 =	rddreg [dreg:$0x4]  }
0x6a: {  	s8 =	sadd.s32 $0x0, s26  }
0x6b: {  	[tilespmem:s12], [sflag:$0x5] =	stream.linear.gather [hbm4b:s8+s4], $0x400, $0x38;
	[tilespmem:$0x1C800] =	vst v63  }
0x6c: {  	_ =	swait.ge [sflag:s11], $0x400  }
0x6d: {  	s7 =	rddreg [dreg:$0x5];
	[sflag:s11] =	ssyncset.done $0x0  }
0x6e: {  	[sflag:s11] =	ssyncadd.s32 $0xFFFFFC00;
	s8 =	sadd.s32 $0x0, s7  }
0x6f: {  	[tilespmem:s13], [sflag:$0x5] =	stream.linear.gather [hbm4b:s8+s4], $0x400, $0x38;
	[tilespmem:$0x1C800] =	vst v63  }
0x70: {  	_ =	swait.ge [sflag:s11], $0x400  }
0x71: {  	[sflag:s11] =	ssyncset.done $0x0  }
0x72: {  	[sflag:s11] =	ssyncadd.s32 $0xFFFFFC00  }
0x73: {  	[tilespmem:s10], [sflag:$0x1] =	stream.indirect.gather [hbm4b:s1+s14], $0x80, s12, s14, $0xb8;
	[tilespmem:$0x1C800] =	vst v63  }
0x74: {  	s9 =	rddreg [dreg:$0x6]  }
0x75: {  	[tilespmem:s15], [sflag:$0x2] =	stream.indirect.gather [hbm4b:s1+s14], $0x80, s9, s14, $0xb8;
	[tilespmem:$0x1C800] =	vst v63  }
0x76: {  	s26 =	rddreg [dreg:$0x7]  }
0x77: {  	[tilespmem:s16], [sflag:$0x3] =	stream.indirect.gather [hbm4b:s1+s14], $0x80, s26, s14, $0xb8;
	[tilespmem:$0x1C800] =	vst v63  }
0x78: {  	_ =	swait.ge [sflag:s17], $0x2000  }
0x79: {  	[sflag:s17] =	ssyncset.done $0x0  }
0x7a: {  	[sflag:s17] =	ssyncadd.s32 $0xFFFFE000  }
0x7b: {  	[tilespmem:s19], [sflag:$0x4] =	stream.indirect.gather [hbm4b:s1+s14], $0x80, s18, s14, $0xb8;
	[tilespmem:$0x1C800] =	vst v63  }
0x7c: {  	_ = 	snop  }
0x7d: {  	[spmem:s3] =	stream.indirect.scatter.add.f32 [tilespmem:s10], [sflag:$0x5], $0x80, s13, s14, $0xb8;
	[tilespmem:$0x1C800] =	vst v63  }
0x7e: {  	_ =	swait.ge [sflag:s11], $0x2000  }
0x7f: {  	[sflag:s11] =	ssyncset.done $0x0  }
0x80: {  	[sflag:s11] =	ssyncadd.s32 $0xFFFFE000  }
0x81: {  	_ =	swait.ge [sflag:s20], $0x2000  }
0x82: {  	[sflag:s20] =	ssyncset.done $0x0  }
0x83: {  	[sflag:s20] =	ssyncadd.s32 $0xFFFFE000  }
0x84: {  	[tilespmem:s10], [sflag:$0x1] =	stream.indirect.gather [hbm4b:s1+s14], $0x80, s21, s14, $0xb8;
	[tilespmem:$0x1C800] =	vst v63  }
0x85: {  	_ = 	snop  }
0x86: {  	[spmem:s3] =	stream.indirect.scatter.add.f32 [tilespmem:s15], [sflag:$0x5], $0x80, s22, s14, $0xb8;
	[tilespmem:$0x1C800] =	vst v63  }
0x87: {  	_ =	swait.ge [sflag:s11], $0x2000  }
0x88: {  	[sflag:s11] =	ssyncset.done $0x0  }
0x89: {  	[sflag:s11] =	ssyncadd.s32 $0xFFFFE000  }
0x8a: {  	_ =	swait.ge [sflag:s23], $0x2000  }
0x8b: {  	[sflag:s23] =	ssyncset.done $0x0  }
0x8c: {  	[sflag:s23] =	ssyncadd.s32 $0xFFFFE000  }
0x8d: {  	[tilespmem:s15], [sflag:$0x2] =	stream.indirect.gather [hbm4b:s1+s14], $0x80, s24, s14, $0xb8;
	[tilespmem:$0x1C800] =	vst v63  }
0x8e: {  	_ = 	snop  }
0x8f: {  	[spmem:s3] =	stream.indirect.scatter.add.f32 [tilespmem:s16], [sflag:$0x5], $0x80, s29, s14, $0xb8;
	[tilespmem:$0x1C800] =	vst v63  }
0x90: {  	_ =	swait.ge [sflag:s11], $0x2000  }
0x91: {  	[sflag:s11] =	ssyncset.done $0x0  }
0x92: {  	[sflag:s11] =	ssyncadd.s32 $0xFFFFE000  }
0x93: {  	_ =	swait.ge [sflag:s28], $0x2000  }
0x94: {  	[sflag:s28] =	ssyncset.done $0x0  }
0x95: {  	[sflag:s28] =	ssyncadd.s32 $0xFFFFE000  }
0x96: {  	[tilespmem:s16], [sflag:$0x3] =	stream.indirect.gather [hbm4b:s1+s14], $0x80, s25, s14, $0xb8;
	[tilespmem:$0x1C800] =	vst v63  }
0x97: {  	_ = 	snop  }
0x98: {  	[spmem:s3] =	stream.indirect.scatter.add.f32 [tilespmem:s19], [sflag:$0x5], $0x80, s30, s14, $0xb8;
	[tilespmem:$0x1C800] =	vst v63  }
0x99: {  	_ =	swait.ge [sflag:s11], $0x2000  }
0x9a: {  	[sflag:s11] =	ssyncset.done $0x0  }
0x9b: {  	[sflag:s11] =	ssyncadd.s32 $0xFFFFE000  }
0x9c: {  	_ =	swait.ge [sflag:s17], $0x2000  }
0x9d: {  	[sflag:s17] =	ssyncset.done $0x0  }
0x9e: {  	[sflag:s17] =	ssyncadd.s32 $0xFFFFE000  }
0x9f: {  	[tilespmem:s19], [sflag:$0x4] =	stream.indirect.gather [hbm4b:s1+s14], $0x80, s31, s14, $0xb8;
	[tilespmem:$0x1C800] =	vst v63  }
0xa0: {  	_ = 	snop  }
0xa1: {  	[spmem:s3] =	stream.indirect.scatter.add.f32 [tilespmem:s10], [sflag:$0x5], $0x80, s2, s14, $0xb8;
	[tilespmem:$0x1C800] =	vst v63  }
0xa2: {  	_ =	swait.ge [sflag:s11], $0x2000  }
0xa3: {  	[sflag:s11] =	ssyncset.done $0x0  }
0xa4: {  	[sflag:s11] =	ssyncadd.s32 $0xFFFFE000  }
0xa5: {  	_ =	swait.ge [sflag:s20], $0x2000  }
0xa6: {  	[sflag:s20] =	ssyncset.done $0x0  }
0xa7: {  	[sflag:s20] =	ssyncadd.s32 $0xFFFFE000  }
0xa8: {  	[spmem:s3] =	stream.indirect.scatter.add.f32 [tilespmem:s15], [sflag:$0x5], $0x80, s0, s14, $0xb8;
	[tilespmem:$0x1C800] =	vst v63  }
0xa9: {  	_ =	swait.ge [sflag:s11], $0x2000  }
0xaa: {  	[sflag:s11] =	ssyncset.done $0x0  }
0xab: {  	[sflag:s11] =	ssyncadd.s32 $0xFFFFE000  }
0xac: {  	_ =	swait.ge [sflag:s23], $0x2000  }
0xad: {  	[sflag:s23] =	ssyncset.done $0x0  }
0xae: {  	[sflag:s23] =	ssyncadd.s32 $0xFFFFE000  }
0xaf: {  	[spmem:s3] =	stream.indirect.scatter.add.f32 [tilespmem:s16], [sflag:$0x5], $0x80, s5, s14, $0xb8;
	[tilespmem:$0x1C800] =	vst v63  }
0xb0: {  	_ =	swait.ge [sflag:s11], $0x2000  }
0xb1: {  	[sflag:s11] =	ssyncset.done $0x0  }
0xb2: {  	[sflag:s11] =	ssyncadd.s32 $0xFFFFE000  }
0xb3: {  	_ =	swait.ge [sflag:s28], $0x2000  }
0xb4: {  	[sflag:s28] =	ssyncset.done $0x0  }
0xb5: {  	[sflag:s28] =	ssyncadd.s32 $0xFFFFE000  }
0xb6: {  	[spmem:s3] =	stream.indirect.scatter.add.f32 [tilespmem:s19], [sflag:$0x5], $0x80, s6, s14, $0xb8;
	[tilespmem:$0x1C800] =	vst v63  }
0xb7: {  	s8 =	simm.s32 $0x80;
	_ =	swait.ge [sflag:s11], $0x2000  }
0xb8: {  	s9 =	simm.s32 $0x100;
	s26 =	rddreg [dreg:$0x4];
	[sflag:s11] =	ssyncset.done $0x0  }
.LBB2_2:
0xb9: {  	[sflag:s11] =	ssyncadd.s32 $0xFFFFE000;
	s26 =	sadd.s32 s8, s26  }
0xba: {  	[tilespmem:s12], [sflag:$0x5] =	stream.linear.gather [hbm4b:s26+s4], $0x400, $0x38;
	[tilespmem:$0x1C800] =	vst v63  }
0xbb: {  	_ =	swait.ge [sflag:s11], $0x400  }
0xbc: {  	s26 =	rddreg [dreg:$0x5];
	[sflag:s11] =	ssyncset.done $0x0  }
0xbd: {  	[sflag:s11] =	ssyncadd.s32 $0xFFFFFC00;
	s26 =	sadd.s32 s8, s26  }
0xbe: {  	[tilespmem:s13], [sflag:$0x5] =	stream.linear.gather [hbm4b:s26+s4], $0x400, $0x38;
	[tilespmem:$0x1C800] =	vst v63  }
0xbf: {  	_ =	swait.ge [sflag:s11], $0x400  }
0xc0: {  	[sflag:s11] =	ssyncset.done $0x0  }
0xc1: {  	s7 =	smov.u32 s9;
	[sflag:s11] =	ssyncadd.s32 $0xFFFFFC00  }
0xc2: {  	[tilespmem:s10], [sflag:$0x1] =	stream.indirect.gather [hbm4b:s1+s14], $0x80, s12, s14, $0xb8;
	[tilespmem:$0x1C800] =	vst v63  }
0xc3: {  	s8 =	smov.u32 s7;
	s7 =	rddreg [dreg:$0x6]  }
0xc4: {  	[tilespmem:s15], [sflag:$0x2] =	stream.indirect.gather [hbm4b:s1+s14], $0x80, s7, s14, $0xb8;
	[tilespmem:$0x1C800] =	vst v63  }
0xc5: {  	s26 =	rddreg [dreg:$0x7]  }
0xc6: {  	[tilespmem:s16], [sflag:$0x3] =	stream.indirect.gather [hbm4b:s1+s14], $0x80, s26, s14, $0xb8;
	[tilespmem:$0x1C800] =	vst v63  }
0xc7: {  	_ =	swait.ge [sflag:s17], $0x2000  }
0xc8: {  	[sflag:s17] =	ssyncset.done $0x0  }
0xc9: {  	[sflag:s17] =	ssyncadd.s32 $0xFFFFE000  }
0xca: {  	[tilespmem:s19], [sflag:$0x4] =	stream.indirect.gather [hbm4b:s1+s14], $0x80, s18, s14, $0xb8;
	[tilespmem:$0x1C800] =	vst v63  }
0xcb: {  	_ = 	snop  }
0xcc: {  	[spmem:s3] =	stream.indirect.scatter.add.f32 [tilespmem:s10], [sflag:$0x5], $0x80, s13, s14, $0xb8;
	[tilespmem:$0x1C800] =	vst v63  }
0xcd: {  	_ =	swait.ge [sflag:s11], $0x2000  }
0xce: {  	[sflag:s11] =	ssyncset.done $0x0  }
0xcf: {  	[sflag:s11] =	ssyncadd.s32 $0xFFFFE000  }
0xd0: {  	_ =	swait.ge [sflag:s20], $0x2000  }
0xd1: {  	[sflag:s20] =	ssyncset.done $0x0  }
0xd2: {  	[sflag:s20] =	ssyncadd.s32 $0xFFFFE000  }
0xd3: {  	[tilespmem:s10], [sflag:$0x1] =	stream.indirect.gather [hbm4b:s1+s14], $0x80, s21, s14, $0xb8;
	[tilespmem:$0x1C800] =	vst v63  }
0xd4: {  	_ = 	snop  }
0xd5: {  	[spmem:s3] =	stream.indirect.scatter.add.f32 [tilespmem:s15], [sflag:$0x5], $0x80, s22, s14, $0xb8;
	[tilespmem:$0x1C800] =	vst v63  }
0xd6: {  	_ =	swait.ge [sflag:s11], $0x2000  }
0xd7: {  	[sflag:s11] =	ssyncset.done $0x0  }
0xd8: {  	[sflag:s11] =	ssyncadd.s32 $0xFFFFE000  }
0xd9: {  	_ =	swait.ge [sflag:s23], $0x2000  }
0xda: {  	[sflag:s23] =	ssyncset.done $0x0  }
0xdb: {  	[sflag:s23] =	ssyncadd.s32 $0xFFFFE000  }
0xdc: {  	[tilespmem:s15], [sflag:$0x2] =	stream.indirect.gather [hbm4b:s1+s14], $0x80, s24, s14, $0xb8;
	[tilespmem:$0x1C800] =	vst v63  }
0xdd: {  	_ = 	snop  }
0xde: {  	[spmem:s3] =	stream.indirect.scatter.add.f32 [tilespmem:s16], [sflag:$0x5], $0x80, s29, s14, $0xb8;
	[tilespmem:$0x1C800] =	vst v63  }
0xdf: {  	_ =	swait.ge [sflag:s11], $0x2000  }
0xe0: {  	[sflag:s11] =	ssyncset.done $0x0  }
0xe1: {  	[sflag:s11] =	ssyncadd.s32 $0xFFFFE000  }
0xe2: {  	_ =	swait.ge [sflag:s28], $0x2000  }
0xe3: {  	[sflag:s28] =	ssyncset.done $0x0  }
0xe4: {  	[sflag:s28] =	ssyncadd.s32 $0xFFFFE000  }
0xe5: {  	[tilespmem:s16], [sflag:$0x3] =	stream.indirect.gather [hbm4b:s1+s14], $0x80, s25, s14, $0xb8;
	[tilespmem:$0x1C800] =	vst v63  }
0xe6: {  	_ = 	snop  }
0xe7: {  	[spmem:s3] =	stream.indirect.scatter.add.f32 [tilespmem:s19], [sflag:$0x5], $0x80, s30, s14, $0xb8;
	[tilespmem:$0x1C800] =	vst v63  }
0xe8: {  	_ =	swait.ge [sflag:s11], $0x2000  }
0xe9: {  	[sflag:s11] =	ssyncset.done $0x0  }
0xea: {  	[sflag:s11] =	ssyncadd.s32 $0xFFFFE000  }
0xeb: {  	_ =	swait.ge [sflag:s17], $0x2000  }
0xec: {  	[sflag:s17] =	ssyncset.done $0x0  }
0xed: {  	[sflag:s17] =	ssyncadd.s32 $0xFFFFE000  }
0xee: {  	[tilespmem:s19], [sflag:$0x4] =	stream.indirect.gather [hbm4b:s1+s14], $0x80, s31, s14, $0xb8;
	[tilespmem:$0x1C800] =	vst v63  }
0xef: {  	_ = 	snop  }
0xf0: {  	[spmem:s3] =	stream.indirect.scatter.add.f32 [tilespmem:s10], [sflag:$0x5], $0x80, s2, s14, $0xb8;
	[tilespmem:$0x1C800] =	vst v63  }
0xf1: {  	_ =	swait.ge [sflag:s11], $0x2000  }
0xf2: {  	[sflag:s11] =	ssyncset.done $0x0  }
0xf3: {  	[sflag:s11] =	ssyncadd.s32 $0xFFFFE000  }
0xf4: {  	_ =	swait.ge [sflag:s20], $0x2000  }
0xf5: {  	[sflag:s20] =	ssyncset.done $0x0  }
0xf6: {  	[sflag:s20] =	ssyncadd.s32 $0xFFFFE000  }
0xf7: {  	[spmem:s3] =	stream.indirect.scatter.add.f32 [tilespmem:s15], [sflag:$0x5], $0x80, s0, s14, $0xb8;
	[tilespmem:$0x1C800] =	vst v63  }
0xf8: {  	_ =	swait.ge [sflag:s11], $0x2000  }
0xf9: {  	[sflag:s11] =	ssyncset.done $0x0  }
0xfa: {  	[sflag:s11] =	ssyncadd.s32 $0xFFFFE000  }
0xfb: {  	_ =	swait.ge [sflag:s23], $0x2000  }
0xfc: {  	[sflag:s23] =	ssyncset.done $0x0  }
0xfd: {  	[sflag:s23] =	ssyncadd.s32 $0xFFFFE000  }
0xfe: {  	[spmem:s3] =	stream.indirect.scatter.add.f32 [tilespmem:s16], [sflag:$0x5], $0x80, s5, s14, $0xb8;
	[tilespmem:$0x1C800] =	vst v63  }
0xff: {  	_ =	swait.ge [sflag:s11], $0x2000  }
0x100: {  	[sflag:s11] =	ssyncset.done $0x0  }
0x101: {  	[sflag:s11] =	ssyncadd.s32 $0xFFFFE000  }
0x102: {  	p0 =	sne.s32 s9, $0x980;
	_ =	swait.ge [sflag:s28], $0x2000  }
.Ltmp0:
0x103: {  	[sflag:s28] =	ssyncset.done $0x0;
	(pc) =	sbr.rel @p0 .LBB2_2-.Ltmp0, $4  }
0x104: {  	[sflag:s28] =	ssyncadd.s32 $0xFFFFE000  }
0x105: {  	[spmem:s3] =	stream.indirect.scatter.add.f32 [tilespmem:s19], [sflag:$0x5], $0x80, s6, s14, $0xb8;
	[tilespmem:$0x1C800] =	vst v63  }
0x106: {  	_ =	swait.ge [sflag:s11], $0x2000  }
0x107: {  	s9 =	sadd.s32 $0x80, s9;
	s26 =	rddreg [dreg:$0x4];
	[sflag:s11] =	ssyncset.done $0x0  }
0x108: {  	[sflag:s11] =	ssyncadd.s32 $0xFFFFE000;
	s7 =	sadd.s32 s8, s26  }
0x109: {  	[tilespmem:s12], [sflag:$0x5] =	stream.linear.gather [hbm4b:s7+s4], $0x400, $0x38;
	[tilespmem:$0x1C800] =	vst v63  }
0x10a: {  	_ =	swait.ge [sflag:s11], $0x400  }
0x10b: {  	s26 =	rddreg [dreg:$0x5];
	[sflag:s11] =	ssyncset.done $0x0  }
0x10c: {  	[sflag:s11] =	ssyncadd.s32 $0xFFFFFC00;
	s7 =	sadd.s32 s8, s26  }
0x10d: {  	[tilespmem:s13], [sflag:$0x5] =	stream.linear.gather [hbm4b:s7+s4], $0x400, $0x38;
	[tilespmem:$0x1C800] =	vst v63  }
0x10e: {  	_ =	swait.ge [sflag:s11], $0x400  }
0x10f: {  	[sflag:s11] =	ssyncset.done $0x0  }
0x110: {  	[sflag:s11] =	ssyncadd.s32 $0xFFFFFC00  }
0x111: {  	[tilespmem:s10], [sflag:$0x1] =	stream.indirect.gather [hbm4b:s1+s14], $0x80, s12, s14, $0xb8;
	[tilespmem:$0x1C800] =	vst v63  }
0x112: {  	s9 =	rddreg [dreg:$0x6]  }
0x113: {  	[tilespmem:s15], [sflag:$0x2] =	stream.indirect.gather [hbm4b:s1+s14], $0x80, s9, s14, $0xb8;
	[tilespmem:$0x1C800] =	vst v63  }
0x114: {  	s26 =	rddreg [dreg:$0x7]  }
0x115: {  	[tilespmem:s16], [sflag:$0x3] =	stream.indirect.gather [hbm4b:s1+s14], $0x80, s26, s14, $0xb8;
	[tilespmem:$0x1C800] =	vst v63  }
0x116: {  	_ =	swait.ge [sflag:s17], $0x2000  }
0x117: {  	[sflag:s17] =	ssyncset.done $0x0  }
0x118: {  	[sflag:s17] =	ssyncadd.s32 $0xFFFFE000  }
0x119: {  	[tilespmem:s19], [sflag:$0x4] =	stream.indirect.gather [hbm4b:s1+s14], $0x80, s18, s14, $0xb8;
	[tilespmem:$0x1C800] =	vst v63  }
0x11a: {  	_ = 	snop  }
0x11b: {  	[spmem:s3] =	stream.indirect.scatter.add.f32 [tilespmem:s10], [sflag:$0x5], $0x80, s13, s14, $0xb8;
	[tilespmem:$0x1C800] =	vst v63  }
0x11c: {  	_ =	swait.ge [sflag:s11], $0x2000  }
0x11d: {  	[sflag:s11] =	ssyncset.done $0x0  }
0x11e: {  	[sflag:s11] =	ssyncadd.s32 $0xFFFFE000  }
0x11f: {  	_ =	swait.ge [sflag:s20], $0x2000  }
0x120: {  	[sflag:s20] =	ssyncset.done $0x0  }
0x121: {  	[sflag:s20] =	ssyncadd.s32 $0xFFFFE000  }
0x122: {  	[tilespmem:s10], [sflag:$0x1] =	stream.indirect.gather [hbm4b:s1+s14], $0x80, s21, s14, $0xb8;
	[tilespmem:$0x1C800] =	vst v63  }
0x123: {  	_ = 	snop  }
0x124: {  	[spmem:s3] =	stream.indirect.scatter.add.f32 [tilespmem:s15], [sflag:$0x5], $0x80, s22, s14, $0xb8;
	[tilespmem:$0x1C800] =	vst v63  }
0x125: {  	_ =	swait.ge [sflag:s11], $0x2000  }
0x126: {  	[sflag:s11] =	ssyncset.done $0x0  }
0x127: {  	[sflag:s11] =	ssyncadd.s32 $0xFFFFE000  }
0x128: {  	_ =	swait.ge [sflag:s23], $0x2000  }
0x129: {  	[sflag:s23] =	ssyncset.done $0x0  }
0x12a: {  	[sflag:s23] =	ssyncadd.s32 $0xFFFFE000  }
0x12b: {  	[tilespmem:s15], [sflag:$0x2] =	stream.indirect.gather [hbm4b:s1+s14], $0x80, s24, s14, $0xb8;
	[tilespmem:$0x1C800] =	vst v63  }
0x12c: {  	_ = 	snop  }
0x12d: {  	[spmem:s3] =	stream.indirect.scatter.add.f32 [tilespmem:s16], [sflag:$0x5], $0x80, s29, s14, $0xb8;
	[tilespmem:$0x1C800] =	vst v63  }
0x12e: {  	_ =	swait.ge [sflag:s11], $0x2000  }
0x12f: {  	[sflag:s11] =	ssyncset.done $0x0  }
0x130: {  	[sflag:s11] =	ssyncadd.s32 $0xFFFFE000  }
0x131: {  	_ =	swait.ge [sflag:s28], $0x2000  }
0x132: {  	[sflag:s28] =	ssyncset.done $0x0  }
0x133: {  	[sflag:s28] =	ssyncadd.s32 $0xFFFFE000  }
0x134: {  	[tilespmem:s16], [sflag:$0x3] =	stream.indirect.gather [hbm4b:s1+s14], $0x80, s25, s14, $0xb8;
	[tilespmem:$0x1C800] =	vst v63  }
0x135: {  	_ = 	snop  }
0x136: {  	[spmem:s3] =	stream.indirect.scatter.add.f32 [tilespmem:s19], [sflag:$0x5], $0x80, s30, s14, $0xb8;
	[tilespmem:$0x1C800] =	vst v63  }
0x137: {  	_ =	swait.ge [sflag:s11], $0x2000  }
0x138: {  	[sflag:s11] =	ssyncset.done $0x0  }
0x139: {  	[sflag:s11] =	ssyncadd.s32 $0xFFFFE000  }
0x13a: {  	_ =	swait.ge [sflag:s17], $0x2000  }
0x13b: {  	[sflag:s17] =	ssyncset.done $0x0  }
0x13c: {  	[sflag:s17] =	ssyncadd.s32 $0xFFFFE000  }
0x13d: {  	[tilespmem:s19], [sflag:$0x4] =	stream.indirect.gather [hbm4b:s1+s14], $0x80, s31, s14, $0xb8;
	[tilespmem:$0x1C800] =	vst v63  }
0x13e: {  	_ = 	snop  }
0x13f: {  	[spmem:s3] =	stream.indirect.scatter.add.f32 [tilespmem:s10], [sflag:$0x5], $0x80, s2, s14, $0xb8;
	[tilespmem:$0x1C800] =	vst v63  }
0x140: {  	_ =	swait.ge [sflag:s11], $0x2000  }
0x141: {  	[sflag:s11] =	ssyncset.done $0x0  }
0x142: {  	[sflag:s11] =	ssyncadd.s32 $0xFFFFE000  }
0x143: {  	_ =	swait.ge [sflag:s20], $0x2000  }
0x144: {  	[sflag:s20] =	ssyncset.done $0x0  }
0x145: {  	[sflag:s20] =	ssyncadd.s32 $0xFFFFE000  }
0x146: {  	[spmem:s3] =	stream.indirect.scatter.add.f32 [tilespmem:s15], [sflag:$0x5], $0x80, s0, s14, $0xb8;
	[tilespmem:$0x1C800] =	vst v63  }
0x147: {  	_ =	swait.ge [sflag:s11], $0x2000  }
0x148: {  	[sflag:s11] =	ssyncset.done $0x0  }
0x149: {  	[sflag:s11] =	ssyncadd.s32 $0xFFFFE000  }
0x14a: {  	_ =	swait.ge [sflag:s23], $0x2000  }
0x14b: {  	[sflag:s23] =	ssyncset.done $0x0  }
0x14c: {  	[sflag:s23] =	ssyncadd.s32 $0xFFFFE000  }
0x14d: {  	[spmem:s3] =	stream.indirect.scatter.add.f32 [tilespmem:s16], [sflag:$0x5], $0x80, s5, s14, $0xb8;
	[tilespmem:$0x1C800] =	vst v63  }
0x14e: {  	_ =	swait.ge [sflag:s11], $0x2000  }
0x14f: {  	[sflag:s11] =	ssyncset.done $0x0  }
0x150: {  	[sflag:s11] =	ssyncadd.s32 $0xFFFFE000  }
0x151: {  	_ =	swait.ge [sflag:s28], $0x2000  }
0x152: {  	[sflag:s28] =	ssyncset.done $0x0  }
0x153: {  	[sflag:s28] =	ssyncadd.s32 $0xFFFFE000  }
0x154: {  	[spmem:s3] =	stream.indirect.scatter.add.f32 [tilespmem:s19], [sflag:$0x5], $0x80, s6, s14, $0xb8;
	[tilespmem:$0x1C800] =	vst v63  }
0x155: {  	_ =	swait.ge [sflag:s11], $0x2000  }
0x156: {  	[sflag:s11] =	ssyncset.done $0x0  }
0x157: {  	[sflag:s11] =	ssyncadd.s32 $0xFFFFE000  }
0x158: {  	[bflag:$0x0] =	sbarrier.arrive $0xFFFF  }
0x159: {  	s9 =	rddreg [dreg:$0x1e]  }
0x15a: {  	[tilespmem:s10], [sflag:$0x5] =	stream.linear.gather [spmem:s9], $0x2000, $0x38;
	[tilespmem:$0x1C800] =	vst v63  }
0x15b: {  	_ =	swait.ge [sflag:s11], $0x2000  }
0x15c: {  	[sflag:s11] =	ssyncset.done $0x0  }
0x15d: {  	s8 =	simm.s32 $0x0;
	s26 =	rddreg [dreg:$0x9];
	[sflag:s11] =	ssyncadd.s32 $0xFFFFE000  }
0x15e: {  	[hbm4b:s26+s8] =	stream.linear.scatter [tilespmem:s10], [sflag:$0x5], $0x2000, $0x38;
	[tilespmem:$0x1C800] =	vst v63  }
0x15f: {  	_ =	swait.ge [sflag:s11], $0x2000  }
0x160: {  	s9 =	sld [smem:$0x7F4]  }
0x161: {  	[sflag:s11] =	ssyncset.done $0x0  }
0x162: {  	[sflag:s11] =	ssyncadd.s32 $0xFFFFE000  }
0x163: {  	[tilespmem:s10], [sflag:$0x5] =	stream.linear.gather [spmem:s9], $0x2000, $0x38;
	[tilespmem:$0x1C800] =	vst v63  }
0x164: {  	_ =	swait.ge [sflag:s11], $0x2000  }
0x165: {  	[sflag:s11] =	ssyncset.done $0x0  }
0x166: {  	s26 =	rddreg [dreg:$0xa];
	[sflag:s11] =	ssyncadd.s32 $0xFFFFE000  }
0x167: {  	[hbm4b:s26+s8] =	stream.linear.scatter [tilespmem:s10], [sflag:$0x5], $0x2000, $0x38;
	[tilespmem:$0x1C800] =	vst v63  }
0x168: {  	_ =	swait.ge [sflag:s11], $0x2000  }
0x169: {  	s9 =	sld [smem:$0x7F5]  }
0x16a: {  	[sflag:s11] =	ssyncset.done $0x0  }
0x16b: {  	[sflag:s11] =	ssyncadd.s32 $0xFFFFE000  }
0x16c: {  	[tilespmem:s10], [sflag:$0x5] =	stream.linear.gather [spmem:s9], $0x2000, $0x38;
	[tilespmem:$0x1C800] =	vst v63  }
0x16d: {  	_ =	swait.ge [sflag:s11], $0x2000  }
0x16e: {  	[sflag:s11] =	ssyncset.done $0x0  }
0x16f: {  	s26 =	rddreg [dreg:$0xb];
	[sflag:s11] =	ssyncadd.s32 $0xFFFFE000  }
0x170: {  	[hbm4b:s26+s8] =	stream.linear.scatter [tilespmem:s10], [sflag:$0x5], $0x2000, $0x38;
	[tilespmem:$0x1C800] =	vst v63  }
0x171: {  	_ =	swait.ge [sflag:s11], $0x2000  }
0x172: {  	s9 =	sld [smem:$0x7F6]  }
0x173: {  	[sflag:s11] =	ssyncset.done $0x0  }
0x174: {  	[sflag:s11] =	ssyncadd.s32 $0xFFFFE000  }
0x175: {  	[tilespmem:s10], [sflag:$0x5] =	stream.linear.gather [spmem:s9], $0x2000, $0x38;
	[tilespmem:$0x1C800] =	vst v63  }
0x176: {  	_ =	swait.ge [sflag:s11], $0x2000  }
0x177: {  	[sflag:s11] =	ssyncset.done $0x0  }
0x178: {  	s26 =	rddreg [dreg:$0xc];
	[sflag:s11] =	ssyncadd.s32 $0xFFFFE000  }
0x179: {  	[hbm4b:s26+s8] =	stream.linear.scatter [tilespmem:s10], [sflag:$0x5], $0x2000, $0x38;
	[tilespmem:$0x1C800] =	vst v63  }
0x17a: {  	_ =	swait.ge [sflag:s11], $0x2000  }
0x17b: {  	s9 =	sld [smem:$0x7F7]  }
0x17c: {  	[sflag:s11] =	ssyncset.done $0x0  }
0x17d: {  	[sflag:s11] =	ssyncadd.s32 $0xFFFFE000  }
0x17e: {  	[tilespmem:s10], [sflag:$0x5] =	stream.linear.gather [spmem:s9], $0x2000, $0x38;
	[tilespmem:$0x1C800] =	vst v63  }
0x17f: {  	_ =	swait.ge [sflag:s11], $0x2000  }
0x180: {  	[sflag:s11] =	ssyncset.done $0x0  }
0x181: {  	s26 =	rddreg [dreg:$0xd];
	[sflag:s11] =	ssyncadd.s32 $0xFFFFE000  }
0x182: {  	[hbm4b:s26+s8] =	stream.linear.scatter [tilespmem:s10], [sflag:$0x5], $0x2000, $0x38;
	[tilespmem:$0x1C800] =	vst v63  }
0x183: {  	_ =	swait.ge [sflag:s11], $0x2000  }
0x184: {  	s9 =	sld [smem:$0x7F8]  }
0x185: {  	[sflag:s11] =	ssyncset.done $0x0  }
0x186: {  	[sflag:s11] =	ssyncadd.s32 $0xFFFFE000  }
0x187: {  	[tilespmem:s10], [sflag:$0x5] =	stream.linear.gather [spmem:s9], $0x2000, $0x38;
	[tilespmem:$0x1C800] =	vst v63  }
0x188: {  	_ =	swait.ge [sflag:s11], $0x2000  }
0x189: {  	[sflag:s11] =	ssyncset.done $0x0  }
0x18a: {  	s26 =	rddreg [dreg:$0xe];
	[sflag:s11] =	ssyncadd.s32 $0xFFFFE000  }
0x18b: {  	[hbm4b:s26+s8] =	stream.linear.scatter [tilespmem:s10], [sflag:$0x5], $0x2000, $0x38;
	[tilespmem:$0x1C800] =	vst v63  }
0x18c: {  	_ =	swait.ge [sflag:s11], $0x2000  }
0x18d: {  	s9 =	sld [smem:$0x7F9]  }
0x18e: {  	[sflag:s11] =	ssyncset.done $0x0  }
0x18f: {  	[sflag:s11] =	ssyncadd.s32 $0xFFFFE000  }
0x190: {  	[tilespmem:s10], [sflag:$0x5] =	stream.linear.gather [spmem:s9], $0x2000, $0x38;
	[tilespmem:$0x1C800] =	vst v63  }
0x191: {  	_ =	swait.ge [sflag:s11], $0x2000  }
0x192: {  	[sflag:s11] =	ssyncset.done $0x0  }
0x193: {  	s26 =	rddreg [dreg:$0xf];
	[sflag:s11] =	ssyncadd.s32 $0xFFFFE000  }
0x194: {  	[hbm4b:s26+s8] =	stream.linear.scatter [tilespmem:s10], [sflag:$0x5], $0x2000, $0x38;
	[tilespmem:$0x1C800] =	vst v63  }
0x195: {  	_ =	swait.ge [sflag:s11], $0x2000  }
0x196: {  	s9 =	sld [smem:$0x7FA]  }
0x197: {  	[sflag:s11] =	ssyncset.done $0x0  }
0x198: {  	[sflag:s11] =	ssyncadd.s32 $0xFFFFE000  }
0x199: {  	[tilespmem:s10], [sflag:$0x5] =	stream.linear.gather [spmem:s9], $0x2000, $0x38;
	[tilespmem:$0x1C800] =	vst v63  }
0x19a: {  	_ =	swait.ge [sflag:s11], $0x2000  }
0x19b: {  	[sflag:s11] =	ssyncset.done $0x0  }
0x19c: {  	s26 =	rddreg [dreg:$0x10];
	[sflag:s11] =	ssyncadd.s32 $0xFFFFE000  }
0x19d: {  	[hbm4b:s26+s8] =	stream.linear.scatter [tilespmem:s10], [sflag:$0x5], $0x2000, $0x38;
	[tilespmem:$0x1C800] =	vst v63  }
0x19e: {  	_ =	swait.ge [sflag:s11], $0x2000  }
0x19f: {  	s26 =	sld [smem:$0x7FC]  }
0x1a0: {  	[sflag:s11] =	ssyncset.done $0x0  }
0x1a1: {  	[sflag:s11] =	ssyncadd.s32 $0xFFFFE000  }
0x1a2: {  	[tilespmem:s10], [sflag:$0x5] =	stream.linear.gather [spmem:s26], $0x2000, $0x38;
	[tilespmem:$0x1C800] =	vst v63  }
0x1a3: {  	_ =	swait.ge [sflag:s11], $0x2000  }
0x1a4: {  	[sflag:s11] =	ssyncset.done $0x0  }
0x1a5: {  	s9 =	rddreg [dreg:$0x11];
	[sflag:s11] =	ssyncadd.s32 $0xFFFFE000  }
0x1a6: {  	[hbm4b:s9+s8] =	stream.linear.scatter [tilespmem:s10], [sflag:$0x5], $0x2000, $0x38;
	[tilespmem:$0x1C800] =	vst v63  }
0x1a7: {  	_ =	swait.ge [sflag:s11], $0x2000  }
0x1a8: {  	s9 =	sld [smem:$0x7FD]  }
0x1a9: {  	[sflag:s11] =	ssyncset.done $0x0  }
0x1aa: {  	[sflag:s11] =	ssyncadd.s32 $0xFFFFE000  }
0x1ab: {  	[tilespmem:s10], [sflag:$0x5] =	stream.linear.gather [spmem:s9], $0x2000, $0x38;
	[tilespmem:$0x1C800] =	vst v63  }
0x1ac: {  	_ =	swait.ge [sflag:s11], $0x2000  }
0x1ad: {  	[sflag:s11] =	ssyncset.done $0x0  }
0x1ae: {  	s7 =	rddreg [dreg:$0x12];
	[sflag:s11] =	ssyncadd.s32 $0xFFFFE000  }
0x1af: {  	[hbm4b:s7+s8] =	stream.linear.scatter [tilespmem:s10], [sflag:$0x5], $0x2000, $0x38;
	[tilespmem:$0x1C800] =	vst v63  }
0x1b0: {  	_ =	swait.ge [sflag:s11], $0x2000  }
0x1b1: {  	[sflag:s11] =	ssyncset.done $0x0  }
0x1b2: {  	s7 =	rddreg [dreg:$0x1f];
	[sflag:s11] =	ssyncadd.s32 $0xFFFFE000  }
0x1b3: {  	[tilespmem:s10], [sflag:$0x5] =	stream.linear.gather [hbm4b:s7+s8], $0x2000, $0x38;
	[tilespmem:$0x1C800] =	vst v63  }
0x1b4: {  	_ =	swait.ge [sflag:s11], $0x2000  }
0x1b5: {  	[sflag:s11] =	ssyncset.done $0x0  }
0x1b6: {  	s8 =	rddreg [dreg:$0x1e];
	[sflag:s11] =	ssyncadd.s32 $0xFFFFE000  }
0x1b7: {  	[spmem:s8] =	stream.linear.scatter [tilespmem:s10], [sflag:$0x5], $0x2000, $0x38;
	[tilespmem:$0x1C800] =	vst v63  }
0x1b8: {  	_ =	swait.ge [sflag:s11], $0x2000  }
0x1b9: {  	s8 =	sld [smem:$0x7F4]  }
0x1ba: {  	[sflag:s11] =	ssyncset.done $0x0  }
0x1bb: {  	[sflag:s11] =	ssyncadd.s32 $0xFFFFE000  }
0x1bc: {  	[spmem:s8] =	stream.linear.scatter [tilespmem:s10], [sflag:$0x5], $0x2000, $0x38;
	[tilespmem:$0x1C800] =	vst v63  }
0x1bd: {  	_ =	swait.ge [sflag:s11], $0x2000  }
0x1be: {  	s8 =	sld [smem:$0x7F5]  }
0x1bf: {  	[sflag:s11] =	ssyncset.done $0x0  }
0x1c0: {  	[sflag:s11] =	ssyncadd.s32 $0xFFFFE000  }
0x1c1: {  	[spmem:s8] =	stream.linear.scatter [tilespmem:s10], [sflag:$0x5], $0x2000, $0x38;
	[tilespmem:$0x1C800] =	vst v63  }
0x1c2: {  	_ =	swait.ge [sflag:s11], $0x2000  }
0x1c3: {  	s8 =	sld [smem:$0x7F6]  }
0x1c4: {  	[sflag:s11] =	ssyncset.done $0x0  }
0x1c5: {  	[sflag:s11] =	ssyncadd.s32 $0xFFFFE000  }
0x1c6: {  	[spmem:s8] =	stream.linear.scatter [tilespmem:s10], [sflag:$0x5], $0x2000, $0x38;
	[tilespmem:$0x1C800] =	vst v63  }
0x1c7: {  	_ =	swait.ge [sflag:s11], $0x2000  }
0x1c8: {  	s8 =	sld [smem:$0x7F7]  }
0x1c9: {  	[sflag:s11] =	ssyncset.done $0x0  }
0x1ca: {  	[sflag:s11] =	ssyncadd.s32 $0xFFFFE000  }
0x1cb: {  	[spmem:s8] =	stream.linear.scatter [tilespmem:s10], [sflag:$0x5], $0x2000, $0x38;
	[tilespmem:$0x1C800] =	vst v63  }
0x1cc: {  	_ =	swait.ge [sflag:s11], $0x2000  }
0x1cd: {  	s8 =	sld [smem:$0x7F8]  }
0x1ce: {  	[sflag:s11] =	ssyncset.done $0x0  }
0x1cf: {  	[sflag:s11] =	ssyncadd.s32 $0xFFFFE000  }
0x1d0: {  	[spmem:s8] =	stream.linear.scatter [tilespmem:s10], [sflag:$0x5], $0x2000, $0x38;
	[tilespmem:$0x1C800] =	vst v63  }
0x1d1: {  	_ =	swait.ge [sflag:s11], $0x2000  }
0x1d2: {  	s8 =	sld [smem:$0x7F9]  }
0x1d3: {  	[sflag:s11] =	ssyncset.done $0x0  }
0x1d4: {  	[sflag:s11] =	ssyncadd.s32 $0xFFFFE000  }
0x1d5: {  	[spmem:s8] =	stream.linear.scatter [tilespmem:s10], [sflag:$0x5], $0x2000, $0x38;
	[tilespmem:$0x1C800] =	vst v63  }
0x1d6: {  	_ =	swait.ge [sflag:s11], $0x2000  }
0x1d7: {  	s8 =	sld [smem:$0x7FA]  }
0x1d8: {  	[sflag:s11] =	ssyncset.done $0x0  }
0x1d9: {  	[sflag:s11] =	ssyncadd.s32 $0xFFFFE000  }
0x1da: {  	[spmem:s8] =	stream.linear.scatter [tilespmem:s10], [sflag:$0x5], $0x2000, $0x38;
	[tilespmem:$0x1C800] =	vst v63  }
0x1db: {  	_ =	swait.ge [sflag:s11], $0x2000  }
0x1dc: {  	[sflag:s11] =	ssyncset.done $0x0  }
0x1dd: {  	[sflag:s11] =	ssyncadd.s32 $0xFFFFE000  }
0x1de: {  	[spmem:s26] =	stream.linear.scatter [tilespmem:s10], [sflag:$0x5], $0x2000, $0x38;
	[tilespmem:$0x1C800] =	vst v63  }
0x1df: {  	_ =	swait.ge [sflag:s11], $0x2000  }
0x1e0: {  	[sflag:s11] =	ssyncset.done $0x0  }
0x1e1: {  	[sflag:s11] =	ssyncadd.s32 $0xFFFFE000  }
0x1e2: {  	[spmem:s9] =	stream.linear.scatter [tilespmem:s10], [sflag:$0x5], $0x2000, $0x38;
	[tilespmem:$0x1C800] =	vst v63  }
0x1e3: {  	_ =	swait.ge [sflag:s11], $0x2000  }
0x1e4: {  	[sflag:s11] =	ssyncset.done $0x0  }
0x1e5: {  	[sflag:s11] =	ssyncadd.s32 $0xFFFFE000  }
0x1e6: {  	[bflag:$0x0] =	sbarrier.arrive $0xFFFF  }
0x1e7: {  	s9 =	rddreg [dreg:$0x1d]  }
0x1e8: {  	[tilespmem:s13], [sflag:$0x5] =	stream.linear.gather [hbm4b:s9+s4], $0x400, $0x38;
	[tilespmem:$0x1C800] =	vst v63  }
0x1e9: {  	_ =	swait.ge [sflag:s11], $0x400  }
0x1ea: {  	s8 =	rddreg [dreg:$0x8];
	[sflag:s11] =	ssyncset.done $0x0  }
0x1eb: {  	[sflag:s11] =	ssyncadd.s32 $0xFFFFFC00;
	s7 =	sadd.s32 $0x0, s8  }
0x1ec: {  	[tilespmem:s10], [sflag:$0x1] =	stream.linear.gather [hbm4b:s7+s4], $0x2000, $0x38;
	[tilespmem:$0x1C800] =	vst v63  }
0x1ed: {  	s26 =	sadd.s32 $0x400, s7  }
0x1ee: {  	[tilespmem:s15], [sflag:$0x2] =	stream.linear.gather [hbm4b:s26+s4], $0x2000, $0x38;
	[tilespmem:$0x1C800] =	vst v63  }
0x1ef: {  	s26 =	sadd.s32 $0x800, s7  }
0x1f0: {  	[tilespmem:s16], [sflag:$0x3] =	stream.linear.gather [hbm4b:s26+s4], $0x2000, $0x38;
	[tilespmem:$0x1C800] =	vst v63  }
0x1f1: {  	_ =	swait.ge [sflag:s17], $0x2000  }
0x1f2: {  	[sflag:s17] =	ssyncset.done $0x0  }
0x1f3: {  	s26 =	sadd.s32 $0xC00, s7;
	[sflag:s17] =	ssyncadd.s32 $0xFFFFE000  }
0x1f4: {  	[tilespmem:s19], [sflag:$0x4] =	stream.linear.gather [hbm4b:s26+s4], $0x2000, $0x38;
	[tilespmem:$0x1C800] =	vst v63  }
0x1f5: {  	_ = 	snop  }
0x1f6: {  	[spmem:s3] =	stream.indirect.scatter.add.f32 [tilespmem:s10], [sflag:$0x5], $0x80, s13, s14, $0xb8;
	[tilespmem:$0x1C800] =	vst v63  }
0x1f7: {  	_ =	swait.ge [sflag:s11], $0x2000  }
0x1f8: {  	[sflag:s11] =	ssyncset.done $0x0  }
0x1f9: {  	[sflag:s11] =	ssyncadd.s32 $0xFFFFE000  }
0x1fa: {  	_ =	swait.ge [sflag:s20], $0x2000  }
0x1fb: {  	[sflag:s20] =	ssyncset.done $0x0  }
0x1fc: {  	s26 =	sadd.s32 $0x1000, s7;
	[sflag:s20] =	ssyncadd.s32 $0xFFFFE000  }
0x1fd: {  	[tilespmem:s10], [sflag:$0x1] =	stream.linear.gather [hbm4b:s26+s4], $0x2000, $0x38;
	[tilespmem:$0x1C800] =	vst v63  }
0x1fe: {  	_ = 	snop  }
0x1ff: {  	[spmem:s3] =	stream.indirect.scatter.add.f32 [tilespmem:s15], [sflag:$0x5], $0x80, s22, s14, $0xb8;
	[tilespmem:$0x1C800] =	vst v63  }
0x200: {  	_ =	swait.ge [sflag:s11], $0x2000  }
0x201: {  	[sflag:s11] =	ssyncset.done $0x0  }
0x202: {  	[sflag:s11] =	ssyncadd.s32 $0xFFFFE000  }
0x203: {  	_ =	swait.ge [sflag:s23], $0x2000  }
0x204: {  	[sflag:s23] =	ssyncset.done $0x0  }
0x205: {  	s26 =	sadd.s32 $0x1400, s7;
	[sflag:s23] =	ssyncadd.s32 $0xFFFFE000  }
0x206: {  	[tilespmem:s15], [sflag:$0x2] =	stream.linear.gather [hbm4b:s26+s4], $0x2000, $0x38;
	[tilespmem:$0x1C800] =	vst v63  }
0x207: {  	_ = 	snop  }
0x208: {  	[spmem:s3] =	stream.indirect.scatter.add.f32 [tilespmem:s16], [sflag:$0x5], $0x80, s29, s14, $0xb8;
	[tilespmem:$0x1C800] =	vst v63  }
0x209: {  	_ =	swait.ge [sflag:s11], $0x2000  }
0x20a: {  	[sflag:s11] =	ssyncset.done $0x0  }
0x20b: {  	[sflag:s11] =	ssyncadd.s32 $0xFFFFE000  }
0x20c: {  	_ =	swait.ge [sflag:s28], $0x2000  }
0x20d: {  	[sflag:s28] =	ssyncset.done $0x0  }
0x20e: {  	s26 =	sadd.s32 $0x1800, s7;
	[sflag:s28] =	ssyncadd.s32 $0xFFFFE000  }
0x20f: {  	[tilespmem:s16], [sflag:$0x3] =	stream.linear.gather [hbm4b:s26+s4], $0x2000, $0x38;
	[tilespmem:$0x1C800] =	vst v63  }
0x210: {  	_ = 	snop  }
0x211: {  	[spmem:s3] =	stream.indirect.scatter.add.f32 [tilespmem:s19], [sflag:$0x5], $0x80, s30, s14, $0xb8;
	[tilespmem:$0x1C800] =	vst v63  }
0x212: {  	_ =	swait.ge [sflag:s11], $0x2000  }
0x213: {  	[sflag:s11] =	ssyncset.done $0x0  }
0x214: {  	[sflag:s11] =	ssyncadd.s32 $0xFFFFE000  }
0x215: {  	_ =	swait.ge [sflag:s17], $0x2000  }
0x216: {  	[sflag:s17] =	ssyncset.done $0x0  }
0x217: {  	s7 =	sadd.s32 $0x1C00, s7;
	[sflag:s17] =	ssyncadd.s32 $0xFFFFE000  }
0x218: {  	[tilespmem:s19], [sflag:$0x4] =	stream.linear.gather [hbm4b:s7+s4], $0x2000, $0x38;
	[tilespmem:$0x1C800] =	vst v63  }
0x219: {  	_ = 	snop  }
0x21a: {  	[spmem:s3] =	stream.indirect.scatter.add.f32 [tilespmem:s10], [sflag:$0x5], $0x80, s2, s14, $0xb8;
	[tilespmem:$0x1C800] =	vst v63  }
0x21b: {  	_ =	swait.ge [sflag:s11], $0x2000  }
0x21c: {  	[sflag:s11] =	ssyncset.done $0x0  }
0x21d: {  	[sflag:s11] =	ssyncadd.s32 $0xFFFFE000  }
0x21e: {  	_ =	swait.ge [sflag:s20], $0x2000  }
0x21f: {  	[sflag:s20] =	ssyncset.done $0x0  }
0x220: {  	[sflag:s20] =	ssyncadd.s32 $0xFFFFE000  }
0x221: {  	[spmem:s3] =	stream.indirect.scatter.add.f32 [tilespmem:s15], [sflag:$0x5], $0x80, s0, s14, $0xb8;
	[tilespmem:$0x1C800] =	vst v63  }
0x222: {  	_ =	swait.ge [sflag:s11], $0x2000  }
0x223: {  	[sflag:s11] =	ssyncset.done $0x0  }
0x224: {  	[sflag:s11] =	ssyncadd.s32 $0xFFFFE000  }
0x225: {  	_ =	swait.ge [sflag:s23], $0x2000  }
0x226: {  	[sflag:s23] =	ssyncset.done $0x0  }
0x227: {  	[sflag:s23] =	ssyncadd.s32 $0xFFFFE000  }
0x228: {  	[spmem:s3] =	stream.indirect.scatter.add.f32 [tilespmem:s16], [sflag:$0x5], $0x80, s5, s14, $0xb8;
	[tilespmem:$0x1C800] =	vst v63  }
0x229: {  	_ =	swait.ge [sflag:s11], $0x2000  }
0x22a: {  	[sflag:s11] =	ssyncset.done $0x0  }
0x22b: {  	[sflag:s11] =	ssyncadd.s32 $0xFFFFE000  }
0x22c: {  	_ =	swait.ge [sflag:s28], $0x2000  }
0x22d: {  	[sflag:s28] =	ssyncset.done $0x0  }
0x22e: {  	[sflag:s28] =	ssyncadd.s32 $0xFFFFE000  }
0x22f: {  	[spmem:s3] =	stream.indirect.scatter.add.f32 [tilespmem:s19], [sflag:$0x5], $0x80, s6, s14, $0xb8;
	[tilespmem:$0x1C800] =	vst v63  }
0x230: {  	_ =	swait.ge [sflag:s11], $0x2000  }
0x231: {  	s8 =	simm.s32 $0x2000;
	[sflag:s11] =	ssyncset.done $0x0  }
.LBB2_4:
0x232: {  	[sflag:s11] =	ssyncadd.s32 $0xFFFFE000;
	s9 =	sadd.s32 $0x80, s9  }
0x233: {  	[tilespmem:s13], [sflag:$0x5] =	stream.linear.gather [hbm4b:s9+s4], $0x400, $0x38;
	[tilespmem:$0x1C800] =	vst v63  }
0x234: {  	_ =	swait.ge [sflag:s11], $0x400  }
0x235: {  	s7 =	smov.u32 s8;
	s26 =	rddreg [dreg:$0x8];
	[sflag:s11] =	ssyncset.done $0x0  }
0x236: {  	[sflag:s11] =	ssyncadd.s32 $0xFFFFFC00;
	s26 =	sadd.s32 s7, s26  }
0x237: {  	[tilespmem:s10], [sflag:$0x1] =	stream.linear.gather [hbm4b:s26+s4], $0x2000, $0x38;
	[tilespmem:$0x1C800] =	vst v63  }
0x238: {  	s7 =	sadd.s32 $0x400, s26  }
0x239: {  	[tilespmem:s15], [sflag:$0x2] =	stream.linear.gather [hbm4b:s7+s4], $0x2000, $0x38;
	[tilespmem:$0x1C800] =	vst v63  }
0x23a: {  	s7 =	sadd.s32 $0x800, s26  }
0x23b: {  	[tilespmem:s16], [sflag:$0x3] =	stream.linear.gather [hbm4b:s7+s4], $0x2000, $0x38;
	[tilespmem:$0x1C800] =	vst v63  }
0x23c: {  	_ =	swait.ge [sflag:s17], $0x2000  }
0x23d: {  	[sflag:s17] =	ssyncset.done $0x0  }
0x23e: {  	s7 =	sadd.s32 $0xC00, s26;
	[sflag:s17] =	ssyncadd.s32 $0xFFFFE000  }
0x23f: {  	[tilespmem:s19], [sflag:$0x4] =	stream.linear.gather [hbm4b:s7+s4], $0x2000, $0x38;
	[tilespmem:$0x1C800] =	vst v63  }
0x240: {  	_ = 	snop  }
0x241: {  	[spmem:s3] =	stream.indirect.scatter.add.f32 [tilespmem:s10], [sflag:$0x5], $0x80, s13, s14, $0xb8;
	[tilespmem:$0x1C800] =	vst v63  }
0x242: {  	_ =	swait.ge [sflag:s11], $0x2000  }
0x243: {  	[sflag:s11] =	ssyncset.done $0x0  }
0x244: {  	[sflag:s11] =	ssyncadd.s32 $0xFFFFE000  }
0x245: {  	_ =	swait.ge [sflag:s20], $0x2000  }
0x246: {  	[sflag:s20] =	ssyncset.done $0x0  }
0x247: {  	s7 =	sadd.s32 $0x1000, s26;
	[sflag:s20] =	ssyncadd.s32 $0xFFFFE000  }
0x248: {  	[tilespmem:s10], [sflag:$0x1] =	stream.linear.gather [hbm4b:s7+s4], $0x2000, $0x38;
	[tilespmem:$0x1C800] =	vst v63  }
0x249: {  	_ = 	snop  }
0x24a: {  	[spmem:s3] =	stream.indirect.scatter.add.f32 [tilespmem:s15], [sflag:$0x5], $0x80, s22, s14, $0xb8;
	[tilespmem:$0x1C800] =	vst v63  }
0x24b: {  	_ =	swait.ge [sflag:s11], $0x2000  }
0x24c: {  	[sflag:s11] =	ssyncset.done $0x0  }
0x24d: {  	[sflag:s11] =	ssyncadd.s32 $0xFFFFE000  }
0x24e: {  	_ =	swait.ge [sflag:s23], $0x2000  }
0x24f: {  	[sflag:s23] =	ssyncset.done $0x0  }
0x250: {  	s7 =	sadd.s32 $0x1400, s26;
	[sflag:s23] =	ssyncadd.s32 $0xFFFFE000  }
0x251: {  	[tilespmem:s15], [sflag:$0x2] =	stream.linear.gather [hbm4b:s7+s4], $0x2000, $0x38;
	[tilespmem:$0x1C800] =	vst v63  }
0x252: {  	_ = 	snop  }
0x253: {  	[spmem:s3] =	stream.indirect.scatter.add.f32 [tilespmem:s16], [sflag:$0x5], $0x80, s29, s14, $0xb8;
	[tilespmem:$0x1C800] =	vst v63  }
0x254: {  	_ =	swait.ge [sflag:s11], $0x2000  }
0x255: {  	[sflag:s11] =	ssyncset.done $0x0  }
0x256: {  	[sflag:s11] =	ssyncadd.s32 $0xFFFFE000  }
0x257: {  	_ =	swait.ge [sflag:s28], $0x2000  }
0x258: {  	[sflag:s28] =	ssyncset.done $0x0  }
0x259: {  	s7 =	sadd.s32 $0x1800, s26;
	[sflag:s28] =	ssyncadd.s32 $0xFFFFE000  }
0x25a: {  	[tilespmem:s16], [sflag:$0x3] =	stream.linear.gather [hbm4b:s7+s4], $0x2000, $0x38;
	[tilespmem:$0x1C800] =	vst v63  }
0x25b: {  	_ = 	snop  }
0x25c: {  	[spmem:s3] =	stream.indirect.scatter.add.f32 [tilespmem:s19], [sflag:$0x5], $0x80, s30, s14, $0xb8;
	[tilespmem:$0x1C800] =	vst v63  }
0x25d: {  	_ =	swait.ge [sflag:s11], $0x2000  }
0x25e: {  	[sflag:s11] =	ssyncset.done $0x0  }
0x25f: {  	[sflag:s11] =	ssyncadd.s32 $0xFFFFE000  }
0x260: {  	_ =	swait.ge [sflag:s17], $0x2000  }
0x261: {  	[sflag:s17] =	ssyncset.done $0x0  }
0x262: {  	s26 =	sadd.s32 $0x1C00, s26;
	[sflag:s17] =	ssyncadd.s32 $0xFFFFE000  }
0x263: {  	[tilespmem:s19], [sflag:$0x4] =	stream.linear.gather [hbm4b:s26+s4], $0x2000, $0x38;
	[tilespmem:$0x1C800] =	vst v63  }
0x264: {  	_ = 	snop  }
0x265: {  	[spmem:s3] =	stream.indirect.scatter.add.f32 [tilespmem:s10], [sflag:$0x5], $0x80, s2, s14, $0xb8;
	[tilespmem:$0x1C800] =	vst v63  }
0x266: {  	_ =	swait.ge [sflag:s11], $0x2000  }
0x267: {  	[sflag:s11] =	ssyncset.done $0x0  }
0x268: {  	[sflag:s11] =	ssyncadd.s32 $0xFFFFE000  }
0x269: {  	_ =	swait.ge [sflag:s20], $0x2000  }
0x26a: {  	[sflag:s20] =	ssyncset.done $0x0  }
0x26b: {  	[sflag:s20] =	ssyncadd.s32 $0xFFFFE000  }
0x26c: {  	[spmem:s3] =	stream.indirect.scatter.add.f32 [tilespmem:s15], [sflag:$0x5], $0x80, s0, s14, $0xb8;
	[tilespmem:$0x1C800] =	vst v63  }
0x26d: {  	_ =	swait.ge [sflag:s11], $0x2000  }
0x26e: {  	[sflag:s11] =	ssyncset.done $0x0  }
0x26f: {  	[sflag:s11] =	ssyncadd.s32 $0xFFFFE000  }
0x270: {  	_ =	swait.ge [sflag:s23], $0x2000  }
0x271: {  	[sflag:s23] =	ssyncset.done $0x0  }
0x272: {  	[sflag:s23] =	ssyncadd.s32 $0xFFFFE000  }
0x273: {  	[spmem:s3] =	stream.indirect.scatter.add.f32 [tilespmem:s16], [sflag:$0x5], $0x80, s5, s14, $0xb8;
	[tilespmem:$0x1C800] =	vst v63  }
0x274: {  	_ =	swait.ge [sflag:s11], $0x2000  }
0x275: {  	[sflag:s11] =	ssyncset.done $0x0  }
0x276: {  	[sflag:s11] =	ssyncadd.s32 $0xFFFFE000  }
0x277: {  	p0 =	sne.s32 s8, $0x12000;
	_ =	swait.ge [sflag:s28], $0x2000  }
.Ltmp1:
0x278: {  	[sflag:s28] =	ssyncset.done $0x0;
	(pc) =	sbr.rel @p0 .LBB2_4-.Ltmp1, $4  }
0x279: {  	[sflag:s28] =	ssyncadd.s32 $0xFFFFE000  }
0x27a: {  	[spmem:s3] =	stream.indirect.scatter.add.f32 [tilespmem:s19], [sflag:$0x5], $0x80, s6, s14, $0xb8;
	[tilespmem:$0x1C800] =	vst v63  }
0x27b: {  	_ =	swait.ge [sflag:s11], $0x2000  }
0x27c: {  	s8 =	sadd.s32 $0x2000, s8;
	[sflag:s11] =	ssyncset.done $0x0  }
0x27d: {  	[sflag:s11] =	ssyncadd.s32 $0xFFFFE000  }
0x27e: {  	[bflag:$0x0] =	sbarrier.arrive $0xFFFF  }
0x27f: {  	s7 =	rddreg [dreg:$0x1e]  }
0x280: {  	[tilespmem:s10], [sflag:$0x5] =	stream.linear.gather [spmem:s7], $0x2000, $0x38;
	[tilespmem:$0x1C800] =	vst v63  }
0x281: {  	_ =	swait.ge [sflag:s11], $0x2000  }
0x282: {  	[sflag:s11] =	ssyncset.done $0x0  }
0x283: {  	s8 =	rddreg [dreg:$0x13];
	[sflag:s11] =	ssyncadd.s32 $0xFFFFE000  }
0x284: {  	[hbm4b:s8+s4] =	stream.linear.scatter [tilespmem:s10], [sflag:$0x5], $0x2000, $0x38;
	[tilespmem:$0x1C800] =	vst v63  }
0x285: {  	_ =	swait.ge [sflag:s11], $0x2000  }
0x286: {  	s9 =	sld [smem:$0x7F4]  }
0x287: {  	[sflag:s11] =	ssyncset.done $0x0  }
0x288: {  	[sflag:s11] =	ssyncadd.s32 $0xFFFFE000  }
0x289: {  	[tilespmem:s10], [sflag:$0x5] =	stream.linear.gather [spmem:s9], $0x2000, $0x38;
	[tilespmem:$0x1C800] =	vst v63  }
0x28a: {  	_ =	swait.ge [sflag:s11], $0x2000  }
0x28b: {  	[sflag:s11] =	ssyncset.done $0x0  }
0x28c: {  	s26 =	rddreg [dreg:$0x14];
	[sflag:s11] =	ssyncadd.s32 $0xFFFFE000  }
0x28d: {  	[hbm4b:s26+s4] =	stream.linear.scatter [tilespmem:s10], [sflag:$0x5], $0x2000, $0x38;
	[tilespmem:$0x1C800] =	vst v63  }
0x28e: {  	_ =	swait.ge [sflag:s11], $0x2000  }
0x28f: {  	s8 =	sld [smem:$0x7F5]  }
0x290: {  	[sflag:s11] =	ssyncset.done $0x0  }
0x291: {  	[sflag:s11] =	ssyncadd.s32 $0xFFFFE000  }
0x292: {  	[tilespmem:s10], [sflag:$0x5] =	stream.linear.gather [spmem:s8], $0x2000, $0x38;
	[tilespmem:$0x1C800] =	vst v63  }
0x293: {  	_ =	swait.ge [sflag:s11], $0x2000  }
0x294: {  	[sflag:s11] =	ssyncset.done $0x0  }
0x295: {  	s9 =	rddreg [dreg:$0x15];
	[sflag:s11] =	ssyncadd.s32 $0xFFFFE000  }
0x296: {  	[hbm4b:s9+s4] =	stream.linear.scatter [tilespmem:s10], [sflag:$0x5], $0x2000, $0x38;
	[tilespmem:$0x1C800] =	vst v63  }
0x297: {  	_ =	swait.ge [sflag:s11], $0x2000  }
0x298: {  	s26 =	sld [smem:$0x7F6]  }
0x299: {  	[sflag:s11] =	ssyncset.done $0x0  }
0x29a: {  	[sflag:s11] =	ssyncadd.s32 $0xFFFFE000  }
0x29b: {  	[tilespmem:s10], [sflag:$0x5] =	stream.linear.gather [spmem:s26], $0x2000, $0x38;
	[tilespmem:$0x1C800] =	vst v63  }
0x29c: {  	_ =	swait.ge [sflag:s11], $0x2000  }
0x29d: {  	[sflag:s11] =	ssyncset.done $0x0  }
0x29e: {  	s8 =	rddreg [dreg:$0x16];
	[sflag:s11] =	ssyncadd.s32 $0xFFFFE000  }
0x29f: {  	[hbm4b:s8+s4] =	stream.linear.scatter [tilespmem:s10], [sflag:$0x5], $0x2000, $0x38;
	[tilespmem:$0x1C800] =	vst v63  }
0x2a0: {  	_ =	swait.ge [sflag:s11], $0x2000  }
0x2a1: {  	s9 =	sld [smem:$0x7F7]  }
0x2a2: {  	[sflag:s11] =	ssyncset.done $0x0  }
0x2a3: {  	[sflag:s11] =	ssyncadd.s32 $0xFFFFE000  }
0x2a4: {  	[tilespmem:s10], [sflag:$0x5] =	stream.linear.gather [spmem:s9], $0x2000, $0x38;
	[tilespmem:$0x1C800] =	vst v63  }
0x2a5: {  	_ =	swait.ge [sflag:s11], $0x2000  }
0x2a6: {  	[sflag:s11] =	ssyncset.done $0x0  }
0x2a7: {  	s26 =	rddreg [dreg:$0x17];
	[sflag:s11] =	ssyncadd.s32 $0xFFFFE000  }
0x2a8: {  	[hbm4b:s26+s4] =	stream.linear.scatter [tilespmem:s10], [sflag:$0x5], $0x2000, $0x38;
	[tilespmem:$0x1C800] =	vst v63  }
0x2a9: {  	_ =	swait.ge [sflag:s11], $0x2000  }
0x2aa: {  	s8 =	sld [smem:$0x7F8]  }
0x2ab: {  	[sflag:s11] =	ssyncset.done $0x0  }
0x2ac: {  	[sflag:s11] =	ssyncadd.s32 $0xFFFFE000  }
0x2ad: {  	[tilespmem:s10], [sflag:$0x5] =	stream.linear.gather [spmem:s8], $0x2000, $0x38;
	[tilespmem:$0x1C800] =	vst v63  }
0x2ae: {  	_ =	swait.ge [sflag:s11], $0x2000  }
0x2af: {  	[sflag:s11] =	ssyncset.done $0x0  }
0x2b0: {  	s9 =	rddreg [dreg:$0x18];
	[sflag:s11] =	ssyncadd.s32 $0xFFFFE000  }
0x2b1: {  	[hbm4b:s9+s4] =	stream.linear.scatter [tilespmem:s10], [sflag:$0x5], $0x2000, $0x38;
	[tilespmem:$0x1C800] =	vst v63  }
0x2b2: {  	_ =	swait.ge [sflag:s11], $0x2000  }
0x2b3: {  	s26 =	sld [smem:$0x7F9]  }
0x2b4: {  	[sflag:s11] =	ssyncset.done $0x0  }
0x2b5: {  	[sflag:s11] =	ssyncadd.s32 $0xFFFFE000  }
0x2b6: {  	[tilespmem:s10], [sflag:$0x5] =	stream.linear.gather [spmem:s26], $0x2000, $0x38;
	[tilespmem:$0x1C800] =	vst v63  }
0x2b7: {  	_ =	swait.ge [sflag:s11], $0x2000  }
0x2b8: {  	[sflag:s11] =	ssyncset.done $0x0  }
0x2b9: {  	s8 =	rddreg [dreg:$0x19];
	[sflag:s11] =	ssyncadd.s32 $0xFFFFE000  }
0x2ba: {  	[hbm4b:s8+s4] =	stream.linear.scatter [tilespmem:s10], [sflag:$0x5], $0x2000, $0x38;
	[tilespmem:$0x1C800] =	vst v63  }
0x2bb: {  	_ =	swait.ge [sflag:s11], $0x2000  }
0x2bc: {  	s9 =	sld [smem:$0x7FA]  }
0x2bd: {  	[sflag:s11] =	ssyncset.done $0x0  }
0x2be: {  	[sflag:s11] =	ssyncadd.s32 $0xFFFFE000  }
0x2bf: {  	[tilespmem:s10], [sflag:$0x5] =	stream.linear.gather [spmem:s9], $0x2000, $0x38;
	[tilespmem:$0x1C800] =	vst v63  }
0x2c0: {  	_ =	swait.ge [sflag:s11], $0x2000  }
0x2c1: {  	[sflag:s11] =	ssyncset.done $0x0  }
0x2c2: {  	s26 =	rddreg [dreg:$0x1a];
	[sflag:s11] =	ssyncadd.s32 $0xFFFFE000  }
0x2c3: {  	[hbm4b:s26+s4] =	stream.linear.scatter [tilespmem:s10], [sflag:$0x5], $0x2000, $0x38;
	[tilespmem:$0x1C800] =	vst v63  }
0x2c4: {  	_ =	swait.ge [sflag:s11], $0x2000  }
0x2c5: {  	s26 =	sld [smem:$0x7FC]  }
0x2c6: {  	[sflag:s11] =	ssyncset.done $0x0  }
0x2c7: {  	[sflag:s11] =	ssyncadd.s32 $0xFFFFE000  }
0x2c8: {  	[tilespmem:s10], [sflag:$0x5] =	stream.linear.gather [spmem:s26], $0x2000, $0x38;
	[tilespmem:$0x1C800] =	vst v63  }
0x2c9: {  	_ =	swait.ge [sflag:s11], $0x2000  }
0x2ca: {  	[sflag:s11] =	ssyncset.done $0x0  }
0x2cb: {  	s8 =	rddreg [dreg:$0x1b];
	[sflag:s11] =	ssyncadd.s32 $0xFFFFE000  }
0x2cc: {  	[hbm4b:s8+s4] =	stream.linear.scatter [tilespmem:s10], [sflag:$0x5], $0x2000, $0x38;
	[tilespmem:$0x1C800] =	vst v63  }
0x2cd: {  	_ =	swait.ge [sflag:s11], $0x2000  }
0x2ce: {  	s8 =	sld [smem:$0x7FD]  }
0x2cf: {  	[sflag:s11] =	ssyncset.done $0x0  }
0x2d0: {  	[sflag:s11] =	ssyncadd.s32 $0xFFFFE000  }
0x2d1: {  	[tilespmem:s10], [sflag:$0x5] =	stream.linear.gather [spmem:s8], $0x2000, $0x38;
	[tilespmem:$0x1C800] =	vst v63  }
0x2d2: {  	_ =	swait.ge [sflag:s11], $0x2000  }
0x2d3: {  	[sflag:s11] =	ssyncset.done $0x0  }
0x2d4: {  	s9 =	rddreg [dreg:$0x1c];
	[sflag:s11] =	ssyncadd.s32 $0xFFFFE000  }
0x2d5: {  	[hbm4b:s9+s4] =	stream.linear.scatter [tilespmem:s10], [sflag:$0x5], $0x2000, $0x38;
	[tilespmem:$0x1C800] =	vst v63  }
0x2d6: {  	_ =	swait.ge [sflag:s11], $0x2000  }
0x2d7: {  	s9 =	sld [smem:$0x7FB]  }
0x2d8: {  	s7 =	sld [smem:$0x7F3];
	_ =	sdelay $0x1  }
0x2d9: {  	s9 =	sadd.s32 $0x1, s9  }
0x2da: {  	p0 =	sne.s32 s9, s7  }
.Ltmp2:
0x2db: {  	_ = 	snop;
	(pc) =	sbr.rel @p0 .LBB2_1-.Ltmp2, $3  }
0x2dc: {  	_ =	sdelay $0x1  }
0x2dd: {  	[sflag:s11] =	ssyncset.done $0x0;
	[smem:$0x7FB] =	sst s9  }
0x2de: {  	[sflag:s11] =	ssyncadd.s32 $0xFFFFE000;
	s9 =	rddreg [dreg:$0x1e]  }
0x2df: {  	_ =	sfence.sel $0x180000  }
0x2e0: {  	[bflag:$0x0] =	sbarrier.arrive $0xFFFF  }
0x2e1: {  	_ =	strace $0x90000047  }
0x2e2: {  	s0 =	stileid.u32;
	[bflag:$0x2] =	sbarrier.arrive $0xFFFF  }
0x2e3: {  	p0 =	sne.s32 s0, $0x0;
	s0 =	rddreg [dreg:$0x3]  }
0x2e4: {  	s0 =	sadd.s32 @!p0 $0x100000, s0  }
0x2e5: {  	[sflag:s0] =	ssyncadd.tile.s32 @!p0 $0x1;
	_ =	shalt  }
.Lfunc_end2:
_tile_overlayer_lowered:
.L_overlay_start_2:
0x2e6: {  	(tag) =	ssettag $0x2  }
0x2e7: {  	s0 =	rddreg [dreg:$0x0];
	s2 =	stileid.u32  }
0x2e8: {  	s1 =	rddreg [dreg:$0x1];
	p0 =	sne.s32 s2, $0x0  }
0x2e9: {  	s3 =	rddreg [dreg:$0x2];
	[bflag:$0x3] =	sbarrier.arrive $0xFFFF;
	s2 =	simm.s32 @!p0 $0x1C05  }
0x2ea: {  	[timem:s3], [sflag:s2] =	dma.local @!p0 [hbm:s0], s1  }
0x2eb: {  	s0 =	simm.s32 @!p0 $0x5  }
0x2ec: {  	_ =	swait.ge @!p0 [sflag:s0], s1  }
0x2ed: {  	s1 =	ssub.s32 @!p0 $0x0, s1;
	[sflag:s0] =	ssyncset.done @!p0 $0x0  }
0x2ee: {  	[sflag:s0] =	ssyncadd.s32 @!p0 s1  }
0x2ef: {  	[bflag:$0x3] =	sbarrier.arrive $0xFFFF  }
0x2f0: {  	_ =	shalt  }

</sc_bundles>
